<compile_context>
chip_gen: v7x
topology: tpu7x:2x2x1
jax: 0.10.2.dev20260603
libtpu: 0.0.44.dev20260713+nightly
codegen_flags: <defaults>
</compile_context>

<pallas_src>
import jax
import jax.numpy as jnp
from jax import lax
from jax.experimental import pallas as pl
from jax.experimental.pallas import tpu as pltpu
from jax.experimental.pallas import tpu_sc as plsc

L = 10
LL = 5
SL = L - LL
KNB = 4
F = 16
C = 128
TAB = 4096
NC, NS = 2, 16
NW = NC * NS


def _make_sc_call(n_points):
    assert n_points % 8 == 0 and n_points % F == 0 and n_points >= C
    n_chunks = -(-n_points // C)
    iters = -(-n_chunks // NW)
    last_base = n_points - C

    mesh = plsc.VectorSubcoreMesh(core_axis_name="c", subcore_axis_name="s")

    def body(idx_hbm, w_hbm, table_hbm, out_hbm,
             idx_v, w_v, tab_v, rows_v, acc_v, sem_in, sem_g):
        wid = lax.axis_index("s") * NC + lax.axis_index("c")
        lanes = lax.iota(jnp.int32, F) * L
        iota = lax.iota(jnp.int32, F)

        pltpu.sync_copy(table_hbm.at[pl.ds(0, TAB)], tab_v)

        def stage(k, par):
            base = jnp.minimum(k * C, last_base)
            pltpu.async_copy(idx_hbm.at[:, :, pl.ds(base, C)],
                             idx_v.at[par], sem_in)
            pltpu.async_copy(w_hbm.at[:, :, pl.ds(base, C)],
                             w_v.at[par], sem_in)

        stage(wid, 0)

        def chunk_work(t, k, par):
            base = jnp.minimum(k * C, last_base)
            pltpu.make_async_copy(
                idx_hbm.at[:, :, pl.ds(0, C)], idx_v.at[par], sem_in).wait()
            pltpu.make_async_copy(
                w_hbm.at[:, :, pl.ds(0, C)], w_v.at[par], sem_in).wait()

            nk = k + NW
            @pl.when(nk < n_chunks)
            def _prefetch():
                stage(nk, 1 - par)

            def fire(l):
                buf = (l % 2) * KNB * C
                for j in range(KNB):
                    pltpu.async_copy(
                        table_hbm.at[idx_v.at[par, l, j, pl.ds(0, C)]],
                        rows_v.at[pl.ds(buf + j * C, C)], sem_g)

            def combine_streamed(lp, buf):
                lane_l = lanes + lp

                def grp_body(g, carry3):
                    n0 = g * F
                    wv = [w_v[par, lp, j, pl.ds(n0, F)] for j in range(KNB)]
                    for i in range(F):
                        nn = n0 + i
                        acc = rows_v[buf + 0 * C + nn] * wv[0][i]
                        acc = acc + rows_v[buf + 1 * C + nn] * wv[1][i]
                        acc = acc + rows_v[buf + 2 * C + nn] * wv[2][i]
                        acc = acc + rows_v[buf + 3 * C + nn] * wv[3][i]
                        plsc.store_scatter(
                            acc_v,
                            [jnp.full((F,), nn, jnp.int32), lane_l], acc)
                    return carry3

                lax.fori_loop(0, C // F, grp_body, 0)

            def level_body(ls, carry2):
                @pl.when(ls < SL)
                def _fire():
                    fire(LL + ls)

                @pl.when(ls < LL)
                def _local():
                    def lgrp_body(g, carry3):
                        n0 = g * F
                        rowsel = n0 + iota
                        rv = [idx_v[par, ls, j, pl.ds(n0, F)]
                              for j in range(KNB)]
                        wv = [w_v[par, ls, j, pl.ds(n0, F)]
                              for j in range(KNB)]
                        for f in range(F):
                            colf = jnp.full((F,), f, jnp.int32)
                            gj = [plsc.load_gather(tab_v, [rv[j], colf])
                                  for j in range(KNB)]
                            accv = gj[0] * wv[0]
                            accv = accv + gj[1] * wv[1]
                            accv = accv + gj[2] * wv[2]
                            accv = accv + gj[3] * wv[3]
                            plsc.store_scatter(
                                acc_v,
                                [rowsel,
                                 jnp.full((F,), f * L, jnp.int32) + ls],
                                accv)
                        return carry3

                    lax.fori_loop(0, C // F, lgrp_body, 0)

                @pl.when(ls > 0)
                def _stream():
                    lp = LL + ls - 1
                    buf = (lp % 2) * KNB * C
                    pltpu.make_async_copy(
                        table_hbm.at[pl.ds(0, KNB * C)],
                        rows_v.at[pl.ds(buf, KNB * C)], sem_g).wait()
                    combine_streamed(lp, buf)
                return carry2

            lax.fori_loop(0, SL + 1, level_body, 0)
            pltpu.sync_copy(acc_v, out_hbm.at[pl.ds(base, C)])

        def chunk_body(t, carry):
            k = t * NW + wid

            @pl.when(k < n_chunks)
            def _go():
                chunk_work(t, k, t % 2)
            return carry

        lax.fori_loop(0, iters, chunk_body, 0)

    return pl.kernel(
        body,
        out_type=jax.ShapeDtypeStruct((n_points, F * L), jnp.float32),
        mesh=mesh,
        compiler_params=pltpu.CompilerParams(
            needs_layout_passes=False, use_tc_tiling_on_sc=False),
        scratch_types=[
            pltpu.VMEM((2, L, KNB, C), jnp.int32),
            pltpu.VMEM((2, L, KNB, C), jnp.float32),
            pltpu.VMEM((TAB, F), jnp.float32),
            pltpu.VMEM((2 * KNB * C, F), jnp.float32),
            pltpu.VMEM((C, F * L), jnp.float32),
            pltpu.SemaphoreType.DMA,
            pltpu.SemaphoreType.DMA,
        ],
    )


def kernel(x, params, neigh_pix, neigh_weight):
    n = x.shape[0]
    run = _make_sc_call(n)
    return run(neigh_pix, neigh_weight, params)

# --- scband reference (transcript-rebuilt; emitter-appended) ---
"""Pipeline reference for scband-inp-heal-encoding-33938831573235 (READ-ONLY COPY).

The authoritative reference and input builder live on the scoring server;
editing this copy changes nothing except your own understanding.
"""

import jax, jax.numpy as jnp
import numpy as np

N_LEVELS = 10
F = 16
N = 100000

def _level_npix(i):
    return 12 * (4 ** i)

def _all_level_npix(n_levels):
    return sum(_level_npix(i) for i in range(n_levels))

def setup_inputs(seed: int = 0) -> dict:
    key = jax.random.key(seed)
    kx, kp = jax.random.split(key)
    x = jax.random.uniform(kx, (N, 2), dtype=jnp.float32)  # (theta, phi) in radians-ish
    all_npix = _all_level_npix(N_LEVELS)
    # params ~ Normal(mean=init_a=-0.1, std=init_b=0.1) as in module init
    params = (-0.1 + 0.1 * jax.random.normal(kp, (all_npix, F))).astype(jnp.float32)
    # healpy get_interp_weights runs on CPU numpy in the original module (detached,
    # non-differentiable). We precompute the 4 neighbor pixels + bilinear weights per
    # level here; indices are pre-offset into the concatenated multi-level table so
    # that params[pix] == params[start:end][local_pix].
    rng = np.random.default_rng(0)
    pix_list, w_list = [], []
    start = 0
    for i in range(N_LEVELS):
        npix = _level_npix(i)
        pix = rng.integers(0, npix, size=(4, N), dtype=np.int64) + start
        w = rng.random((4, N)).astype(np.float32)
        w = w / w.sum(axis=0, keepdims=True)
        pix_list.append(pix)
        w_list.append(w)
        start += npix
    neigh_pix = jnp.asarray(np.stack(pix_list, axis=0), dtype=jnp.int32)      # [L, 4, N]
    neigh_weight = jnp.asarray(np.stack(w_list, axis=0), dtype=jnp.float32)   # [L, 4, N]
    return {"x": x, "params": params, "neigh_pix": neigh_pix, "neigh_weight": neigh_weight}

def reference(x, params, neigh_pix, neigh_weight):
    all_level_reps = []
    for i in range(N_LEVELS):
        # gather 4 neighbor rows per query point at this level
        g = jnp.take(params, neigh_pix[i].reshape(-1), axis=0)   # [4*N, F]
        g = g.reshape(4, -1, F)                                   # [4, N, F]
        w = neigh_weight[i][..., None]                            # [4, N, 1]
        rep = (g * w).sum(axis=0)                                 # [N, F]
        all_level_reps.append(rep)
    out = jnp.stack(all_level_reps, axis=-1)                      # [N, F, L]
    out = out.reshape(x.shape[0], -1)                             # [N, F*L]
    return out.astype(jnp.float32)

if __name__ == "__main__":
    import jax
    _d = setup_inputs()
    print(jax.jit(kernel)(*tuple(_d.values())))

</pallas_src>

<mosaic_0001>
#map = affine_map<(d0, d1) -> (0, 0, 0)>
#map1 = affine_map<(d0, d1) -> (0, 0)>
module attributes {stable_mosaic.version = 14 : i64} {
  func.func @body(%arg0: i32, %arg1: i32, %arg2: memref<10x4x100000xi32, #tpu.memory_space<hbm>>, %arg3: memref<10x4x100000xf32, #tpu.memory_space<hbm>>, %arg4: memref<4194300x16xf32, #tpu.memory_space<hbm>>, %arg5: memref<100000x160xf32, #tpu.memory_space<hbm>>, %arg6: memref<2x10x4x128xi32, #tpu.memory_space<vmem>>, %arg7: memref<2x10x4x128xf32, #tpu.memory_space<vmem>>, %arg8: memref<4096x16xf32, #tpu.memory_space<vmem>>, %arg9: memref<1024x16xf32, #tpu.memory_space<vmem>>, %arg10: memref<128x160xf32, #tpu.memory_space<vmem>>, %arg11: memref<!tpu.dma_semaphore, #tpu.memory_space<semaphore_mem>>, %arg12: memref<!tpu.dma_semaphore, #tpu.memory_space<semaphore_mem>>) attributes {dimension_semantics = [#tpu.dimension_semantics<core_parallel>, #tpu.dimension_semantics<subcore_parallel>], iteration_bounds = array<i64: 2, 16>, scalar_prefetch = 0 : i64, scratch_operands = 7 : i64, tpu.core_type = #tpu.core_type<sc_vector_subcore>, window_params = [{transform_indices = #map}, {transform_indices = #map}, {transform_indices = #map1}, {transform_indices = #map1}]} {
    %mul3A = arith.constant 2 : i32
    %mul3A_0 = arith.muli %arg1, %mul3A : i32
    %add3A = arith.addi %mul3A_0, %arg0 : i32
    %iota3A = tpu.iota {dimensions = array<i32: 0>} : vector<16xi32>
    %mul3A_1 = arith.constant 10 : i32
    %mul3A_2 = vector.broadcast %mul3A_1 : i32 to vector<16xi32>
    %mul3A_3 = arith.muli %iota3A, %mul3A_2 : vector<16xi32>
    %iota3A_4 = tpu.iota {dimensions = array<i32: 0>} : vector<16xi32>
    "tpu.region"() ({
      %run_scoped3A = tpu.sem_alloc : memref<!tpu.dma_semaphore, #tpu.memory_space<semaphore_mem>>
      %dma_start3A_46 = arith.constant 0 : i32
      %dma_start3A_47 = arith.constant 0 : i32
      %dma_start3A_48 = tpu.memref_slice %arg4[%dma_start3A_46, %dma_start3A_47] : memref<4194300x16xf32, #tpu.memory_space<hbm>> -> memref<4096x16xf32, #tpu.memory_space<hbm>>
      %dma_start3A_49 = arith.constant 0 : i32
      %dma_start3A_50 = arith.constant 0 : i32
      %dma_start3A_51 = tpu.memref_slice %arg4[%dma_start3A_49, %dma_start3A_50] : memref<4194300x16xf32, #tpu.memory_space<hbm>> -> memref<4096x16xf32, #tpu.memory_space<hbm>>
      tpu.enqueue_dma source(%dma_start3A_51 : memref<4096x16xf32, #tpu.memory_space<hbm>>) target(%arg8 : memref<4096x16xf32, #tpu.memory_space<vmem>>) target_semaphore(%run_scoped3A : memref<!tpu.dma_semaphore, #tpu.memory_space<semaphore_mem>>)
      %dma_wait3A = arith.constant 0 : i32
      %dma_wait3A_52 = arith.constant 0 : i32
      %dma_wait3A_53 = tpu.memref_slice %arg4[%dma_wait3A, %dma_wait3A_52] : memref<4194300x16xf32, #tpu.memory_space<hbm>> -> memref<4096x16xf32, #tpu.memory_space<hbm>>
      %dma_wait3A_54 = arith.constant 0 : i32
      %dma_wait3A_55 = arith.constant 0 : i32
      %dma_wait3A_56 = tpu.memref_slice %arg4[%dma_wait3A_54, %dma_wait3A_55] : memref<4194300x16xf32, #tpu.memory_space<hbm>> -> memref<4096x16xf32, #tpu.memory_space<hbm>>
      tpu.wait_dma2 semaphore(%run_scoped3A : memref<!tpu.dma_semaphore, #tpu.memory_space<semaphore_mem>>) src(%dma_wait3A_56 : memref<4096x16xf32, #tpu.memory_space<hbm>>) dst(%arg8 : memref<4096x16xf32, #tpu.memory_space<vmem>>)
      tpu.yield
    }) : () -> ()
    %mul3A_5 = arith.constant 128 : i32
    %mul3A_6 = arith.muli %add3A, %mul3A_5 : i32
    %min3A = arith.constant 99872 : i32
    %min3A_7 = arith.minsi %mul3A_6, %min3A : i32
    %dma_start3A = arith.constant 0 : i32
    %dma_start3A_8 = arith.constant 0 : i32
    %dma_start3A_9 = arith.constant 0 : i32
    %dma_start3A_10 = arith.constant 0 : i32
    %dma_start3A_11 = tpu.memref_slice %arg6[%dma_start3A, %dma_start3A_8, %dma_start3A_9, %dma_start3A_10] : memref<2x10x4x128xi32, #tpu.memory_space<vmem>> -> memref<1x10x4x128xi32, #tpu.memory_space<vmem>>
    %dma_start3A_12 = tpu.memref_squeeze %dma_start3A_11 : memref<1x10x4x128xi32, #tpu.memory_space<vmem>> -> memref<10x4x128xi32, #tpu.memory_space<vmem>>
    %dma_start3A_13 = arith.constant 0 : i32
    %dma_start3A_14 = arith.constant 0 : i32
    %dma_start3A_15 = tpu.memref_slice %arg2[%dma_start3A_13, %dma_start3A_14, %min3A_7] : memref<10x4x100000xi32, #tpu.memory_space<hbm>> -> memref<10x4x128xi32, #tpu.memory_space<hbm>>
    %dma_start3A_16 = arith.constant 0 : i32
    %dma_start3A_17 = arith.constant 0 : i32
    %dma_start3A_18 = arith.constant 0 : i32
    %dma_start3A_19 = tpu.memref_slice %arg6[%dma_start3A, %dma_start3A_16, %dma_start3A_17, %dma_start3A_18] : memref<2x10x4x128xi32, #tpu.memory_space<vmem>> -> memref<1x10x4x128xi32, #tpu.memory_space<vmem>>
    %dma_start3A_20 = tpu.memref_squeeze %dma_start3A_19 : memref<1x10x4x128xi32, #tpu.memory_space<vmem>> -> memref<10x4x128xi32, #tpu.memory_space<vmem>>
    %dma_start3A_21 = arith.constant 0 : i32
    %dma_start3A_22 = arith.constant 0 : i32
    %dma_start3A_23 = tpu.memref_slice %arg2[%dma_start3A_21, %dma_start3A_22, %min3A_7] : memref<10x4x100000xi32, #tpu.memory_space<hbm>> -> memref<10x4x128xi32, #tpu.memory_space<hbm>>
    tpu.enqueue_dma source(%dma_start3A_23 : memref<10x4x128xi32, #tpu.memory_space<hbm>>) target(%dma_start3A_20 : memref<10x4x128xi32, #tpu.memory_space<vmem>>) target_semaphore(%arg11 : memref<!tpu.dma_semaphore, #tpu.memory_space<semaphore_mem>>)
    %dma_start3A_24 = arith.constant 0 : i32
    %dma_start3A_25 = arith.constant 0 : i32
    %dma_start3A_26 = arith.constant 0 : i32
    %dma_start3A_27 = arith.constant 0 : i32
    %dma_start3A_28 = tpu.memref_slice %arg7[%dma_start3A_24, %dma_start3A_25, %dma_start3A_26, %dma_start3A_27] : memref<2x10x4x128xf32, #tpu.memory_space<vmem>> -> memref<1x10x4x128xf32, #tpu.memory_space<vmem>>
    %dma_start3A_29 = tpu.memref_squeeze %dma_start3A_28 : memref<1x10x4x128xf32, #tpu.memory_space<vmem>> -> memref<10x4x128xf32, #tpu.memory_space<vmem>>
    %dma_start3A_30 = arith.constant 0 : i32
    %dma_start3A_31 = arith.constant 0 : i32
    %dma_start3A_32 = tpu.memref_slice %arg3[%dma_start3A_30, %dma_start3A_31, %min3A_7] : memref<10x4x100000xf32, #tpu.memory_space<hbm>> -> memref<10x4x128xf32, #tpu.memory_space<hbm>>
    %dma_start3A_33 = arith.constant 0 : i32
    %dma_start3A_34 = arith.constant 0 : i32
    %dma_start3A_35 = arith.constant 0 : i32
    %dma_start3A_36 = tpu.memref_slice %arg7[%dma_start3A_24, %dma_start3A_33, %dma_start3A_34, %dma_start3A_35] : memref<2x10x4x128xf32, #tpu.memory_space<vmem>> -> memref<1x10x4x128xf32, #tpu.memory_space<vmem>>
    %dma_start3A_37 = tpu.memref_squeeze %dma_start3A_36 : memref<1x10x4x128xf32, #tpu.memory_space<vmem>> -> memref<10x4x128xf32, #tpu.memory_space<vmem>>
    %dma_start3A_38 = arith.constant 0 : i32
    %dma_start3A_39 = arith.constant 0 : i32
    %dma_start3A_40 = tpu.memref_slice %arg3[%dma_start3A_38, %dma_start3A_39, %min3A_7] : memref<10x4x100000xf32, #tpu.memory_space<hbm>> -> memref<10x4x128xf32, #tpu.memory_space<hbm>>
    tpu.enqueue_dma source(%dma_start3A_40 : memref<10x4x128xf32, #tpu.memory_space<hbm>>) target(%dma_start3A_37 : memref<10x4x128xf32, #tpu.memory_space<vmem>>) target_semaphore(%arg11 : memref<!tpu.dma_semaphore, #tpu.memory_space<semaphore_mem>>)
    %scan3A = arith.constant 0 : i32
    %scan3A_41 = arith.constant 0 : i32
    %scan3A_42 = arith.constant 25 : i32
    %scan3A_43 = arith.addi %scan3A_41, %scan3A_42 : i32
    %scan3A_44 = arith.constant 1 : i32
    scf.for %scan3A_46 = %scan3A_41 to %scan3A_43 step %scan3A_44  : i32 {
      %mul3A_47 = arith.constant 32 : i32
      %mul3A_48 = arith.muli %scan3A_46, %mul3A_47 : i32
      %add3A_49 = arith.addi %mul3A_48, %add3A : i32
      %lt3A = arith.constant 782 : i32
      %lt3A_50 = arith.cmpi slt, %add3A_49, %lt3A : i32
      %convert_element_type3A = arith.extui %lt3A_50 : i1 to i32
      %cond3A = arith.constant 0 : i32
      %cond3A_51 = arith.cmpi ne, %convert_element_type3A, %cond3A : i32
      scf.if %cond3A_51 {
        %jit3A = arith.constant 2 : i32
        %eq3A = arith.constant 0 : i32
        %eq3A_52 = arith.cmpi eq, %jit3A, %eq3A : i32
        %jit3A_53 = arith.constant 1 : i32
        %select_n3A = arith.select %eq3A_52, %jit3A_53, %jit3A : i32
        %rem3A = arith.remsi %scan3A_46, %select_n3A : i32
        %ne3A = arith.constant 0 : i32
        %ne3A_54 = arith.cmpi ne, %rem3A, %ne3A : i32
        %lt3A_55 = arith.constant 0 : i32
        %lt3A_56 = arith.cmpi slt, %rem3A, %lt3A_55 : i32
        %lt3A_57 = arith.constant 0 : i32
        %lt3A_58 = arith.cmpi slt, %select_n3A, %lt3A_57 : i32
        %ne3A_59 = arith.xori %lt3A_56, %lt3A_58 : i1
        %and3A = arith.andi %ne3A_59, %ne3A_54 : i1
        %add3A_60 = arith.addi %rem3A, %select_n3A : i32
        %select_n3A_61 = arith.select %and3A, %add3A_60, %rem3A : i32
        %mul3A_62 = arith.constant 128 : i32
        %mul3A_63 = arith.muli %add3A_49, %mul3A_62 : i32
        %min3A_64 = arith.constant 99872 : i32
        %min3A_65 = arith.minsi %mul3A_63, %min3A_64 : i32
        %dma_wait3A = arith.constant 0 : i32
        %dma_wait3A_66 = arith.constant 0 : i32
        %dma_wait3A_67 = arith.constant 0 : i32
        %dma_wait3A_68 = tpu.memref_slice %arg6[%select_n3A_61, %dma_wait3A, %dma_wait3A_66, %dma_wait3A_67] : memref<2x10x4x128xi32, #tpu.memory_space<vmem>> -> memref<1x10x4x128xi32, #tpu.memory_space<vmem>>
        %dma_wait3A_69 = tpu.memref_squeeze %dma_wait3A_68 : memref<1x10x4x128xi32, #tpu.memory_space<vmem>> -> memref<10x4x128xi32, #tpu.memory_space<vmem>>
        %dma_wait3A_70 = arith.constant 0 : i32
        %dma_wait3A_71 = arith.constant 0 : i32
        %dma_wait3A_72 = arith.constant 0 : i32
        %dma_wait3A_73 = tpu.memref_slice %arg2[%dma_wait3A_70, %dma_wait3A_71, %dma_wait3A_72] : memref<10x4x100000xi32, #tpu.memory_space<hbm>> -> memref<10x4x128xi32, #tpu.memory_space<hbm>>
        %dma_wait3A_74 = arith.constant 0 : i32
        %dma_wait3A_75 = arith.constant 0 : i32
        %dma_wait3A_76 = arith.constant 0 : i32
        %dma_wait3A_77 = tpu.memref_slice %arg6[%select_n3A_61, %dma_wait3A_74, %dma_wait3A_75, %dma_wait3A_76] : memref<2x10x4x128xi32, #tpu.memory_space<vmem>> -> memref<1x10x4x128xi32, #tpu.memory_space<vmem>>
        %dma_wait3A_78 = tpu.memref_squeeze %dma_wait3A_77 : memref<1x10x4x128xi32, #tpu.memory_space<vmem>> -> memref<10x4x128xi32, #tpu.memory_space<vmem>>
        %dma_wait3A_79 = arith.constant 0 : i32
        %dma_wait3A_80 = arith.constant 0 : i32
        %dma_wait3A_81 = arith.constant 0 : i32
        %dma_wait3A_82 = tpu.memref_slice %arg2[%dma_wait3A_79, %dma_wait3A_80, %dma_wait3A_81] : memref<10x4x100000xi32, #tpu.memory_space<hbm>> -> memref<10x4x128xi32, #tpu.memory_space<hbm>>
        tpu.wait_dma2 semaphore(%arg11 : memref<!tpu.dma_semaphore, #tpu.memory_space<semaphore_mem>>) src(%dma_wait3A_82 : memref<10x4x128xi32, #tpu.memory_space<hbm>>) dst(%dma_wait3A_78 : memref<10x4x128xi32, #tpu.memory_space<vmem>>)
        %dma_wait3A_83 = arith.constant 0 : i32
        %dma_wait3A_84 = arith.constant 0 : i32
        %dma_wait3A_85 = arith.constant 0 : i32
        %dma_wait3A_86 = tpu.memref_slice %arg7[%select_n3A_61, %dma_wait3A_83, %dma_wait3A_84, %dma_wait3A_85] : memref<2x10x4x128xf32, #tpu.memory_space<vmem>> -> memref<1x10x4x128xf32, #tpu.memory_space<vmem>>
        %dma_wait3A_87 = tpu.memref_squeeze %dma_wait3A_86 : memref<1x10x4x128xf32, #tpu.memory_space<vmem>> -> memref<10x4x128xf32, #tpu.memory_space<vmem>>
        %dma_wait3A_88 = arith.constant 0 : i32
        %dma_wait3A_89 = arith.constant 0 : i32
        %dma_wait3A_90 = arith.constant 0 : i32
        %dma_wait3A_91 = tpu.memref_slice %arg3[%dma_wait3A_88, %dma_wait3A_89, %dma_wait3A_90] : memref<10x4x100000xf32, #tpu.memory_space<hbm>> -> memref<10x4x128xf32, #tpu.memory_space<hbm>>
        %dma_wait3A_92 = arith.constant 0 : i32
        %dma_wait3A_93 = arith.constant 0 : i32
        %dma_wait3A_94 = arith.constant 0 : i32
        %dma_wait3A_95 = tpu.memref_slice %arg7[%select_n3A_61, %dma_wait3A_92, %dma_wait3A_93, %dma_wait3A_94] : memref<2x10x4x128xf32, #tpu.memory_space<vmem>> -> memref<1x10x4x128xf32, #tpu.memory_space<vmem>>
        %dma_wait3A_96 = tpu.memref_squeeze %dma_wait3A_95 : memref<1x10x4x128xf32, #tpu.memory_space<vmem>> -> memref<10x4x128xf32, #tpu.memory_space<vmem>>
        %dma_wait3A_97 = arith.constant 0 : i32
        %dma_wait3A_98 = arith.constant 0 : i32
        %dma_wait3A_99 = arith.constant 0 : i32
        %dma_wait3A_100 = tpu.memref_slice %arg3[%dma_wait3A_97, %dma_wait3A_98, %dma_wait3A_99] : memref<10x4x100000xf32, #tpu.memory_space<hbm>> -> memref<10x4x128xf32, #tpu.memory_space<hbm>>
        tpu.wait_dma2 semaphore(%arg11 : memref<!tpu.dma_semaphore, #tpu.memory_space<semaphore_mem>>) src(%dma_wait3A_100 : memref<10x4x128xf32, #tpu.memory_space<hbm>>) dst(%dma_wait3A_96 : memref<10x4x128xf32, #tpu.memory_space<vmem>>)
        %add3A_101 = arith.constant 32 : i32
        %add3A_102 = arith.addi %add3A_49, %add3A_101 : i32
        %lt3A_103 = arith.constant 782 : i32
        %lt3A_104 = arith.cmpi slt, %add3A_102, %lt3A_103 : i32
        %convert_element_type3A_105 = arith.extui %lt3A_104 : i1 to i32
        %cond3A_106 = arith.constant 0 : i32
        %cond3A_107 = arith.cmpi ne, %convert_element_type3A_105, %cond3A_106 : i32
        scf.if %cond3A_107 {
          %sub3A = arith.constant 1 : i32
          %sub3A_114 = arith.subi %sub3A, %select_n3A_61 : i32
          %mul3A_115 = arith.constant 128 : i32
          %mul3A_116 = arith.muli %add3A_102, %mul3A_115 : i32
          %min3A_117 = arith.constant 99872 : i32
          %min3A_118 = arith.minsi %mul3A_116, %min3A_117 : i32
          %dma_start3A_119 = arith.constant 0 : i32
          %dma_start3A_120 = arith.constant 0 : i32
          %dma_start3A_121 = arith.constant 0 : i32
          %dma_start3A_122 = tpu.memref_slice %arg6[%sub3A_114, %dma_start3A_119, %dma_start3A_120, %dma_start3A_121] : memref<2x10x4x128xi32, #tpu.memory_space<vmem>> -> memref<1x10x4x128xi32, #tpu.memory_space<vmem>>
          %dma_start3A_123 = tpu.memref_squeeze %dma_start3A_122 : memref<1x10x4x128xi32, #tpu.memory_space<vmem>> -> memref<10x4x128xi32, #tpu.memory_space<vmem>>
          %dma_start3A_124 = arith.constant 0 : i32
          %dma_start3A_125 = arith.constant 0 : i32
          %dma_start3A_126 = tpu.memref_slice %arg2[%dma_start3A_124, %dma_start3A_125, %min3A_118] : memref<10x4x100000xi32, #tpu.memory_space<hbm>> -> memref<10x4x128xi32, #tpu.memory_space<hbm>>
          %dma_start3A_127 = arith.constant 0 : i32
          %dma_start3A_128 = arith.constant 0 : i32
          %dma_start3A_129 = arith.constant 0 : i32
          %dma_start3A_130 = tpu.memref_slice %arg6[%sub3A_114, %dma_start3A_127, %dma_start3A_128, %dma_start3A_129] : memref<2x10x4x128xi32, #tpu.memory_space<vmem>> -> memref<1x10x4x128xi32, #tpu.memory_space<vmem>>
          %dma_start3A_131 = tpu.memref_squeeze %dma_start3A_130 : memref<1x10x4x128xi32, #tpu.memory_space<vmem>> -> memref<10x4x128xi32, #tpu.memory_space<vmem>>
          %dma_start3A_132 = arith.constant 0 : i32
          %dma_start3A_133 = arith.constant 0 : i32
          %dma_start3A_134 = tpu.memref_slice %arg2[%dma_start3A_132, %dma_start3A_133, %min3A_118] : memref<10x4x100000xi32, #tpu.memory_space<hbm>> -> memref<10x4x128xi32, #tpu.memory_space<hbm>>
          tpu.enqueue_dma source(%dma_start3A_134 : memref<10x4x128xi32, #tpu.memory_space<hbm>>) target(%dma_start3A_131 : memref<10x4x128xi32, #tpu.memory_space<vmem>>) target_semaphore(%arg11 : memref<!tpu.dma_semaphore, #tpu.memory_space<semaphore_mem>>)
          %dma_start3A_135 = arith.constant 0 : i32
          %dma_start3A_136 = arith.constant 0 : i32
          %dma_start3A_137 = arith.constant 0 : i32
          %dma_start3A_138 = tpu.memref_slice %arg7[%sub3A_114, %dma_start3A_135, %dma_start3A_136, %dma_start3A_137] : memref<2x10x4x128xf32, #tpu.memory_space<vmem>> -> memref<1x10x4x128xf32, #tpu.memory_space<vmem>>
          %dma_start3A_139 = tpu.memref_squeeze %dma_start3A_138 : memref<1x10x4x128xf32, #tpu.memory_space<vmem>> -> memref<10x4x128xf32, #tpu.memory_space<vmem>>
          %dma_start3A_140 = arith.constant 0 : i32
          %dma_start3A_141 = arith.constant 0 : i32
          %dma_start3A_142 = tpu.memref_slice %arg3[%dma_start3A_140, %dma_start3A_141, %min3A_118] : memref<10x4x100000xf32, #tpu.memory_space<hbm>> -> memref<10x4x128xf32, #tpu.memory_space<hbm>>
          %dma_start3A_143 = arith.constant 0 : i32
          %dma_start3A_144 = arith.constant 0 : i32
          %dma_start3A_145 = arith.constant 0 : i32
          %dma_start3A_146 = tpu.memref_slice %arg7[%sub3A_114, %dma_start3A_143, %dma_start3A_144, %dma_start3A_145] : memref<2x10x4x128xf32, #tpu.memory_space<vmem>> -> memref<1x10x4x128xf32, #tpu.memory_space<vmem>>
          %dma_start3A_147 = tpu.memref_squeeze %dma_start3A_146 : memref<1x10x4x128xf32, #tpu.memory_space<vmem>> -> memref<10x4x128xf32, #tpu.memory_space<vmem>>
          %dma_start3A_148 = arith.constant 0 : i32
          %dma_start3A_149 = arith.constant 0 : i32
          %dma_start3A_150 = tpu.memref_slice %arg3[%dma_start3A_148, %dma_start3A_149, %min3A_118] : memref<10x4x100000xf32, #tpu.memory_space<hbm>> -> memref<10x4x128xf32, #tpu.memory_space<hbm>>
          tpu.enqueue_dma source(%dma_start3A_150 : memref<10x4x128xf32, #tpu.memory_space<hbm>>) target(%dma_start3A_147 : memref<10x4x128xf32, #tpu.memory_space<vmem>>) target_semaphore(%arg11 : memref<!tpu.dma_semaphore, #tpu.memory_space<semaphore_mem>>)
        } else {
        }
        %scan3A_108 = arith.constant 0 : i32
        %scan3A_109 = arith.constant 0 : i32
        %scan3A_110 = arith.constant 6 : i32
        %scan3A_111 = arith.addi %scan3A_109, %scan3A_110 : i32
        %scan3A_112 = arith.constant 1 : i32
        scf.for %scan3A_114 = %scan3A_109 to %scan3A_111 step %scan3A_112  : i32 {
          %lt3A_115 = arith.constant 5 : i32
          %lt3A_116 = arith.cmpi slt, %scan3A_114, %lt3A_115 : i32
          %convert_element_type3A_117 = arith.extui %lt3A_116 : i1 to i32
          %cond3A_118 = arith.constant 0 : i32
          %cond3A_119 = arith.cmpi ne, %convert_element_type3A_117, %cond3A_118 : i32
          scf.if %cond3A_119 {
            %add3A_129 = arith.constant 5 : i32
            %add3A_130 = arith.addi %add3A_129, %scan3A_114 : i32
            %jit3A_131 = arith.constant 2 : i32
            %eq3A_132 = arith.constant 0 : i32
            %eq3A_133 = arith.cmpi eq, %jit3A_131, %eq3A_132 : i32
            %jit3A_134 = arith.constant 1 : i32
            %select_n3A_135 = arith.select %eq3A_133, %jit3A_134, %jit3A_131 : i32
            %rem3A_136 = arith.remsi %add3A_130, %select_n3A_135 : i32
            %ne3A_137 = arith.constant 0 : i32
            %ne3A_138 = arith.cmpi ne, %rem3A_136, %ne3A_137 : i32
            %lt3A_139 = arith.constant 0 : i32
            %lt3A_140 = arith.cmpi slt, %rem3A_136, %lt3A_139 : i32
            %lt3A_141 = arith.constant 0 : i32
            %lt3A_142 = arith.cmpi slt, %select_n3A_135, %lt3A_141 : i32
            %ne3A_143 = arith.xori %lt3A_140, %lt3A_142 : i1
            %and3A_144 = arith.andi %ne3A_143, %ne3A_138 : i1
            %add3A_145 = arith.addi %rem3A_136, %select_n3A_135 : i32
            %select_n3A_146 = arith.select %and3A_144, %add3A_145, %rem3A_136 : i32
            %mul3A_147 = arith.constant 4 : i32
            %mul3A_148 = arith.muli %select_n3A_146, %mul3A_147 : i32
            %mul3A_149 = arith.constant 128 : i32
            %mul3A_150 = arith.muli %mul3A_148, %mul3A_149 : i32
            %add3A_151 = arith.constant 0 : i32
            %add3A_152 = arith.addi %mul3A_150, %add3A_151 : i32
            %dma_start3A_153 = arith.constant 0 : i32
            %dma_start3A_154 = arith.constant 0 : i32
            %dma_start3A_155 = tpu.memref_slice %arg9[%add3A_152, %dma_start3A_154] : memref<1024x16xf32, #tpu.memory_space<vmem>> -> memref<128x16xf32, #tpu.memory_space<vmem>>
            %dma_start3A_156 = arith.constant 0 : i32
            %dma_start3A_157 = tpu.memref_slice %arg6[%select_n3A_61, %add3A_130, %dma_start3A_153, %dma_start3A_156] : memref<2x10x4x128xi32, #tpu.memory_space<vmem>> -> memref<1x1x1x128xi32, #tpu.memory_space<vmem>>
            %dma_start3A_158 = tpu.memref_squeeze %dma_start3A_157 : memref<1x1x1x128xi32, #tpu.memory_space<vmem>> -> memref<128xi32, #tpu.memory_space<vmem>>
            %dma_start3A_159 = arith.constant 0 : i32
            %dma_start3A_160 = arith.constant 0 : i32
            %dma_start3A_161 = tpu.memref_slice %arg4[%dma_start3A_159, %dma_start3A_160] : memref<4194300x16xf32, #tpu.memory_space<hbm>> -> memref<4194300x16xf32, #tpu.memory_space<hbm>>
            tpu.enqueue_indirect_dma source(%dma_start3A_161 : memref<4194300x16xf32, #tpu.memory_space<hbm>>) target(%dma_start3A_155 : memref<128x16xf32, #tpu.memory_space<vmem>>) offsets(%dma_start3A_158 : memref<128xi32, #tpu.memory_space<vmem>>) semaphore(%arg12 : memref<!tpu.dma_semaphore, #tpu.memory_space<semaphore_mem>>)
            %add3A_162 = arith.constant 128 : i32
            %add3A_163 = arith.addi %mul3A_150, %add3A_162 : i32
            %dma_start3A_164 = arith.constant 1 : i32
            %dma_start3A_165 = arith.constant 0 : i32
            %dma_start3A_166 = tpu.memref_slice %arg9[%add3A_163, %dma_start3A_165] : memref<1024x16xf32, #tpu.memory_space<vmem>> -> memref<128x16xf32, #tpu.memory_space<vmem>>
            %dma_start3A_167 = arith.constant 0 : i32
            %dma_start3A_168 = tpu.memref_slice %arg6[%select_n3A_61, %add3A_130, %dma_start3A_164, %dma_start3A_167] : memref<2x10x4x128xi32, #tpu.memory_space<vmem>> -> memref<1x1x1x128xi32, #tpu.memory_space<vmem>>
            %dma_start3A_169 = tpu.memref_squeeze %dma_start3A_168 : memref<1x1x1x128xi32, #tpu.memory_space<vmem>> -> memref<128xi32, #tpu.memory_space<vmem>>
            %dma_start3A_170 = arith.constant 0 : i32
            %dma_start3A_171 = arith.constant 0 : i32
            %dma_start3A_172 = tpu.memref_slice %arg4[%dma_start3A_170, %dma_start3A_171] : memref<4194300x16xf32, #tpu.memory_space<hbm>> -> memref<4194300x16xf32, #tpu.memory_space<hbm>>
            tpu.enqueue_indirect_dma source(%dma_start3A_172 : memref<4194300x16xf32, #tpu.memory_space<hbm>>) target(%dma_start3A_166 : memref<128x16xf32, #tpu.memory_space<vmem>>) offsets(%dma_start3A_169 : memref<128xi32, #tpu.memory_space<vmem>>) semaphore(%arg12 : memref<!tpu.dma_semaphore, #tpu.memory_space<semaphore_mem>>)
            %add3A_173 = arith.constant 256 : i32
            %add3A_174 = arith.addi %mul3A_150, %add3A_173 : i32
            %dma_start3A_175 = arith.constant 2 : i32
            %dma_start3A_176 = arith.constant 0 : i32
            %dma_start3A_177 = tpu.memref_slice %arg9[%add3A_174, %dma_start3A_176] : memref<1024x16xf32, #tpu.memory_space<vmem>> -> memref<128x16xf32, #tpu.memory_space<vmem>>
            %dma_start3A_178 = arith.constant 0 : i32
            %dma_start3A_179 = tpu.memref_slice %arg6[%select_n3A_61, %add3A_130, %dma_start3A_175, %dma_start3A_178] : memref<2x10x4x128xi32, #tpu.memory_space<vmem>> -> memref<1x1x1x128xi32, #tpu.memory_space<vmem>>
            %dma_start3A_180 = tpu.memref_squeeze %dma_start3A_179 : memref<1x1x1x128xi32, #tpu.memory_space<vmem>> -> memref<128xi32, #tpu.memory_space<vmem>>
            %dma_start3A_181 = arith.constant 0 : i32
            %dma_start3A_182 = arith.constant 0 : i32
            %dma_start3A_183 = tpu.memref_slice %arg4[%dma_start3A_181, %dma_start3A_182] : memref<4194300x16xf32, #tpu.memory_space<hbm>> -> memref<4194300x16xf32, #tpu.memory_space<hbm>>
            tpu.enqueue_indirect_dma source(%dma_start3A_183 : memref<4194300x16xf32, #tpu.memory_space<hbm>>) target(%dma_start3A_177 : memref<128x16xf32, #tpu.memory_space<vmem>>) offsets(%dma_start3A_180 : memref<128xi32, #tpu.memory_space<vmem>>) semaphore(%arg12 : memref<!tpu.dma_semaphore, #tpu.memory_space<semaphore_mem>>)
            %add3A_184 = arith.constant 384 : i32
            %add3A_185 = arith.addi %mul3A_150, %add3A_184 : i32
            %dma_start3A_186 = arith.constant 3 : i32
            %dma_start3A_187 = arith.constant 0 : i32
            %dma_start3A_188 = tpu.memref_slice %arg9[%add3A_185, %dma_start3A_187] : memref<1024x16xf32, #tpu.memory_space<vmem>> -> memref<128x16xf32, #tpu.memory_space<vmem>>
            %dma_start3A_189 = arith.constant 0 : i32
            %dma_start3A_190 = tpu.memref_slice %arg6[%select_n3A_61, %add3A_130, %dma_start3A_186, %dma_start3A_189] : memref<2x10x4x128xi32, #tpu.memory_space<vmem>> -> memref<1x1x1x128xi32, #tpu.memory_space<vmem>>
            %dma_start3A_191 = tpu.memref_squeeze %dma_start3A_190 : memref<1x1x1x128xi32, #tpu.memory_space<vmem>> -> memref<128xi32, #tpu.memory_space<vmem>>
            %dma_start3A_192 = arith.constant 0 : i32
            %dma_start3A_193 = arith.constant 0 : i32
            %dma_start3A_194 = tpu.memref_slice %arg4[%dma_start3A_192, %dma_start3A_193] : memref<4194300x16xf32, #tpu.memory_space<hbm>> -> memref<4194300x16xf32, #tpu.memory_space<hbm>>
            tpu.enqueue_indirect_dma source(%dma_start3A_194 : memref<4194300x16xf32, #tpu.memory_space<hbm>>) target(%dma_start3A_188 : memref<128x16xf32, #tpu.memory_space<vmem>>) offsets(%dma_start3A_191 : memref<128xi32, #tpu.memory_space<vmem>>) semaphore(%arg12 : memref<!tpu.dma_semaphore, #tpu.memory_space<semaphore_mem>>)
          } else {
          }
          %lt3A_120 = arith.constant 5 : i32
          %lt3A_121 = arith.cmpi slt, %scan3A_114, %lt3A_120 : i32
          %convert_element_type3A_122 = arith.extui %lt3A_121 : i1 to i32
          %cond3A_123 = arith.constant 0 : i32
          %cond3A_124 = arith.cmpi ne, %convert_element_type3A_122, %cond3A_123 : i32
          scf.if %cond3A_124 {
            %scan3A_129 = arith.constant 0 : i32
            %scan3A_130 = arith.constant 0 : i32
            %scan3A_131 = arith.constant 8 : i32
            %scan3A_132 = arith.addi %scan3A_130, %scan3A_131 : i32
            %scan3A_133 = arith.constant 1 : i32
            scf.for %scan3A_135 = %scan3A_130 to %scan3A_132 step %scan3A_133  : i32 {
              %mul3A_136 = arith.constant 16 : i32
              %mul3A_137 = arith.muli %scan3A_135, %mul3A_136 : i32
              %add3A_138 = vector.broadcast %mul3A_137 : i32 to vector<16xi32>
              %add3A_139 = arith.addi %add3A_138, %iota3A_4 : vector<16xi32>
              %get3A = arith.constant 0 : i32
              %get3A_140 = arith.index_cast %select_n3A_61 : i32 to index
              %get3A_141 = arith.index_cast %scan3A_114 : i32 to index
              %get3A_142 = arith.index_cast %get3A : i32 to index
              %get3A_143 = arith.index_cast %mul3A_137 : i32 to index
              %get3A_144 = tpu.vector_load %arg6[%get3A_140, %get3A_141, %get3A_142, %get3A_143] {strides = array<i32>} : memref<2x10x4x128xi32, #tpu.memory_space<vmem>>, vector<16xi32>,
              %get3A_145 = arith.constant 1 : i32
              %get3A_146 = arith.index_cast %select_n3A_61 : i32 to index
              %get3A_147 = arith.index_cast %scan3A_114 : i32 to index
              %get3A_148 = arith.index_cast %get3A_145 : i32 to index
              %get3A_149 = arith.index_cast %mul3A_137 : i32 to index
              %get3A_150 = tpu.vector_load %arg6[%get3A_146, %get3A_147, %get3A_148, %get3A_149] {strides = array<i32>} : memref<2x10x4x128xi32, #tpu.memory_space<vmem>>, vector<16xi32>,
              %get3A_151 = arith.constant 2 : i32
              %get3A_152 = arith.index_cast %select_n3A_61 : i32 to index
              %get3A_153 = arith.index_cast %scan3A_114 : i32 to index
              %get3A_154 = arith.index_cast %get3A_151 : i32 to index
              %get3A_155 = arith.index_cast %mul3A_137 : i32 to index
              %get3A_156 = tpu.vector_load %arg6[%get3A_152, %get3A_153, %get3A_154, %get3A_155] {strides = array<i32>} : memref<2x10x4x128xi32, #tpu.memory_space<vmem>>, vector<16xi32>,
              %get3A_157 = arith.constant 3 : i32
              %get3A_158 = arith.index_cast %select_n3A_61 : i32 to index
              %get3A_159 = arith.index_cast %scan3A_114 : i32 to index
              %get3A_160 = arith.index_cast %get3A_157 : i32 to index
              %get3A_161 = arith.index_cast %mul3A_137 : i32 to index
              %get3A_162 = tpu.vector_load %arg6[%get3A_158, %get3A_159, %get3A_160, %get3A_161] {strides = array<i32>} : memref<2x10x4x128xi32, #tpu.memory_space<vmem>>, vector<16xi32>,
              %get3A_163 = arith.constant 0 : i32
              %get3A_164 = arith.index_cast %select_n3A_61 : i32 to index
              %get3A_165 = arith.index_cast %scan3A_114 : i32 to index
              %get3A_166 = arith.index_cast %get3A_163 : i32 to index
              %get3A_167 = arith.index_cast %mul3A_137 : i32 to index
              %get3A_168 = tpu.vector_load %arg7[%get3A_164, %get3A_165, %get3A_166, %get3A_167] {strides = array<i32>} : memref<2x10x4x128xf32, #tpu.memory_space<vmem>>, vector<16xf32>,
              %get3A_169 = arith.constant 1 : i32
              %get3A_170 = arith.index_cast %select_n3A_61 : i32 to index
              %get3A_171 = arith.index_cast %scan3A_114 : i32 to index
              %get3A_172 = arith.index_cast %get3A_169 : i32 to index
              %get3A_173 = arith.index_cast %mul3A_137 : i32 to index
              %get3A_174 = tpu.vector_load %arg7[%get3A_170, %get3A_171, %get3A_172, %get3A_173] {strides = array<i32>} : memref<2x10x4x128xf32, #tpu.memory_space<vmem>>, vector<16xf32>,
              %get3A_175 = arith.constant 2 : i32
              %get3A_176 = arith.index_cast %select_n3A_61 : i32 to index
              %get3A_177 = arith.index_cast %scan3A_114 : i32 to index
              %get3A_178 = arith.index_cast %get3A_175 : i32 to index
              %get3A_179 = arith.index_cast %mul3A_137 : i32 to index
              %get3A_180 = tpu.vector_load %arg7[%get3A_176, %get3A_177, %get3A_178, %get3A_179] {strides = array<i32>} : memref<2x10x4x128xf32, #tpu.memory_space<vmem>>, vector<16xf32>,
              %get3A_181 = arith.constant 3 : i32
              %get3A_182 = arith.index_cast %select_n3A_61 : i32 to index
              %get3A_183 = arith.index_cast %scan3A_114 : i32 to index
              %get3A_184 = arith.index_cast %get3A_181 : i32 to index
              %get3A_185 = arith.index_cast %mul3A_137 : i32 to index
              %get3A_186 = tpu.vector_load %arg7[%get3A_182, %get3A_183, %get3A_184, %get3A_185] {strides = array<i32>} : memref<2x10x4x128xf32, #tpu.memory_space<vmem>>, vector<16xf32>,
              %broadcast_in_dim3A = arith.constant 0 : i32
              %broadcast_in_dim3A_187 = vector.broadcast %broadcast_in_dim3A : i32 to vector<16xi32>
              %gather3A = tpu.vector_load_idx %arg8[%get3A_144, %broadcast_in_dim3A_187] : memref<4096x16xf32, #tpu.memory_space<vmem>>[vector<16xi32>, vector<16xi32>], vector<16xf32>,
              %gather3A_188 = tpu.vector_load_idx %arg8[%get3A_150, %broadcast_in_dim3A_187] : memref<4096x16xf32, #tpu.memory_space<vmem>>[vector<16xi32>, vector<16xi32>], vector<16xf32>,
              %gather3A_189 = tpu.vector_load_idx %arg8[%get3A_156, %broadcast_in_dim3A_187] : memref<4096x16xf32, #tpu.memory_space<vmem>>[vector<16xi32>, vector<16xi32>], vector<16xf32>,
              %gather3A_190 = tpu.vector_load_idx %arg8[%get3A_162, %broadcast_in_dim3A_187] : memref<4096x16xf32, #tpu.memory_space<vmem>>[vector<16xi32>, vector<16xi32>], vector<16xf32>,
              %mul3A_191 = arith.mulf %gather3A, %get3A_168 : vector<16xf32>
              %mul3A_192 = arith.mulf %gather3A_188, %get3A_174 : vector<16xf32>
              %add3A_193 = arith.addf %mul3A_191, %mul3A_192 : vector<16xf32>
              %mul3A_194 = arith.mulf %gather3A_189, %get3A_180 : vector<16xf32>
              %add3A_195 = arith.addf %add3A_193, %mul3A_194 : vector<16xf32>
              %mul3A_196 = arith.mulf %gather3A_190, %get3A_186 : vector<16xf32>
              %add3A_197 = arith.addf %add3A_195, %mul3A_196 : vector<16xf32>
              %broadcast_in_dim3A_198 = arith.constant 0 : i32
              %broadcast_in_dim3A_199 = vector.broadcast %broadcast_in_dim3A_198 : i32 to vector<16xi32>
              %add3A_200 = vector.broadcast %scan3A_114 : i32 to vector<16xi32>
              %add3A_201 = arith.addi %broadcast_in_dim3A_199, %add3A_200 : vector<16xi32>
              tpu.vector_store_idx %arg10[%add3A_139, %add3A_201], %add3A_197 : memref<128x160xf32, #tpu.memory_space<vmem>>[vector<16xi32>, vector<16xi32>], vector<16xf32>,
              %broadcast_in_dim3A_202 = arith.constant 1 : i32
              %broadcast_in_dim3A_203 = vector.broadcast %broadcast_in_dim3A_202 : i32 to vector<16xi32>
              %gather3A_204 = tpu.vector_load_idx %arg8[%get3A_144, %broadcast_in_dim3A_203] : memref<4096x16xf32, #tpu.memory_space<vmem>>[vector<16xi32>, vector<16xi32>], vector<16xf32>,
              %gather3A_205 = tpu.vector_load_idx %arg8[%get3A_150, %broadcast_in_dim3A_203] : memref<4096x16xf32, #tpu.memory_space<vmem>>[vector<16xi32>, vector<16xi32>], vector<16xf32>,
              %gather3A_206 = tpu.vector_load_idx %arg8[%get3A_156, %broadcast_in_dim3A_203] : memref<4096x16xf32, #tpu.memory_space<vmem>>[vector<16xi32>, vector<16xi32>], vector<16xf32>,
              %gather3A_207 = tpu.vector_load_idx %arg8[%get3A_162, %broadcast_in_dim3A_203] : memref<4096x16xf32, #tpu.memory_space<vmem>>[vector<16xi32>, vector<16xi32>], vector<16xf32>,
              %mul3A_208 = arith.mulf %gather3A_204, %get3A_168 : vector<16xf32>
              %mul3A_209 = arith.mulf %gather3A_205, %get3A_174 : vector<16xf32>
              %add3A_210 = arith.addf %mul3A_208, %mul3A_209 : vector<16xf32>
              %mul3A_211 = arith.mulf %gather3A_206, %get3A_180 : vector<16xf32>
              %add3A_212 = arith.addf %add3A_210, %mul3A_211 : vector<16xf32>
              %mul3A_213 = arith.mulf %gather3A_207, %get3A_186 : vector<16xf32>
              %add3A_214 = arith.addf %add3A_212, %mul3A_213 : vector<16xf32>
              %broadcast_in_dim3A_215 = arith.constant 10 : i32
              %broadcast_in_dim3A_216 = vector.broadcast %broadcast_in_dim3A_215 : i32 to vector<16xi32>
              %add3A_217 = vector.broadcast %scan3A_114 : i32 to vector<16xi32>
              %add3A_218 = arith.addi %broadcast_in_dim3A_216, %add3A_217 : vector<16xi32>
              tpu.vector_store_idx %arg10[%add3A_139, %add3A_218], %add3A_214 : memref<128x160xf32, #tpu.memory_space<vmem>>[vector<16xi32>, vector<16xi32>], vector<16xf32>,
              %broadcast_in_dim3A_219 = arith.constant 2 : i32
              %broadcast_in_dim3A_220 = vector.broadcast %broadcast_in_dim3A_219 : i32 to vector<16xi32>
              %gather3A_221 = tpu.vector_load_idx %arg8[%get3A_144, %broadcast_in_dim3A_220] : memref<4096x16xf32, #tpu.memory_space<vmem>>[vector<16xi32>, vector<16xi32>], vector<16xf32>,
              %gather3A_222 = tpu.vector_load_idx %arg8[%get3A_150, %broadcast_in_dim3A_220] : memref<4096x16xf32, #tpu.memory_space<vmem>>[vector<16xi32>, vector<16xi32>], vector<16xf32>,
              %gather3A_223 = tpu.vector_load_idx %arg8[%get3A_156, %broadcast_in_dim3A_220] : memref<4096x16xf32, #tpu.memory_space<vmem>>[vector<16xi32>, vector<16xi32>], vector<16xf32>,
              %gather3A_224 = tpu.vector_load_idx %arg8[%get3A_162, %broadcast_in_dim3A_220] : memref<4096x16xf32, #tpu.memory_space<vmem>>[vector<16xi32>, vector<16xi32>], vector<16xf32>,
              %mul3A_225 = arith.mulf %gather3A_221, %get3A_168 : vector<16xf32>
              %mul3A_226 = arith.mulf %gather3A_222, %get3A_174 : vector<16xf32>
              %add3A_227 = arith.addf %mul3A_225, %mul3A_226 : vector<16xf32>
              %mul3A_228 = arith.mulf %gather3A_223, %get3A_180 : vector<16xf32>
              %add3A_229 = arith.addf %add3A_227, %mul3A_228 : vector<16xf32>
              %mul3A_230 = arith.mulf %gather3A_224, %get3A_186 : vector<16xf32>
              %add3A_231 = arith.addf %add3A_229, %mul3A_230 : vector<16xf32>
              %broadcast_in_dim3A_232 = arith.constant 20 : i32
              %broadcast_in_dim3A_233 = vector.broadcast %broadcast_in_dim3A_232 : i32 to vector<16xi32>
              %add3A_234 = vector.broadcast %scan3A_114 : i32 to vector<16xi32>
              %add3A_235 = arith.addi %broadcast_in_dim3A_233, %add3A_234 : vector<16xi32>
              tpu.vector_store_idx %arg10[%add3A_139, %add3A_235], %add3A_231 : memref<128x160xf32, #tpu.memory_space<vmem>>[vector<16xi32>, vector<16xi32>], vector<16xf32>,
              %broadcast_in_dim3A_236 = arith.constant 3 : i32
              %broadcast_in_dim3A_237 = vector.broadcast %broadcast_in_dim3A_236 : i32 to vector<16xi32>
              %gather3A_238 = tpu.vector_load_idx %arg8[%get3A_144, %broadcast_in_dim3A_237] : memref<4096x16xf32, #tpu.memory_space<vmem>>[vector<16xi32>, vector<16xi32>], vector<16xf32>,
              %gather3A_239 = tpu.vector_load_idx %arg8[%get3A_150, %broadcast_in_dim3A_237] : memref<4096x16xf32, #tpu.memory_space<vmem>>[vector<16xi32>, vector<16xi32>], vector<16xf32>,
              %gather3A_240 = tpu.vector_load_idx %arg8[%get3A_156, %broadcast_in_dim3A_237] : memref<4096x16xf32, #tpu.memory_space<vmem>>[vector<16xi32>, vector<16xi32>], vector<16xf32>,
              %gather3A_241 = tpu.vector_load_idx %arg8[%get3A_162, %broadcast_in_dim3A_237] : memref<4096x16xf32, #tpu.memory_space<vmem>>[vector<16xi32>, vector<16xi32>], vector<16xf32>,
              %mul3A_242 = arith.mulf %gather3A_238, %get3A_168 : vector<16xf32>
              %mul3A_243 = arith.mulf %gather3A_239, %get3A_174 : vector<16xf32>
              %add3A_244 = arith.addf %mul3A_242, %mul3A_243 : vector<16xf32>
              %mul3A_245 = arith.mulf %gather3A_240, %get3A_180 : vector<16xf32>
              %add3A_246 = arith.addf %add3A_244, %mul3A_245 : vector<16xf32>
              %mul3A_247 = arith.mulf %gather3A_241, %get3A_186 : vector<16xf32>
              %add3A_248 = arith.addf %add3A_246, %mul3A_247 : vector<16xf32>
              %broadcast_in_dim3A_249 = arith.constant 30 : i32
              %broadcast_in_dim3A_250 = vector.broadcast %broadcast_in_dim3A_249 : i32 to vector<16xi32>
              %add3A_251 = vector.broadcast %scan3A_114 : i32 to vector<16xi32>
              %add3A_252 = arith.addi %broadcast_in_dim3A_250, %add3A_251 : vector<16xi32>
              tpu.vector_store_idx %arg10[%add3A_139, %add3A_252], %add3A_248 : memref<128x160xf32, #tpu.memory_space<vmem>>[vector<16xi32>, vector<16xi32>], vector<16xf32>,
              %broadcast_in_dim3A_253 = arith.constant 4 : i32
              %broadcast_in_dim3A_254 = vector.broadcast %broadcast_in_dim3A_253 : i32 to vector<16xi32>
              %gather3A_255 = tpu.vector_load_idx %arg8[%get3A_144, %broadcast_in_dim3A_254] : memref<4096x16xf32, #tpu.memory_space<vmem>>[vector<16xi32>, vector<16xi32>], vector<16xf32>,
              %gather3A_256 = tpu.vector_load_idx %arg8[%get3A_150, %broadcast_in_dim3A_254] : memref<4096x16xf32, #tpu.memory_space<vmem>>[vector<16xi32>, vector<16xi32>], vector<16xf32>,
              %gather3A_257 = tpu.vector_load_idx %arg8[%get3A_156, %broadcast_in_dim3A_254] : memref<4096x16xf32, #tpu.memory_space<vmem>>[vector<16xi32>, vector<16xi32>], vector<16xf32>,
              %gather3A_258 = tpu.vector_load_idx %arg8[%get3A_162, %broadcast_in_dim3A_254] : memref<4096x16xf32, #tpu.memory_space<vmem>>[vector<16xi32>, vector<16xi32>], vector<16xf32>,
              %mul3A_259 = arith.mulf %gather3A_255, %get3A_168 : vector<16xf32>
              %mul3A_260 = arith.mulf %gather3A_256, %get3A_174 : vector<16xf32>
              %add3A_261 = arith.addf %mul3A_259, %mul3A_260 : vector<16xf32>
              %mul3A_262 = arith.mulf %gather3A_257, %get3A_180 : vector<16xf32>
              %add3A_263 = arith.addf %add3A_261, %mul3A_262 : vector<16xf32>
              %mul3A_264 = arith.mulf %gather3A_258, %get3A_186 : vector<16xf32>
              %add3A_265 = arith.addf %add3A_263, %mul3A_264 : vector<16xf32>
              %broadcast_in_dim3A_266 = arith.constant 40 : i32
              %broadcast_in_dim3A_267 = vector.broadcast %broadcast_in_dim3A_266 : i32 to vector<16xi32>
              %add3A_268 = vector.broadcast %scan3A_114 : i32 to vector<16xi32>
              %add3A_269 = arith.addi %broadcast_in_dim3A_267, %add3A_268 : vector<16xi32>
              tpu.vector_store_idx %arg10[%add3A_139, %add3A_269], %add3A_265 : memref<128x160xf32, #tpu.memory_space<vmem>>[vector<16xi32>, vector<16xi32>], vector<16xf32>,
              %broadcast_in_dim3A_270 = arith.constant 5 : i32
              %broadcast_in_dim3A_271 = vector.broadcast %broadcast_in_dim3A_270 : i32 to vector<16xi32>
              %gather3A_272 = tpu.vector_load_idx %arg8[%get3A_144, %broadcast_in_dim3A_271] : memref<4096x16xf32, #tpu.memory_space<vmem>>[vector<16xi32>, vector<16xi32>], vector<16xf32>,
              %gather3A_273 = tpu.vector_load_idx %arg8[%get3A_150, %broadcast_in_dim3A_271] : memref<4096x16xf32, #tpu.memory_space<vmem>>[vector<16xi32>, vector<16xi32>], vector<16xf32>,
              %gather3A_274 = tpu.vector_load_idx %arg8[%get3A_156, %broadcast_in_dim3A_271] : memref<4096x16xf32, #tpu.memory_space<vmem>>[vector<16xi32>, vector<16xi32>], vector<16xf32>,
              %gather3A_275 = tpu.vector_load_idx %arg8[%get3A_162, %broadcast_in_dim3A_271] : memref<4096x16xf32, #tpu.memory_space<vmem>>[vector<16xi32>, vector<16xi32>], vector<16xf32>,
              %mul3A_276 = arith.mulf %gather3A_272, %get3A_168 : vector<16xf32>
              %mul3A_277 = arith.mulf %gather3A_273, %get3A_174 : vector<16xf32>
              %add3A_278 = arith.addf %mul3A_276, %mul3A_277 : vector<16xf32>
              %mul3A_279 = arith.mulf %gather3A_274, %get3A_180 : vector<16xf32>
              %add3A_280 = arith.addf %add3A_278, %mul3A_279 : vector<16xf32>
              %mul3A_281 = arith.mulf %gather3A_275, %get3A_186 : vector<16xf32>
              %add3A_282 = arith.addf %add3A_280, %mul3A_281 : vector<16xf32>
              %broadcast_in_dim3A_283 = arith.constant 50 : i32
              %broadcast_in_dim3A_284 = vector.broadcast %broadcast_in_dim3A_283 : i32 to vector<16xi32>
              %add3A_285 = vector.broadcast %scan3A_114 : i32 to vector<16xi32>
              %add3A_286 = arith.addi %broadcast_in_dim3A_284, %add3A_285 : vector<16xi32>
              tpu.vector_store_idx %arg10[%add3A_139, %add3A_286], %add3A_282 : memref<128x160xf32, #tpu.memory_space<vmem>>[vector<16xi32>, vector<16xi32>], vector<16xf32>,
              %broadcast_in_dim3A_287 = arith.constant 6 : i32
              %broadcast_in_dim3A_288 = vector.broadcast %broadcast_in_dim3A_287 : i32 to vector<16xi32>
              %gather3A_289 = tpu.vector_load_idx %arg8[%get3A_144, %broadcast_in_dim3A_288] : memref<4096x16xf32, #tpu.memory_space<vmem>>[vector<16xi32>, vector<16xi32>], vector<16xf32>,
              %gather3A_290 = tpu.vector_load_idx %arg8[%get3A_150, %broadcast_in_dim3A_288] : memref<4096x16xf32, #tpu.memory_space<vmem>>[vector<16xi32>, vector<16xi32>], vector<16xf32>,
              %gather3A_291 = tpu.vector_load_idx %arg8[%get3A_156, %broadcast_in_dim3A_288] : memref<4096x16xf32, #tpu.memory_space<vmem>>[vector<16xi32>, vector<16xi32>], vector<16xf32>,
              %gather3A_292 = tpu.vector_load_idx %arg8[%get3A_162, %broadcast_in_dim3A_288] : memref<4096x16xf32, #tpu.memory_space<vmem>>[vector<16xi32>, vector<16xi32>], vector<16xf32>,
              %mul3A_293 = arith.mulf %gather3A_289, %get3A_168 : vector<16xf32>
              %mul3A_294 = arith.mulf %gather3A_290, %get3A_174 : vector<16xf32>
              %add3A_295 = arith.addf %mul3A_293, %mul3A_294 : vector<16xf32>
              %mul3A_296 = arith.mulf %gather3A_291, %get3A_180 : vector<16xf32>
              %add3A_297 = arith.addf %add3A_295, %mul3A_296 : vector<16xf32>
              %mul3A_298 = arith.mulf %gather3A_292, %get3A_186 : vector<16xf32>
              %add3A_299 = arith.addf %add3A_297, %mul3A_298 : vector<16xf32>
              %broadcast_in_dim3A_300 = arith.constant 60 : i32
              %broadcast_in_dim3A_301 = vector.broadcast %broadcast_in_dim3A_300 : i32 to vector<16xi32>
              %add3A_302 = vector.broadcast %scan3A_114 : i32 to vector<16xi32>
              %add3A_303 = arith.addi %broadcast_in_dim3A_301, %add3A_302 : vector<16xi32>
              tpu.vector_store_idx %arg10[%add3A_139, %add3A_303], %add3A_299 : memref<128x160xf32, #tpu.memory_space<vmem>>[vector<16xi32>, vector<16xi32>], vector<16xf32>,
              %broadcast_in_dim3A_304 = arith.constant 7 : i32
              %broadcast_in_dim3A_305 = vector.broadcast %broadcast_in_dim3A_304 : i32 to vector<16xi32>
              %gather3A_306 = tpu.vector_load_idx %arg8[%get3A_144, %broadcast_in_dim3A_305] : memref<4096x16xf32, #tpu.memory_space<vmem>>[vector<16xi32>, vector<16xi32>], vector<16xf32>,
              %gather3A_307 = tpu.vector_load_idx %arg8[%get3A_150, %broadcast_in_dim3A_305] : memref<4096x16xf32, #tpu.memory_space<vmem>>[vector<16xi32>, vector<16xi32>], vector<16xf32>,
              %gather3A_308 = tpu.vector_load_idx %arg8[%get3A_156, %broadcast_in_dim3A_305] : memref<4096x16xf32, #tpu.memory_space<vmem>>[vector<16xi32>, vector<16xi32>], vector<16xf32>,
              %gather3A_309 = tpu.vector_load_idx %arg8[%get3A_162, %broadcast_in_dim3A_305] : memref<4096x16xf32, #tpu.memory_space<vmem>>[vector<16xi32>, vector<16xi32>], vector<16xf32>,
              %mul3A_310 = arith.mulf %gather3A_306, %get3A_168 : vector<16xf32>
              %mul3A_311 = arith.mulf %gather3A_307, %get3A_174 : vector<16xf32>
              %add3A_312 = arith.addf %mul3A_310, %mul3A_311 : vector<16xf32>
              %mul3A_313 = arith.mulf %gather3A_308, %get3A_180 : vector<16xf32>
              %add3A_314 = arith.addf %add3A_312, %mul3A_313 : vector<16xf32>
              %mul3A_315 = arith.mulf %gather3A_309, %get3A_186 : vector<16xf32>
              %add3A_316 = arith.addf %add3A_314, %mul3A_315 : vector<16xf32>
              %broadcast_in_dim3A_317 = arith.constant 70 : i32
              %broadcast_in_dim3A_318 = vector.broadcast %broadcast_in_dim3A_317 : i32 to vector<16xi32>
              %add3A_319 = vector.broadcast %scan3A_114 : i32 to vector<16xi32>
              %add3A_320 = arith.addi %broadcast_in_dim3A_318, %add3A_319 : vector<16xi32>
              tpu.vector_store_idx %arg10[%add3A_139, %add3A_320], %add3A_316 : memref<128x160xf32, #tpu.memory_space<vmem>>[vector<16xi32>, vector<16xi32>], vector<16xf32>,
              %broadcast_in_dim3A_321 = arith.constant 8 : i32
              %broadcast_in_dim3A_322 = vector.broadcast %broadcast_in_dim3A_321 : i32 to vector<16xi32>
              %gather3A_323 = tpu.vector_load_idx %arg8[%get3A_144, %broadcast_in_dim3A_322] : memref<4096x16xf32, #tpu.memory_space<vmem>>[vector<16xi32>, vector<16xi32>], vector<16xf32>,
              %gather3A_324 = tpu.vector_load_idx %arg8[%get3A_150, %broadcast_in_dim3A_322] : memref<4096x16xf32, #tpu.memory_space<vmem>>[vector<16xi32>, vector<16xi32>], vector<16xf32>,
              %gather3A_325 = tpu.vector_load_idx %arg8[%get3A_156, %broadcast_in_dim3A_322] : memref<4096x16xf32, #tpu.memory_space<vmem>>[vector<16xi32>, vector<16xi32>], vector<16xf32>,
              %gather3A_326 = tpu.vector_load_idx %arg8[%get3A_162, %broadcast_in_dim3A_322] : memref<4096x16xf32, #tpu.memory_space<vmem>>[vector<16xi32>, vector<16xi32>], vector<16xf32>,
              %mul3A_327 = arith.mulf %gather3A_323, %get3A_168 : vector<16xf32>
              %mul3A_328 = arith.mulf %gather3A_324, %get3A_174 : vector<16xf32>
              %add3A_329 = arith.addf %mul3A_327, %mul3A_328 : vector<16xf32>
              %mul3A_330 = arith.mulf %gather3A_325, %get3A_180 : vector<16xf32>
              %add3A_331 = arith.addf %add3A_329, %mul3A_330 : vector<16xf32>
              %mul3A_332 = arith.mulf %gather3A_326, %get3A_186 : vector<16xf32>
              %add3A_333 = arith.addf %add3A_331, %mul3A_332 : vector<16xf32>
              %broadcast_in_dim3A_334 = arith.constant 80 : i32
              %broadcast_in_dim3A_335 = vector.broadcast %broadcast_in_dim3A_334 : i32 to vector<16xi32>
              %add3A_336 = vector.broadcast %scan3A_114 : i32 to vector<16xi32>
              %add3A_337 = arith.addi %broadcast_in_dim3A_335, %add3A_336 : vector<16xi32>
              tpu.vector_store_idx %arg10[%add3A_139, %add3A_337], %add3A_333 : memref<128x160xf32, #tpu.memory_space<vmem>>[vector<16xi32>, vector<16xi32>], vector<16xf32>,
              %broadcast_in_dim3A_338 = arith.constant 9 : i32
              %broadcast_in_dim3A_339 = vector.broadcast %broadcast_in_dim3A_338 : i32 to vector<16xi32>
              %gather3A_340 = tpu.vector_load_idx %arg8[%get3A_144, %broadcast_in_dim3A_339] : memref<4096x16xf32, #tpu.memory_space<vmem>>[vector<16xi32>, vector<16xi32>], vector<16xf32>,
              %gather3A_341 = tpu.vector_load_idx %arg8[%get3A_150, %broadcast_in_dim3A_339] : memref<4096x16xf32, #tpu.memory_space<vmem>>[vector<16xi32>, vector<16xi32>], vector<16xf32>,
              %gather3A_342 = tpu.vector_load_idx %arg8[%get3A_156, %broadcast_in_dim3A_339] : memref<4096x16xf32, #tpu.memory_space<vmem>>[vector<16xi32>, vector<16xi32>], vector<16xf32>,
              %gather3A_343 = tpu.vector_load_idx %arg8[%get3A_162, %broadcast_in_dim3A_339] : memref<4096x16xf32, #tpu.memory_space<vmem>>[vector<16xi32>, vector<16xi32>], vector<16xf32>,
              %mul3A_344 = arith.mulf %gather3A_340, %get3A_168 : vector<16xf32>
              %mul3A_345 = arith.mulf %gather3A_341, %get3A_174 : vector<16xf32>
              %add3A_346 = arith.addf %mul3A_344, %mul3A_345 : vector<16xf32>
              %mul3A_347 = arith.mulf %gather3A_342, %get3A_180 : vector<16xf32>
              %add3A_348 = arith.addf %add3A_346, %mul3A_347 : vector<16xf32>
              %mul3A_349 = arith.mulf %gather3A_343, %get3A_186 : vector<16xf32>
              %add3A_350 = arith.addf %add3A_348, %mul3A_349 : vector<16xf32>
              %broadcast_in_dim3A_351 = arith.constant 90 : i32
              %broadcast_in_dim3A_352 = vector.broadcast %broadcast_in_dim3A_351 : i32 to vector<16xi32>
              %add3A_353 = vector.broadcast %scan3A_114 : i32 to vector<16xi32>
              %add3A_354 = arith.addi %broadcast_in_dim3A_352, %add3A_353 : vector<16xi32>
              tpu.vector_store_idx %arg10[%add3A_139, %add3A_354], %add3A_350 : memref<128x160xf32, #tpu.memory_space<vmem>>[vector<16xi32>, vector<16xi32>], vector<16xf32>,
              %broadcast_in_dim3A_355 = arith.constant 10 : i32
              %broadcast_in_dim3A_356 = vector.broadcast %broadcast_in_dim3A_355 : i32 to vector<16xi32>
              %gather3A_357 = tpu.vector_load_idx %arg8[%get3A_144, %broadcast_in_dim3A_356] : memref<4096x16xf32, #tpu.memory_space<vmem>>[vector<16xi32>, vector<16xi32>], vector<16xf32>,
              %gather3A_358 = tpu.vector_load_idx %arg8[%get3A_150, %broadcast_in_dim3A_356] : memref<4096x16xf32, #tpu.memory_space<vmem>>[vector<16xi32>, vector<16xi32>], vector<16xf32>,
              %gather3A_359 = tpu.vector_load_idx %arg8[%get3A_156, %broadcast_in_dim3A_356] : memref<4096x16xf32, #tpu.memory_space<vmem>>[vector<16xi32>, vector<16xi32>], vector<16xf32>,
              %gather3A_360 = tpu.vector_load_idx %arg8[%get3A_162, %broadcast_in_dim3A_356] : memref<4096x16xf32, #tpu.memory_space<vmem>>[vector<16xi32>, vector<16xi32>], vector<16xf32>,
              %mul3A_361 = arith.mulf %gather3A_357, %get3A_168 : vector<16xf32>
              %mul3A_362 = arith.mulf %gather3A_358, %get3A_174 : vector<16xf32>
              %add3A_363 = arith.addf %mul3A_361, %mul3A_362 : vector<16xf32>
              %mul3A_364 = arith.mulf %gather3A_359, %get3A_180 : vector<16xf32>
              %add3A_365 = arith.addf %add3A_363, %mul3A_364 : vector<16xf32>
              %mul3A_366 = arith.mulf %gather3A_360, %get3A_186 : vector<16xf32>
              %add3A_367 = arith.addf %add3A_365, %mul3A_366 : vector<16xf32>
              %broadcast_in_dim3A_368 = arith.constant 100 : i32
              %broadcast_in_dim3A_369 = vector.broadcast %broadcast_in_dim3A_368 : i32 to vector<16xi32>
              %add3A_370 = vector.broadcast %scan3A_114 : i32 to vector<16xi32>
              %add3A_371 = arith.addi %broadcast_in_dim3A_369, %add3A_370 : vector<16xi32>
              tpu.vector_store_idx %arg10[%add3A_139, %add3A_371], %add3A_367 : memref<128x160xf32, #tpu.memory_space<vmem>>[vector<16xi32>, vector<16xi32>], vector<16xf32>,
              %broadcast_in_dim3A_372 = arith.constant 11 : i32
              %broadcast_in_dim3A_373 = vector.broadcast %broadcast_in_dim3A_372 : i32 to vector<16xi32>
              %gather3A_374 = tpu.vector_load_idx %arg8[%get3A_144, %broadcast_in_dim3A_373] : memref<4096x16xf32, #tpu.memory_space<vmem>>[vector<16xi32>, vector<16xi32>], vector<16xf32>,
              %gather3A_375 = tpu.vector_load_idx %arg8[%get3A_150, %broadcast_in_dim3A_373] : memref<4096x16xf32, #tpu.memory_space<vmem>>[vector<16xi32>, vector<16xi32>], vector<16xf32>,
              %gather3A_376 = tpu.vector_load_idx %arg8[%get3A_156, %broadcast_in_dim3A_373] : memref<4096x16xf32, #tpu.memory_space<vmem>>[vector<16xi32>, vector<16xi32>], vector<16xf32>,
              %gather3A_377 = tpu.vector_load_idx %arg8[%get3A_162, %broadcast_in_dim3A_373] : memref<4096x16xf32, #tpu.memory_space<vmem>>[vector<16xi32>, vector<16xi32>], vector<16xf32>,
              %mul3A_378 = arith.mulf %gather3A_374, %get3A_168 : vector<16xf32>
              %mul3A_379 = arith.mulf %gather3A_375, %get3A_174 : vector<16xf32>
              %add3A_380 = arith.addf %mul3A_378, %mul3A_379 : vector<16xf32>
              %mul3A_381 = arith.mulf %gather3A_376, %get3A_180 : vector<16xf32>
              %add3A_382 = arith.addf %add3A_380, %mul3A_381 : vector<16xf32>
              %mul3A_383 = arith.mulf %gather3A_377, %get3A_186 : vector<16xf32>
              %add3A_384 = arith.addf %add3A_382, %mul3A_383 : vector<16xf32>
              %broadcast_in_dim3A_385 = arith.constant 110 : i32
              %broadcast_in_dim3A_386 = vector.broadcast %broadcast_in_dim3A_385 : i32 to vector<16xi32>
              %add3A_387 = vector.broadcast %scan3A_114 : i32 to vector<16xi32>
              %add3A_388 = arith.addi %broadcast_in_dim3A_386, %add3A_387 : vector<16xi32>
              tpu.vector_store_idx %arg10[%add3A_139, %add3A_388], %add3A_384 : memref<128x160xf32, #tpu.memory_space<vmem>>[vector<16xi32>, vector<16xi32>], vector<16xf32>,
              %broadcast_in_dim3A_389 = arith.constant 12 : i32
              %broadcast_in_dim3A_390 = vector.broadcast %broadcast_in_dim3A_389 : i32 to vector<16xi32>
              %gather3A_391 = tpu.vector_load_idx %arg8[%get3A_144, %broadcast_in_dim3A_390] : memref<4096x16xf32, #tpu.memory_space<vmem>>[vector<16xi32>, vector<16xi32>], vector<16xf32>,
              %gather3A_392 = tpu.vector_load_idx %arg8[%get3A_150, %broadcast_in_dim3A_390] : memref<4096x16xf32, #tpu.memory_space<vmem>>[vector<16xi32>, vector<16xi32>], vector<16xf32>,
              %gather3A_393 = tpu.vector_load_idx %arg8[%get3A_156, %broadcast_in_dim3A_390] : memref<4096x16xf32, #tpu.memory_space<vmem>>[vector<16xi32>, vector<16xi32>], vector<16xf32>,
              %gather3A_394 = tpu.vector_load_idx %arg8[%get3A_162, %broadcast_in_dim3A_390] : memref<4096x16xf32, #tpu.memory_space<vmem>>[vector<16xi32>, vector<16xi32>], vector<16xf32>,
              %mul3A_395 = arith.mulf %gather3A_391, %get3A_168 : vector<16xf32>
              %mul3A_396 = arith.mulf %gather3A_392, %get3A_174 : vector<16xf32>
              %add3A_397 = arith.addf %mul3A_395, %mul3A_396 : vector<16xf32>
              %mul3A_398 = arith.mulf %gather3A_393, %get3A_180 : vector<16xf32>
              %add3A_399 = arith.addf %add3A_397, %mul3A_398 : vector<16xf32>
              %mul3A_400 = arith.mulf %gather3A_394, %get3A_186 : vector<16xf32>
              %add3A_401 = arith.addf %add3A_399, %mul3A_400 : vector<16xf32>
              %broadcast_in_dim3A_402 = arith.constant 120 : i32
              %broadcast_in_dim3A_403 = vector.broadcast %broadcast_in_dim3A_402 : i32 to vector<16xi32>
              %add3A_404 = vector.broadcast %scan3A_114 : i32 to vector<16xi32>
              %add3A_405 = arith.addi %broadcast_in_dim3A_403, %add3A_404 : vector<16xi32>
              tpu.vector_store_idx %arg10[%add3A_139, %add3A_405], %add3A_401 : memref<128x160xf32, #tpu.memory_space<vmem>>[vector<16xi32>, vector<16xi32>], vector<16xf32>,
              %broadcast_in_dim3A_406 = arith.constant 13 : i32
              %broadcast_in_dim3A_407 = vector.broadcast %broadcast_in_dim3A_406 : i32 to vector<16xi32>
              %gather3A_408 = tpu.vector_load_idx %arg8[%get3A_144, %broadcast_in_dim3A_407] : memref<4096x16xf32, #tpu.memory_space<vmem>>[vector<16xi32>, vector<16xi32>], vector<16xf32>,
              %gather3A_409 = tpu.vector_load_idx %arg8[%get3A_150, %broadcast_in_dim3A_407] : memref<4096x16xf32, #tpu.memory_space<vmem>>[vector<16xi32>, vector<16xi32>], vector<16xf32>,
              %gather3A_410 = tpu.vector_load_idx %arg8[%get3A_156, %broadcast_in_dim3A_407] : memref<4096x16xf32, #tpu.memory_space<vmem>>[vector<16xi32>, vector<16xi32>], vector<16xf32>,
              %gather3A_411 = tpu.vector_load_idx %arg8[%get3A_162, %broadcast_in_dim3A_407] : memref<4096x16xf32, #tpu.memory_space<vmem>>[vector<16xi32>, vector<16xi32>], vector<16xf32>,
              %mul3A_412 = arith.mulf %gather3A_408, %get3A_168 : vector<16xf32>
              %mul3A_413 = arith.mulf %gather3A_409, %get3A_174 : vector<16xf32>
              %add3A_414 = arith.addf %mul3A_412, %mul3A_413 : vector<16xf32>
              %mul3A_415 = arith.mulf %gather3A_410, %get3A_180 : vector<16xf32>
              %add3A_416 = arith.addf %add3A_414, %mul3A_415 : vector<16xf32>
              %mul3A_417 = arith.mulf %gather3A_411, %get3A_186 : vector<16xf32>
              %add3A_418 = arith.addf %add3A_416, %mul3A_417 : vector<16xf32>
              %broadcast_in_dim3A_419 = arith.constant 130 : i32
              %broadcast_in_dim3A_420 = vector.broadcast %broadcast_in_dim3A_419 : i32 to vector<16xi32>
              %add3A_421 = vector.broadcast %scan3A_114 : i32 to vector<16xi32>
              %add3A_422 = arith.addi %broadcast_in_dim3A_420, %add3A_421 : vector<16xi32>
              tpu.vector_store_idx %arg10[%add3A_139, %add3A_422], %add3A_418 : memref<128x160xf32, #tpu.memory_space<vmem>>[vector<16xi32>, vector<16xi32>], vector<16xf32>,
              %broadcast_in_dim3A_423 = arith.constant 14 : i32
              %broadcast_in_dim3A_424 = vector.broadcast %broadcast_in_dim3A_423 : i32 to vector<16xi32>
              %gather3A_425 = tpu.vector_load_idx %arg8[%get3A_144, %broadcast_in_dim3A_424] : memref<4096x16xf32, #tpu.memory_space<vmem>>[vector<16xi32>, vector<16xi32>], vector<16xf32>,
              %gather3A_426 = tpu.vector_load_idx %arg8[%get3A_150, %broadcast_in_dim3A_424] : memref<4096x16xf32, #tpu.memory_space<vmem>>[vector<16xi32>, vector<16xi32>], vector<16xf32>,
              %gather3A_427 = tpu.vector_load_idx %arg8[%get3A_156, %broadcast_in_dim3A_424] : memref<4096x16xf32, #tpu.memory_space<vmem>>[vector<16xi32>, vector<16xi32>], vector<16xf32>,
              %gather3A_428 = tpu.vector_load_idx %arg8[%get3A_162, %broadcast_in_dim3A_424] : memref<4096x16xf32, #tpu.memory_space<vmem>>[vector<16xi32>, vector<16xi32>], vector<16xf32>,
              %mul3A_429 = arith.mulf %gather3A_425, %get3A_168 : vector<16xf32>
              %mul3A_430 = arith.mulf %gather3A_426, %get3A_174 : vector<16xf32>
              %add3A_431 = arith.addf %mul3A_429, %mul3A_430 : vector<16xf32>
              %mul3A_432 = arith.mulf %gather3A_427, %get3A_180 : vector<16xf32>
              %add3A_433 = arith.addf %add3A_431, %mul3A_432 : vector<16xf32>
              %mul3A_434 = arith.mulf %gather3A_428, %get3A_186 : vector<16xf32>
              %add3A_435 = arith.addf %add3A_433, %mul3A_434 : vector<16xf32>
              %broadcast_in_dim3A_436 = arith.constant 140 : i32
              %broadcast_in_dim3A_437 = vector.broadcast %broadcast_in_dim3A_436 : i32 to vector<16xi32>
              %add3A_438 = vector.broadcast %scan3A_114 : i32 to vector<16xi32>
              %add3A_439 = arith.addi %broadcast_in_dim3A_437, %add3A_438 : vector<16xi32>
              tpu.vector_store_idx %arg10[%add3A_139, %add3A_439], %add3A_435 : memref<128x160xf32, #tpu.memory_space<vmem>>[vector<16xi32>, vector<16xi32>], vector<16xf32>,
              %broadcast_in_dim3A_440 = arith.constant 15 : i32
              %broadcast_in_dim3A_441 = vector.broadcast %broadcast_in_dim3A_440 : i32 to vector<16xi32>
              %gather3A_442 = tpu.vector_load_idx %arg8[%get3A_144, %broadcast_in_dim3A_441] : memref<4096x16xf32, #tpu.memory_space<vmem>>[vector<16xi32>, vector<16xi32>], vector<16xf32>,
              %gather3A_443 = tpu.vector_load_idx %arg8[%get3A_150, %broadcast_in_dim3A_441] : memref<4096x16xf32, #tpu.memory_space<vmem>>[vector<16xi32>, vector<16xi32>], vector<16xf32>,
              %gather3A_444 = tpu.vector_load_idx %arg8[%get3A_156, %broadcast_in_dim3A_441] : memref<4096x16xf32, #tpu.memory_space<vmem>>[vector<16xi32>, vector<16xi32>], vector<16xf32>,
              %gather3A_445 = tpu.vector_load_idx %arg8[%get3A_162, %broadcast_in_dim3A_441] : memref<4096x16xf32, #tpu.memory_space<vmem>>[vector<16xi32>, vector<16xi32>], vector<16xf32>,
              %mul3A_446 = arith.mulf %gather3A_442, %get3A_168 : vector<16xf32>
              %mul3A_447 = arith.mulf %gather3A_443, %get3A_174 : vector<16xf32>
              %add3A_448 = arith.addf %mul3A_446, %mul3A_447 : vector<16xf32>
              %mul3A_449 = arith.mulf %gather3A_444, %get3A_180 : vector<16xf32>
              %add3A_450 = arith.addf %add3A_448, %mul3A_449 : vector<16xf32>
              %mul3A_451 = arith.mulf %gather3A_445, %get3A_186 : vector<16xf32>
              %add3A_452 = arith.addf %add3A_450, %mul3A_451 : vector<16xf32>
              %broadcast_in_dim3A_453 = arith.constant 150 : i32
              %broadcast_in_dim3A_454 = vector.broadcast %broadcast_in_dim3A_453 : i32 to vector<16xi32>
              %add3A_455 = vector.broadcast %scan3A_114 : i32 to vector<16xi32>
              %add3A_456 = arith.addi %broadcast_in_dim3A_454, %add3A_455 : vector<16xi32>
              tpu.vector_store_idx %arg10[%add3A_139, %add3A_456], %add3A_452 : memref<128x160xf32, #tpu.memory_space<vmem>>[vector<16xi32>, vector<16xi32>], vector<16xf32>,
            }
            %scan3A_134 = arith.constant 8 : i32
          } else {
          }
          %gt3A = arith.constant 0 : i32
          %gt3A_125 = arith.cmpi sgt, %scan3A_114, %gt3A : i32
          %convert_element_type3A_126 = arith.extui %gt3A_125 : i1 to i32
          %cond3A_127 = arith.constant 0 : i32
          %cond3A_128 = arith.cmpi ne, %convert_element_type3A_126, %cond3A_127 : i32
          scf.if %cond3A_128 {
            %add3A_129 = arith.constant 5 : i32
            %add3A_130 = arith.addi %add3A_129, %scan3A_114 : i32
            %sub3A = arith.constant 1 : i32
            %sub3A_131 = arith.subi %add3A_130, %sub3A : i32
            %jit3A_132 = arith.constant 2 : i32
            %eq3A_133 = arith.constant 0 : i32
            %eq3A_134 = arith.cmpi eq, %jit3A_132, %eq3A_133 : i32
            %jit3A_135 = arith.constant 1 : i32
            %select_n3A_136 = arith.select %eq3A_134, %jit3A_135, %jit3A_132 : i32
            %rem3A_137 = arith.remsi %sub3A_131, %select_n3A_136 : i32
            %ne3A_138 = arith.constant 0 : i32
            %ne3A_139 = arith.cmpi ne, %rem3A_137, %ne3A_138 : i32
            %lt3A_140 = arith.constant 0 : i32
            %lt3A_141 = arith.cmpi slt, %rem3A_137, %lt3A_140 : i32
            %lt3A_142 = arith.constant 0 : i32
            %lt3A_143 = arith.cmpi slt, %select_n3A_136, %lt3A_142 : i32
            %ne3A_144 = arith.xori %lt3A_141, %lt3A_143 : i1
            %and3A_145 = arith.andi %ne3A_144, %ne3A_139 : i1
            %add3A_146 = arith.addi %rem3A_137, %select_n3A_136 : i32
            %select_n3A_147 = arith.select %and3A_145, %add3A_146, %rem3A_137 : i32
            %mul3A_148 = arith.constant 4 : i32
            %mul3A_149 = arith.muli %select_n3A_147, %mul3A_148 : i32
            %mul3A_150 = arith.constant 128 : i32
            %mul3A_151 = arith.muli %mul3A_149, %mul3A_150 : i32
            %dma_wait3A_152 = arith.constant 0 : i32
            %dma_wait3A_153 = tpu.memref_slice %arg9[%mul3A_151, %dma_wait3A_152] : memref<1024x16xf32, #tpu.memory_space<vmem>> -> memref<512x16xf32, #tpu.memory_space<vmem>>
            %dma_wait3A_154 = arith.constant 0 : i32
            %dma_wait3A_155 = arith.constant 0 : i32
            %dma_wait3A_156 = tpu.memref_slice %arg4[%dma_wait3A_154, %dma_wait3A_155] : memref<4194300x16xf32, #tpu.memory_space<hbm>> -> memref<512x16xf32, #tpu.memory_space<hbm>>
            %dma_wait3A_157 = arith.constant 0 : i32
            %dma_wait3A_158 = tpu.memref_slice %arg9[%mul3A_151, %dma_wait3A_157] : memref<1024x16xf32, #tpu.memory_space<vmem>> -> memref<512x16xf32, #tpu.memory_space<vmem>>
            %dma_wait3A_159 = arith.constant 0 : i32
            %dma_wait3A_160 = arith.constant 0 : i32
            %dma_wait3A_161 = tpu.memref_slice %arg4[%dma_wait3A_159, %dma_wait3A_160] : memref<4194300x16xf32, #tpu.memory_space<hbm>> -> memref<512x16xf32, #tpu.memory_space<hbm>>
            tpu.wait_dma2 semaphore(%arg12 : memref<!tpu.dma_semaphore, #tpu.memory_space<semaphore_mem>>) src(%dma_wait3A_161 : memref<512x16xf32, #tpu.memory_space<hbm>>) dst(%dma_wait3A_158 : memref<512x16xf32, #tpu.memory_space<vmem>>)
            %add3A_162 = vector.broadcast %sub3A_131 : i32 to vector<16xi32>
            %add3A_163 = arith.addi %mul3A_3, %add3A_162 : vector<16xi32>
            %scan3A_164 = arith.constant 0 : i32
            %scan3A_165 = arith.constant 0 : i32
            %scan3A_166 = arith.constant 8 : i32
            %scan3A_167 = arith.addi %scan3A_165, %scan3A_166 : i32
            %scan3A_168 = arith.constant 1 : i32
            scf.for %scan3A_170 = %scan3A_165 to %scan3A_167 step %scan3A_168  : i32 {
              %mul3A_171 = arith.constant 16 : i32
              %mul3A_172 = arith.muli %scan3A_170, %mul3A_171 : i32
              %get3A = arith.constant 0 : i32
              %get3A_173 = arith.index_cast %select_n3A_61 : i32 to index
              %get3A_174 = arith.index_cast %sub3A_131 : i32 to index
              %get3A_175 = arith.index_cast %get3A : i32 to index
              %get3A_176 = arith.index_cast %mul3A_172 : i32 to index
              %get3A_177 = tpu.vector_load %arg7[%get3A_173, %get3A_174, %get3A_175, %get3A_176] {strides = array<i32>} : memref<2x10x4x128xf32, #tpu.memory_space<vmem>>, vector<16xf32>,
              %get3A_178 = arith.constant 1 : i32
              %get3A_179 = arith.index_cast %select_n3A_61 : i32 to index
              %get3A_180 = arith.index_cast %sub3A_131 : i32 to index
              %get3A_181 = arith.index_cast %get3A_178 : i32 to index
              %get3A_182 = arith.index_cast %mul3A_172 : i32 to index
              %get3A_183 = tpu.vector_load %arg7[%get3A_179, %get3A_180, %get3A_181, %get3A_182] {strides = array<i32>} : memref<2x10x4x128xf32, #tpu.memory_space<vmem>>, vector<16xf32>,
              %get3A_184 = arith.constant 2 : i32
              %get3A_185 = arith.index_cast %select_n3A_61 : i32 to index
              %get3A_186 = arith.index_cast %sub3A_131 : i32 to index
              %get3A_187 = arith.index_cast %get3A_184 : i32 to index
              %get3A_188 = arith.index_cast %mul3A_172 : i32 to index
              %get3A_189 = tpu.vector_load %arg7[%get3A_185, %get3A_186, %get3A_187, %get3A_188] {strides = array<i32>} : memref<2x10x4x128xf32, #tpu.memory_space<vmem>>, vector<16xf32>,
              %get3A_190 = arith.constant 3 : i32
              %get3A_191 = arith.index_cast %select_n3A_61 : i32 to index
              %get3A_192 = arith.index_cast %sub3A_131 : i32 to index
              %get3A_193 = arith.index_cast %get3A_190 : i32 to index
              %get3A_194 = arith.index_cast %mul3A_172 : i32 to index
              %get3A_195 = tpu.vector_load %arg7[%get3A_191, %get3A_192, %get3A_193, %get3A_194] {strides = array<i32>} : memref<2x10x4x128xf32, #tpu.memory_space<vmem>>, vector<16xf32>,
              %add3A_196 = arith.constant 0 : i32
              %add3A_197 = arith.addi %mul3A_172, %add3A_196 : i32
              %add3A_198 = arith.constant 0 : i32
              %add3A_199 = arith.addi %mul3A_151, %add3A_198 : i32
              %add3A_200 = arith.addi %add3A_199, %add3A_197 : i32
              %get3A_201 = arith.index_cast %add3A_200 : i32 to index
              %get3A_202 = arith.constant 0 : index
              %get3A_203 = tpu.vector_load %arg9[%get3A_201, %get3A_202] {strides = array<i32>} : memref<1024x16xf32, #tpu.memory_space<vmem>>, vector<16xf32>,
              %slice3A = vector.extract_strided_slice %get3A_177 {offsets = [0], sizes = [1], strides = [1]} : vector<16xf32> to vector<1xf32>
              %squeeze3A = vector.extract %slice3A[0] : f32 from vector<1xf32>
              %mul3A_204 = vector.broadcast %squeeze3A : f32 to vector<16xf32>
              %mul3A_205 = arith.mulf %get3A_203, %mul3A_204 : vector<16xf32>
              %add3A_206 = arith.constant 128 : i32
              %add3A_207 = arith.addi %mul3A_151, %add3A_206 : i32
              %add3A_208 = arith.addi %add3A_207, %add3A_197 : i32
              %get3A_209 = arith.index_cast %add3A_208 : i32 to index
              %get3A_210 = arith.constant 0 : index
              %get3A_211 = tpu.vector_load %arg9[%get3A_209, %get3A_210] {strides = array<i32>} : memref<1024x16xf32, #tpu.memory_space<vmem>>, vector<16xf32>,
              %slice3A_212 = vector.extract_strided_slice %get3A_183 {offsets = [0], sizes = [1], strides = [1]} : vector<16xf32> to vector<1xf32>
              %squeeze3A_213 = vector.extract %slice3A_212[0] : f32 from vector<1xf32>
              %mul3A_214 = vector.broadcast %squeeze3A_213 : f32 to vector<16xf32>
              %mul3A_215 = arith.mulf %get3A_211, %mul3A_214 : vector<16xf32>
              %add3A_216 = arith.addf %mul3A_205, %mul3A_215 : vector<16xf32>
              %add3A_217 = arith.constant 256 : i32
              %add3A_218 = arith.addi %mul3A_151, %add3A_217 : i32
              %add3A_219 = arith.addi %add3A_218, %add3A_197 : i32
              %get3A_220 = arith.index_cast %add3A_219 : i32 to index
              %get3A_221 = arith.constant 0 : index
              %get3A_222 = tpu.vector_load %arg9[%get3A_220, %get3A_221] {strides = array<i32>} : memref<1024x16xf32, #tpu.memory_space<vmem>>, vector<16xf32>,
              %slice3A_223 = vector.extract_strided_slice %get3A_189 {offsets = [0], sizes = [1], strides = [1]} : vector<16xf32> to vector<1xf32>
              %squeeze3A_224 = vector.extract %slice3A_223[0] : f32 from vector<1xf32>
              %mul3A_225 = vector.broadcast %squeeze3A_224 : f32 to vector<16xf32>
              %mul3A_226 = arith.mulf %get3A_222, %mul3A_225 : vector<16xf32>
              %add3A_227 = arith.addf %add3A_216, %mul3A_226 : vector<16xf32>
              %add3A_228 = arith.constant 384 : i32
              %add3A_229 = arith.addi %mul3A_151, %add3A_228 : i32
              %add3A_230 = arith.addi %add3A_229, %add3A_197 : i32
              %get3A_231 = arith.index_cast %add3A_230 : i32 to index
              %get3A_232 = arith.constant 0 : index
              %get3A_233 = tpu.vector_load %arg9[%get3A_231, %get3A_232] {strides = array<i32>} : memref<1024x16xf32, #tpu.memory_space<vmem>>, vector<16xf32>,
              %slice3A_234 = vector.extract_strided_slice %get3A_195 {offsets = [0], sizes = [1], strides = [1]} : vector<16xf32> to vector<1xf32>
              %squeeze3A_235 = vector.extract %slice3A_234[0] : f32 from vector<1xf32>
              %mul3A_236 = vector.broadcast %squeeze3A_235 : f32 to vector<16xf32>
              %mul3A_237 = arith.mulf %get3A_233, %mul3A_236 : vector<16xf32>
              %add3A_238 = arith.addf %add3A_227, %mul3A_237 : vector<16xf32>
              %broadcast_in_dim3A = vector.broadcast %add3A_197 : i32 to vector<16xi32>
              tpu.vector_store_idx %arg10[%broadcast_in_dim3A, %add3A_163], %add3A_238 : memref<128x160xf32, #tpu.memory_space<vmem>>[vector<16xi32>, vector<16xi32>], vector<16xf32>,
              %add3A_239 = arith.constant 1 : i32
              %add3A_240 = arith.addi %mul3A_172, %add3A_239 : i32
              %add3A_241 = arith.constant 0 : i32
              %add3A_242 = arith.addi %mul3A_151, %add3A_241 : i32
              %add3A_243 = arith.addi %add3A_242, %add3A_240 : i32
              %get3A_244 = arith.index_cast %add3A_243 : i32 to index
              %get3A_245 = arith.constant 0 : index
              %get3A_246 = tpu.vector_load %arg9[%get3A_244, %get3A_245] {strides = array<i32>} : memref<1024x16xf32, #tpu.memory_space<vmem>>, vector<16xf32>,
              %slice3A_247 = vector.extract_strided_slice %get3A_177 {offsets = [1], sizes = [1], strides = [1]} : vector<16xf32> to vector<1xf32>
              %squeeze3A_248 = vector.extract %slice3A_247[0] : f32 from vector<1xf32>
              %mul3A_249 = vector.broadcast %squeeze3A_248 : f32 to vector<16xf32>
              %mul3A_250 = arith.mulf %get3A_246, %mul3A_249 : vector<16xf32>
              %add3A_251 = arith.constant 128 : i32
              %add3A_252 = arith.addi %mul3A_151, %add3A_251 : i32
              %add3A_253 = arith.addi %add3A_252, %add3A_240 : i32
              %get3A_254 = arith.index_cast %add3A_253 : i32 to index
              %get3A_255 = arith.constant 0 : index
              %get3A_256 = tpu.vector_load %arg9[%get3A_254, %get3A_255] {strides = array<i32>} : memref<1024x16xf32, #tpu.memory_space<vmem>>, vector<16xf32>,
              %slice3A_257 = vector.extract_strided_slice %get3A_183 {offsets = [1], sizes = [1], strides = [1]} : vector<16xf32> to vector<1xf32>
              %squeeze3A_258 = vector.extract %slice3A_257[0] : f32 from vector<1xf32>
              %mul3A_259 = vector.broadcast %squeeze3A_258 : f32 to vector<16xf32>
              %mul3A_260 = arith.mulf %get3A_256, %mul3A_259 : vector<16xf32>
              %add3A_261 = arith.addf %mul3A_250, %mul3A_260 : vector<16xf32>
              %add3A_262 = arith.constant 256 : i32
              %add3A_263 = arith.addi %mul3A_151, %add3A_262 : i32
              %add3A_264 = arith.addi %add3A_263, %add3A_240 : i32
              %get3A_265 = arith.index_cast %add3A_264 : i32 to index
              %get3A_266 = arith.constant 0 : index
              %get3A_267 = tpu.vector_load %arg9[%get3A_265, %get3A_266] {strides = array<i32>} : memref<1024x16xf32, #tpu.memory_space<vmem>>, vector<16xf32>,
              %slice3A_268 = vector.extract_strided_slice %get3A_189 {offsets = [1], sizes = [1], strides = [1]} : vector<16xf32> to vector<1xf32>
              %squeeze3A_269 = vector.extract %slice3A_268[0] : f32 from vector<1xf32>
              %mul3A_270 = vector.broadcast %squeeze3A_269 : f32 to vector<16xf32>
              %mul3A_271 = arith.mulf %get3A_267, %mul3A_270 : vector<16xf32>
              %add3A_272 = arith.addf %add3A_261, %mul3A_271 : vector<16xf32>
              %add3A_273 = arith.constant 384 : i32
              %add3A_274 = arith.addi %mul3A_151, %add3A_273 : i32
              %add3A_275 = arith.addi %add3A_274, %add3A_240 : i32
              %get3A_276 = arith.index_cast %add3A_275 : i32 to index
              %get3A_277 = arith.constant 0 : index
              %get3A_278 = tpu.vector_load %arg9[%get3A_276, %get3A_277] {strides = array<i32>} : memref<1024x16xf32, #tpu.memory_space<vmem>>, vector<16xf32>,
              %slice3A_279 = vector.extract_strided_slice %get3A_195 {offsets = [1], sizes = [1], strides = [1]} : vector<16xf32> to vector<1xf32>
              %squeeze3A_280 = vector.extract %slice3A_279[0] : f32 from vector<1xf32>
              %mul3A_281 = vector.broadcast %squeeze3A_280 : f32 to vector<16xf32>
              %mul3A_282 = arith.mulf %get3A_278, %mul3A_281 : vector<16xf32>
              %add3A_283 = arith.addf %add3A_272, %mul3A_282 : vector<16xf32>
              %broadcast_in_dim3A_284 = vector.broadcast %add3A_240 : i32 to vector<16xi32>
              tpu.vector_store_idx %arg10[%broadcast_in_dim3A_284, %add3A_163], %add3A_283 : memref<128x160xf32, #tpu.memory_space<vmem>>[vector<16xi32>, vector<16xi32>], vector<16xf32>,
              %add3A_285 = arith.constant 2 : i32
              %add3A_286 = arith.addi %mul3A_172, %add3A_285 : i32
              %add3A_287 = arith.constant 0 : i32
              %add3A_288 = arith.addi %mul3A_151, %add3A_287 : i32
              %add3A_289 = arith.addi %add3A_288, %add3A_286 : i32
              %get3A_290 = arith.index_cast %add3A_289 : i32 to index
              %get3A_291 = arith.constant 0 : index
              %get3A_292 = tpu.vector_load %arg9[%get3A_290, %get3A_291] {strides = array<i32>} : memref<1024x16xf32, #tpu.memory_space<vmem>>, vector<16xf32>,
              %slice3A_293 = vector.extract_strided_slice %get3A_177 {offsets = [2], sizes = [1], strides = [1]} : vector<16xf32> to vector<1xf32>
              %squeeze3A_294 = vector.extract %slice3A_293[0] : f32 from vector<1xf32>
              %mul3A_295 = vector.broadcast %squeeze3A_294 : f32 to vector<16xf32>
              %mul3A_296 = arith.mulf %get3A_292, %mul3A_295 : vector<16xf32>
              %add3A_297 = arith.constant 128 : i32
              %add3A_298 = arith.addi %mul3A_151, %add3A_297 : i32
              %add3A_299 = arith.addi %add3A_298, %add3A_286 : i32
              %get3A_300 = arith.index_cast %add3A_299 : i32 to index
              %get3A_301 = arith.constant 0 : index
              %get3A_302 = tpu.vector_load %arg9[%get3A_300, %get3A_301] {strides = array<i32>} : memref<1024x16xf32, #tpu.memory_space<vmem>>, vector<16xf32>,
              %slice3A_303 = vector.extract_strided_slice %get3A_183 {offsets = [2], sizes = [1], strides = [1]} : vector<16xf32> to vector<1xf32>
              %squeeze3A_304 = vector.extract %slice3A_303[0] : f32 from vector<1xf32>
              %mul3A_305 = vector.broadcast %squeeze3A_304 : f32 to vector<16xf32>
              %mul3A_306 = arith.mulf %get3A_302, %mul3A_305 : vector<16xf32>
              %add3A_307 = arith.addf %mul3A_296, %mul3A_306 : vector<16xf32>
              %add3A_308 = arith.constant 256 : i32
              %add3A_309 = arith.addi %mul3A_151, %add3A_308 : i32
              %add3A_310 = arith.addi %add3A_309, %add3A_286 : i32
              %get3A_311 = arith.index_cast %add3A_310 : i32 to index
              %get3A_312 = arith.constant 0 : index
              %get3A_313 = tpu.vector_load %arg9[%get3A_311, %get3A_312] {strides = array<i32>} : memref<1024x16xf32, #tpu.memory_space<vmem>>, vector<16xf32>,
              %slice3A_314 = vector.extract_strided_slice %get3A_189 {offsets = [2], sizes = [1], strides = [1]} : vector<16xf32> to vector<1xf32>
              %squeeze3A_315 = vector.extract %slice3A_314[0] : f32 from vector<1xf32>
              %mul3A_316 = vector.broadcast %squeeze3A_315 : f32 to vector<16xf32>
              %mul3A_317 = arith.mulf %get3A_313, %mul3A_316 : vector<16xf32>
              %add3A_318 = arith.addf %add3A_307, %mul3A_317 : vector<16xf32>
              %add3A_319 = arith.constant 384 : i32
              %add3A_320 = arith.addi %mul3A_151, %add3A_319 : i32
              %add3A_321 = arith.addi %add3A_320, %add3A_286 : i32
              %get3A_322 = arith.index_cast %add3A_321 : i32 to index
              %get3A_323 = arith.constant 0 : index
              %get3A_324 = tpu.vector_load %arg9[%get3A_322, %get3A_323] {strides = array<i32>} : memref<1024x16xf32, #tpu.memory_space<vmem>>, vector<16xf32>,
              %slice3A_325 = vector.extract_strided_slice %get3A_195 {offsets = [2], sizes = [1], strides = [1]} : vector<16xf32> to vector<1xf32>
              %squeeze3A_326 = vector.extract %slice3A_325[0] : f32 from vector<1xf32>
              %mul3A_327 = vector.broadcast %squeeze3A_326 : f32 to vector<16xf32>
              %mul3A_328 = arith.mulf %get3A_324, %mul3A_327 : vector<16xf32>
              %add3A_329 = arith.addf %add3A_318, %mul3A_328 : vector<16xf32>
              %broadcast_in_dim3A_330 = vector.broadcast %add3A_286 : i32 to vector<16xi32>
              tpu.vector_store_idx %arg10[%broadcast_in_dim3A_330, %add3A_163], %add3A_329 : memref<128x160xf32, #tpu.memory_space<vmem>>[vector<16xi32>, vector<16xi32>], vector<16xf32>,
              %add3A_331 = arith.constant 3 : i32
              %add3A_332 = arith.addi %mul3A_172, %add3A_331 : i32
              %add3A_333 = arith.constant 0 : i32
              %add3A_334 = arith.addi %mul3A_151, %add3A_333 : i32
              %add3A_335 = arith.addi %add3A_334, %add3A_332 : i32
              %get3A_336 = arith.index_cast %add3A_335 : i32 to index
              %get3A_337 = arith.constant 0 : index
              %get3A_338 = tpu.vector_load %arg9[%get3A_336, %get3A_337] {strides = array<i32>} : memref<1024x16xf32, #tpu.memory_space<vmem>>, vector<16xf32>,
              %slice3A_339 = vector.extract_strided_slice %get3A_177 {offsets = [3], sizes = [1], strides = [1]} : vector<16xf32> to vector<1xf32>
              %squeeze3A_340 = vector.extract %slice3A_339[0] : f32 from vector<1xf32>
              %mul3A_341 = vector.broadcast %squeeze3A_340 : f32 to vector<16xf32>
              %mul3A_342 = arith.mulf %get3A_338, %mul3A_341 : vector<16xf32>
              %add3A_343 = arith.constant 128 : i32
              %add3A_344 = arith.addi %mul3A_151, %add3A_343 : i32
              %add3A_345 = arith.addi %add3A_344, %add3A_332 : i32
              %get3A_346 = arith.index_cast %add3A_345 : i32 to index
              %get3A_347 = arith.constant 0 : index
              %get3A_348 = tpu.vector_load %arg9[%get3A_346, %get3A_347] {strides = array<i32>} : memref<1024x16xf32, #tpu.memory_space<vmem>>, vector<16xf32>,
              %slice3A_349 = vector.extract_strided_slice %get3A_183 {offsets = [3], sizes = [1], strides = [1]} : vector<16xf32> to vector<1xf32>
              %squeeze3A_350 = vector.extract %slice3A_349[0] : f32 from vector<1xf32>
              %mul3A_351 = vector.broadcast %squeeze3A_350 : f32 to vector<16xf32>
              %mul3A_352 = arith.mulf %get3A_348, %mul3A_351 : vector<16xf32>
              %add3A_353 = arith.addf %mul3A_342, %mul3A_352 : vector<16xf32>
              %add3A_354 = arith.constant 256 : i32
              %add3A_355 = arith.addi %mul3A_151, %add3A_354 : i32
              %add3A_356 = arith.addi %add3A_355, %add3A_332 : i32
              %get3A_357 = arith.index_cast %add3A_356 : i32 to index
              %get3A_358 = arith.constant 0 : index
              %get3A_359 = tpu.vector_load %arg9[%get3A_357, %get3A_358] {strides = array<i32>} : memref<1024x16xf32, #tpu.memory_space<vmem>>, vector<16xf32>,
              %slice3A_360 = vector.extract_strided_slice %get3A_189 {offsets = [3], sizes = [1], strides = [1]} : vector<16xf32> to vector<1xf32>
              %squeeze3A_361 = vector.extract %slice3A_360[0] : f32 from vector<1xf32>
              %mul3A_362 = vector.broadcast %squeeze3A_361 : f32 to vector<16xf32>
              %mul3A_363 = arith.mulf %get3A_359, %mul3A_362 : vector<16xf32>
              %add3A_364 = arith.addf %add3A_353, %mul3A_363 : vector<16xf32>
              %add3A_365 = arith.constant 384 : i32
              %add3A_366 = arith.addi %mul3A_151, %add3A_365 : i32
              %add3A_367 = arith.addi %add3A_366, %add3A_332 : i32
              %get3A_368 = arith.index_cast %add3A_367 : i32 to index
              %get3A_369 = arith.constant 0 : index
              %get3A_370 = tpu.vector_load %arg9[%get3A_368, %get3A_369] {strides = array<i32>} : memref<1024x16xf32, #tpu.memory_space<vmem>>, vector<16xf32>,
              %slice3A_371 = vector.extract_strided_slice %get3A_195 {offsets = [3], sizes = [1], strides = [1]} : vector<16xf32> to vector<1xf32>
              %squeeze3A_372 = vector.extract %slice3A_371[0] : f32 from vector<1xf32>
              %mul3A_373 = vector.broadcast %squeeze3A_372 : f32 to vector<16xf32>
              %mul3A_374 = arith.mulf %get3A_370, %mul3A_373 : vector<16xf32>
              %add3A_375 = arith.addf %add3A_364, %mul3A_374 : vector<16xf32>
              %broadcast_in_dim3A_376 = vector.broadcast %add3A_332 : i32 to vector<16xi32>
              tpu.vector_store_idx %arg10[%broadcast_in_dim3A_376, %add3A_163], %add3A_375 : memref<128x160xf32, #tpu.memory_space<vmem>>[vector<16xi32>, vector<16xi32>], vector<16xf32>,
              %add3A_377 = arith.constant 4 : i32
              %add3A_378 = arith.addi %mul3A_172, %add3A_377 : i32
              %add3A_379 = arith.constant 0 : i32
              %add3A_380 = arith.addi %mul3A_151, %add3A_379 : i32
              %add3A_381 = arith.addi %add3A_380, %add3A_378 : i32
              %get3A_382 = arith.index_cast %add3A_381 : i32 to index
              %get3A_383 = arith.constant 0 : index
              %get3A_384 = tpu.vector_load %arg9[%get3A_382, %get3A_383] {strides = array<i32>} : memref<1024x16xf32, #tpu.memory_space<vmem>>, vector<16xf32>,
              %slice3A_385 = vector.extract_strided_slice %get3A_177 {offsets = [4], sizes = [1], strides = [1]} : vector<16xf32> to vector<1xf32>
              %squeeze3A_386 = vector.extract %slice3A_385[0] : f32 from vector<1xf32>
              %mul3A_387 = vector.broadcast %squeeze3A_386 : f32 to vector<16xf32>
              %mul3A_388 = arith.mulf %get3A_384, %mul3A_387 : vector<16xf32>
              %add3A_389 = arith.constant 128 : i32
              %add3A_390 = arith.addi %mul3A_151, %add3A_389 : i32
              %add3A_391 = arith.addi %add3A_390, %add3A_378 : i32
              %get3A_392 = arith.index_cast %add3A_391 : i32 to index
              %get3A_393 = arith.constant 0 : index
              %get3A_394 = tpu.vector_load %arg9[%get3A_392, %get3A_393] {strides = array<i32>} : memref<1024x16xf32, #tpu.memory_space<vmem>>, vector<16xf32>,
              %slice3A_395 = vector.extract_strided_slice %get3A_183 {offsets = [4], sizes = [1], strides = [1]} : vector<16xf32> to vector<1xf32>
              %squeeze3A_396 = vector.extract %slice3A_395[0] : f32 from vector<1xf32>
              %mul3A_397 = vector.broadcast %squeeze3A_396 : f32 to vector<16xf32>
              %mul3A_398 = arith.mulf %get3A_394, %mul3A_397 : vector<16xf32>
              %add3A_399 = arith.addf %mul3A_388, %mul3A_398 : vector<16xf32>
              %add3A_400 = arith.constant 256 : i32
              %add3A_401 = arith.addi %mul3A_151, %add3A_400 : i32
              %add3A_402 = arith.addi %add3A_401, %add3A_378 : i32
              %get3A_403 = arith.index_cast %add3A_402 : i32 to index
              %get3A_404 = arith.constant 0 : index
              %get3A_405 = tpu.vector_load %arg9[%get3A_403, %get3A_404] {strides = array<i32>} : memref<1024x16xf32, #tpu.memory_space<vmem>>, vector<16xf32>,
              %slice3A_406 = vector.extract_strided_slice %get3A_189 {offsets = [4], sizes = [1], strides = [1]} : vector<16xf32> to vector<1xf32>
              %squeeze3A_407 = vector.extract %slice3A_406[0] : f32 from vector<1xf32>
              %mul3A_408 = vector.broadcast %squeeze3A_407 : f32 to vector<16xf32>
              %mul3A_409 = arith.mulf %get3A_405, %mul3A_408 : vector<16xf32>
              %add3A_410 = arith.addf %add3A_399, %mul3A_409 : vector<16xf32>
              %add3A_411 = arith.constant 384 : i32
              %add3A_412 = arith.addi %mul3A_151, %add3A_411 : i32
              %add3A_413 = arith.addi %add3A_412, %add3A_378 : i32
              %get3A_414 = arith.index_cast %add3A_413 : i32 to index
              %get3A_415 = arith.constant 0 : index
              %get3A_416 = tpu.vector_load %arg9[%get3A_414, %get3A_415] {strides = array<i32>} : memref<1024x16xf32, #tpu.memory_space<vmem>>, vector<16xf32>,
              %slice3A_417 = vector.extract_strided_slice %get3A_195 {offsets = [4], sizes = [1], strides = [1]} : vector<16xf32> to vector<1xf32>
              %squeeze3A_418 = vector.extract %slice3A_417[0] : f32 from vector<1xf32>
              %mul3A_419 = vector.broadcast %squeeze3A_418 : f32 to vector<16xf32>
              %mul3A_420 = arith.mulf %get3A_416, %mul3A_419 : vector<16xf32>
              %add3A_421 = arith.addf %add3A_410, %mul3A_420 : vector<16xf32>
              %broadcast_in_dim3A_422 = vector.broadcast %add3A_378 : i32 to vector<16xi32>
              tpu.vector_store_idx %arg10[%broadcast_in_dim3A_422, %add3A_163], %add3A_421 : memref<128x160xf32, #tpu.memory_space<vmem>>[vector<16xi32>, vector<16xi32>], vector<16xf32>,
              %add3A_423 = arith.constant 5 : i32
              %add3A_424 = arith.addi %mul3A_172, %add3A_423 : i32
              %add3A_425 = arith.constant 0 : i32
              %add3A_426 = arith.addi %mul3A_151, %add3A_425 : i32
              %add3A_427 = arith.addi %add3A_426, %add3A_424 : i32
              %get3A_428 = arith.index_cast %add3A_427 : i32 to index
              %get3A_429 = arith.constant 0 : index
              %get3A_430 = tpu.vector_load %arg9[%get3A_428, %get3A_429] {strides = array<i32>} : memref<1024x16xf32, #tpu.memory_space<vmem>>, vector<16xf32>,
              %slice3A_431 = vector.extract_strided_slice %get3A_177 {offsets = [5], sizes = [1], strides = [1]} : vector<16xf32> to vector<1xf32>
              %squeeze3A_432 = vector.extract %slice3A_431[0] : f32 from vector<1xf32>
              %mul3A_433 = vector.broadcast %squeeze3A_432 : f32 to vector<16xf32>
              %mul3A_434 = arith.mulf %get3A_430, %mul3A_433 : vector<16xf32>
              %add3A_435 = arith.constant 128 : i32
              %add3A_436 = arith.addi %mul3A_151, %add3A_435 : i32
              %add3A_437 = arith.addi %add3A_436, %add3A_424 : i32
              %get3A_438 = arith.index_cast %add3A_437 : i32 to index
              %get3A_439 = arith.constant 0 : index
              %get3A_440 = tpu.vector_load %arg9[%get3A_438, %get3A_439] {strides = array<i32>} : memref<1024x16xf32, #tpu.memory_space<vmem>>, vector<16xf32>,
              %slice3A_441 = vector.extract_strided_slice %get3A_183 {offsets = [5], sizes = [1], strides = [1]} : vector<16xf32> to vector<1xf32>
              %squeeze3A_442 = vector.extract %slice3A_441[0] : f32 from vector<1xf32>
              %mul3A_443 = vector.broadcast %squeeze3A_442 : f32 to vector<16xf32>
              %mul3A_444 = arith.mulf %get3A_440, %mul3A_443 : vector<16xf32>
              %add3A_445 = arith.addf %mul3A_434, %mul3A_444 : vector<16xf32>
              %add3A_446 = arith.constant 256 : i32
              %add3A_447 = arith.addi %mul3A_151, %add3A_446 : i32
              %add3A_448 = arith.addi %add3A_447, %add3A_424 : i32
              %get3A_449 = arith.index_cast %add3A_448 : i32 to index
              %get3A_450 = arith.constant 0 : index
              %get3A_451 = tpu.vector_load %arg9[%get3A_449, %get3A_450] {strides = array<i32>} : memref<1024x16xf32, #tpu.memory_space<vmem>>, vector<16xf32>,
              %slice3A_452 = vector.extract_strided_slice %get3A_189 {offsets = [5], sizes = [1], strides = [1]} : vector<16xf32> to vector<1xf32>
              %squeeze3A_453 = vector.extract %slice3A_452[0] : f32 from vector<1xf32>
              %mul3A_454 = vector.broadcast %squeeze3A_453 : f32 to vector<16xf32>
              %mul3A_455 = arith.mulf %get3A_451, %mul3A_454 : vector<16xf32>
              %add3A_456 = arith.addf %add3A_445, %mul3A_455 : vector<16xf32>
              %add3A_457 = arith.constant 384 : i32
              %add3A_458 = arith.addi %mul3A_151, %add3A_457 : i32
              %add3A_459 = arith.addi %add3A_458, %add3A_424 : i32
              %get3A_460 = arith.index_cast %add3A_459 : i32 to index
              %get3A_461 = arith.constant 0 : index
              %get3A_462 = tpu.vector_load %arg9[%get3A_460, %get3A_461] {strides = array<i32>} : memref<1024x16xf32, #tpu.memory_space<vmem>>, vector<16xf32>,
              %slice3A_463 = vector.extract_strided_slice %get3A_195 {offsets = [5], sizes = [1], strides = [1]} : vector<16xf32> to vector<1xf32>
              %squeeze3A_464 = vector.extract %slice3A_463[0] : f32 from vector<1xf32>
              %mul3A_465 = vector.broadcast %squeeze3A_464 : f32 to vector<16xf32>
              %mul3A_466 = arith.mulf %get3A_462, %mul3A_465 : vector<16xf32>
              %add3A_467 = arith.addf %add3A_456, %mul3A_466 : vector<16xf32>
              %broadcast_in_dim3A_468 = vector.broadcast %add3A_424 : i32 to vector<16xi32>
              tpu.vector_store_idx %arg10[%broadcast_in_dim3A_468, %add3A_163], %add3A_467 : memref<128x160xf32, #tpu.memory_space<vmem>>[vector<16xi32>, vector<16xi32>], vector<16xf32>,
              %add3A_469 = arith.constant 6 : i32
              %add3A_470 = arith.addi %mul3A_172, %add3A_469 : i32
              %add3A_471 = arith.constant 0 : i32
              %add3A_472 = arith.addi %mul3A_151, %add3A_471 : i32
              %add3A_473 = arith.addi %add3A_472, %add3A_470 : i32
              %get3A_474 = arith.index_cast %add3A_473 : i32 to index
              %get3A_475 = arith.constant 0 : index
              %get3A_476 = tpu.vector_load %arg9[%get3A_474, %get3A_475] {strides = array<i32>} : memref<1024x16xf32, #tpu.memory_space<vmem>>, vector<16xf32>,
              %slice3A_477 = vector.extract_strided_slice %get3A_177 {offsets = [6], sizes = [1], strides = [1]} : vector<16xf32> to vector<1xf32>
              %squeeze3A_478 = vector.extract %slice3A_477[0] : f32 from vector<1xf32>
              %mul3A_479 = vector.broadcast %squeeze3A_478 : f32 to vector<16xf32>
              %mul3A_480 = arith.mulf %get3A_476, %mul3A_479 : vector<16xf32>
              %add3A_481 = arith.constant 128 : i32
              %add3A_482 = arith.addi %mul3A_151, %add3A_481 : i32
              %add3A_483 = arith.addi %add3A_482, %add3A_470 : i32
              %get3A_484 = arith.index_cast %add3A_483 : i32 to index
              %get3A_485 = arith.constant 0 : index
              %get3A_486 = tpu.vector_load %arg9[%get3A_484, %get3A_485] {strides = array<i32>} : memref<1024x16xf32, #tpu.memory_space<vmem>>, vector<16xf32>,
              %slice3A_487 = vector.extract_strided_slice %get3A_183 {offsets = [6], sizes = [1], strides = [1]} : vector<16xf32> to vector<1xf32>
              %squeeze3A_488 = vector.extract %slice3A_487[0] : f32 from vector<1xf32>
              %mul3A_489 = vector.broadcast %squeeze3A_488 : f32 to vector<16xf32>
              %mul3A_490 = arith.mulf %get3A_486, %mul3A_489 : vector<16xf32>
              %add3A_491 = arith.addf %mul3A_480, %mul3A_490 : vector<16xf32>
              %add3A_492 = arith.constant 256 : i32
              %add3A_493 = arith.addi %mul3A_151, %add3A_492 : i32
              %add3A_494 = arith.addi %add3A_493, %add3A_470 : i32
              %get3A_495 = arith.index_cast %add3A_494 : i32 to index
              %get3A_496 = arith.constant 0 : index
              %get3A_497 = tpu.vector_load %arg9[%get3A_495, %get3A_496] {strides = array<i32>} : memref<1024x16xf32, #tpu.memory_space<vmem>>, vector<16xf32>,
              %slice3A_498 = vector.extract_strided_slice %get3A_189 {offsets = [6], sizes = [1], strides = [1]} : vector<16xf32> to vector<1xf32>
              %squeeze3A_499 = vector.extract %slice3A_498[0] : f32 from vector<1xf32>
              %mul3A_500 = vector.broadcast %squeeze3A_499 : f32 to vector<16xf32>
              %mul3A_501 = arith.mulf %get3A_497, %mul3A_500 : vector<16xf32>
              %add3A_502 = arith.addf %add3A_491, %mul3A_501 : vector<16xf32>
              %add3A_503 = arith.constant 384 : i32
              %add3A_504 = arith.addi %mul3A_151, %add3A_503 : i32
              %add3A_505 = arith.addi %add3A_504, %add3A_470 : i32
              %get3A_506 = arith.index_cast %add3A_505 : i32 to index
              %get3A_507 = arith.constant 0 : index
              %get3A_508 = tpu.vector_load %arg9[%get3A_506, %get3A_507] {strides = array<i32>} : memref<1024x16xf32, #tpu.memory_space<vmem>>, vector<16xf32>,
              %slice3A_509 = vector.extract_strided_slice %get3A_195 {offsets = [6], sizes = [1], strides = [1]} : vector<16xf32> to vector<1xf32>
              %squeeze3A_510 = vector.extract %slice3A_509[0] : f32 from vector<1xf32>
              %mul3A_511 = vector.broadcast %squeeze3A_510 : f32 to vector<16xf32>
              %mul3A_512 = arith.mulf %get3A_508, %mul3A_511 : vector<16xf32>
              %add3A_513 = arith.addf %add3A_502, %mul3A_512 : vector<16xf32>
              %broadcast_in_dim3A_514 = vector.broadcast %add3A_470 : i32 to vector<16xi32>
              tpu.vector_store_idx %arg10[%broadcast_in_dim3A_514, %add3A_163], %add3A_513 : memref<128x160xf32, #tpu.memory_space<vmem>>[vector<16xi32>, vector<16xi32>], vector<16xf32>,
              %add3A_515 = arith.constant 7 : i32
              %add3A_516 = arith.addi %mul3A_172, %add3A_515 : i32
              %add3A_517 = arith.constant 0 : i32
              %add3A_518 = arith.addi %mul3A_151, %add3A_517 : i32
              %add3A_519 = arith.addi %add3A_518, %add3A_516 : i32
              %get3A_520 = arith.index_cast %add3A_519 : i32 to index
              %get3A_521 = arith.constant 0 : index
              %get3A_522 = tpu.vector_load %arg9[%get3A_520, %get3A_521] {strides = array<i32>} : memref<1024x16xf32, #tpu.memory_space<vmem>>, vector<16xf32>,
              %slice3A_523 = vector.extract_strided_slice %get3A_177 {offsets = [7], sizes = [1], strides = [1]} : vector<16xf32> to vector<1xf32>
              %squeeze3A_524 = vector.extract %slice3A_523[0] : f32 from vector<1xf32>
              %mul3A_525 = vector.broadcast %squeeze3A_524 : f32 to vector<16xf32>
              %mul3A_526 = arith.mulf %get3A_522, %mul3A_525 : vector<16xf32>
              %add3A_527 = arith.constant 128 : i32
              %add3A_528 = arith.addi %mul3A_151, %add3A_527 : i32
              %add3A_529 = arith.addi %add3A_528, %add3A_516 : i32
              %get3A_530 = arith.index_cast %add3A_529 : i32 to index
              %get3A_531 = arith.constant 0 : index
              %get3A_532 = tpu.vector_load %arg9[%get3A_530, %get3A_531] {strides = array<i32>} : memref<1024x16xf32, #tpu.memory_space<vmem>>, vector<16xf32>,
              %slice3A_533 = vector.extract_strided_slice %get3A_183 {offsets = [7], sizes = [1], strides = [1]} : vector<16xf32> to vector<1xf32>
              %squeeze3A_534 = vector.extract %slice3A_533[0] : f32 from vector<1xf32>
              %mul3A_535 = vector.broadcast %squeeze3A_534 : f32 to vector<16xf32>
              %mul3A_536 = arith.mulf %get3A_532, %mul3A_535 : vector<16xf32>
              %add3A_537 = arith.addf %mul3A_526, %mul3A_536 : vector<16xf32>
              %add3A_538 = arith.constant 256 : i32
              %add3A_539 = arith.addi %mul3A_151, %add3A_538 : i32
              %add3A_540 = arith.addi %add3A_539, %add3A_516 : i32
              %get3A_541 = arith.index_cast %add3A_540 : i32 to index
              %get3A_542 = arith.constant 0 : index
              %get3A_543 = tpu.vector_load %arg9[%get3A_541, %get3A_542] {strides = array<i32>} : memref<1024x16xf32, #tpu.memory_space<vmem>>, vector<16xf32>,
              %slice3A_544 = vector.extract_strided_slice %get3A_189 {offsets = [7], sizes = [1], strides = [1]} : vector<16xf32> to vector<1xf32>
              %squeeze3A_545 = vector.extract %slice3A_544[0] : f32 from vector<1xf32>
              %mul3A_546 = vector.broadcast %squeeze3A_545 : f32 to vector<16xf32>
              %mul3A_547 = arith.mulf %get3A_543, %mul3A_546 : vector<16xf32>
              %add3A_548 = arith.addf %add3A_537, %mul3A_547 : vector<16xf32>
              %add3A_549 = arith.constant 384 : i32
              %add3A_550 = arith.addi %mul3A_151, %add3A_549 : i32
              %add3A_551 = arith.addi %add3A_550, %add3A_516 : i32
              %get3A_552 = arith.index_cast %add3A_551 : i32 to index
              %get3A_553 = arith.constant 0 : index
              %get3A_554 = tpu.vector_load %arg9[%get3A_552, %get3A_553] {strides = array<i32>} : memref<1024x16xf32, #tpu.memory_space<vmem>>, vector<16xf32>,
              %slice3A_555 = vector.extract_strided_slice %get3A_195 {offsets = [7], sizes = [1], strides = [1]} : vector<16xf32> to vector<1xf32>
              %squeeze3A_556 = vector.extract %slice3A_555[0] : f32 from vector<1xf32>
              %mul3A_557 = vector.broadcast %squeeze3A_556 : f32 to vector<16xf32>
              %mul3A_558 = arith.mulf %get3A_554, %mul3A_557 : vector<16xf32>
              %add3A_559 = arith.addf %add3A_548, %mul3A_558 : vector<16xf32>
              %broadcast_in_dim3A_560 = vector.broadcast %add3A_516 : i32 to vector<16xi32>
              tpu.vector_store_idx %arg10[%broadcast_in_dim3A_560, %add3A_163], %add3A_559 : memref<128x160xf32, #tpu.memory_space<vmem>>[vector<16xi32>, vector<16xi32>], vector<16xf32>,
              %add3A_561 = arith.constant 8 : i32
              %add3A_562 = arith.addi %mul3A_172, %add3A_561 : i32
              %add3A_563 = arith.constant 0 : i32
              %add3A_564 = arith.addi %mul3A_151, %add3A_563 : i32
              %add3A_565 = arith.addi %add3A_564, %add3A_562 : i32
              %get3A_566 = arith.index_cast %add3A_565 : i32 to index
              %get3A_567 = arith.constant 0 : index
              %get3A_568 = tpu.vector_load %arg9[%get3A_566, %get3A_567] {strides = array<i32>} : memref<1024x16xf32, #tpu.memory_space<vmem>>, vector<16xf32>,
              %slice3A_569 = vector.extract_strided_slice %get3A_177 {offsets = [8], sizes = [1], strides = [1]} : vector<16xf32> to vector<1xf32>
              %squeeze3A_570 = vector.extract %slice3A_569[0] : f32 from vector<1xf32>
              %mul3A_571 = vector.broadcast %squeeze3A_570 : f32 to vector<16xf32>
              %mul3A_572 = arith.mulf %get3A_568, %mul3A_571 : vector<16xf32>
              %add3A_573 = arith.constant 128 : i32
              %add3A_574 = arith.addi %mul3A_151, %add3A_573 : i32
              %add3A_575 = arith.addi %add3A_574, %add3A_562 : i32
              %get3A_576 = arith.index_cast %add3A_575 : i32 to index
              %get3A_577 = arith.constant 0 : index
              %get3A_578 = tpu.vector_load %arg9[%get3A_576, %get3A_577] {strides = array<i32>} : memref<1024x16xf32, #tpu.memory_space<vmem>>, vector<16xf32>,
              %slice3A_579 = vector.extract_strided_slice %get3A_183 {offsets = [8], sizes = [1], strides = [1]} : vector<16xf32> to vector<1xf32>
              %squeeze3A_580 = vector.extract %slice3A_579[0] : f32 from vector<1xf32>
              %mul3A_581 = vector.broadcast %squeeze3A_580 : f32 to vector<16xf32>
              %mul3A_582 = arith.mulf %get3A_578, %mul3A_581 : vector<16xf32>
              %add3A_583 = arith.addf %mul3A_572, %mul3A_582 : vector<16xf32>
              %add3A_584 = arith.constant 256 : i32
              %add3A_585 = arith.addi %mul3A_151, %add3A_584 : i32
              %add3A_586 = arith.addi %add3A_585, %add3A_562 : i32
              %get3A_587 = arith.index_cast %add3A_586 : i32 to index
              %get3A_588 = arith.constant 0 : index
              %get3A_589 = tpu.vector_load %arg9[%get3A_587, %get3A_588] {strides = array<i32>} : memref<1024x16xf32, #tpu.memory_space<vmem>>, vector<16xf32>,
              %slice3A_590 = vector.extract_strided_slice %get3A_189 {offsets = [8], sizes = [1], strides = [1]} : vector<16xf32> to vector<1xf32>
              %squeeze3A_591 = vector.extract %slice3A_590[0] : f32 from vector<1xf32>
              %mul3A_592 = vector.broadcast %squeeze3A_591 : f32 to vector<16xf32>
              %mul3A_593 = arith.mulf %get3A_589, %mul3A_592 : vector<16xf32>
              %add3A_594 = arith.addf %add3A_583, %mul3A_593 : vector<16xf32>
              %add3A_595 = arith.constant 384 : i32
              %add3A_596 = arith.addi %mul3A_151, %add3A_595 : i32
              %add3A_597 = arith.addi %add3A_596, %add3A_562 : i32
              %get3A_598 = arith.index_cast %add3A_597 : i32 to index
              %get3A_599 = arith.constant 0 : index
              %get3A_600 = tpu.vector_load %arg9[%get3A_598, %get3A_599] {strides = array<i32>} : memref<1024x16xf32, #tpu.memory_space<vmem>>, vector<16xf32>,
              %slice3A_601 = vector.extract_strided_slice %get3A_195 {offsets = [8], sizes = [1], strides = [1]} : vector<16xf32> to vector<1xf32>
              %squeeze3A_602 = vector.extract %slice3A_601[0] : f32 from vector<1xf32>
              %mul3A_603 = vector.broadcast %squeeze3A_602 : f32 to vector<16xf32>
              %mul3A_604 = arith.mulf %get3A_600, %mul3A_603 : vector<16xf32>
              %add3A_605 = arith.addf %add3A_594, %mul3A_604 : vector<16xf32>
              %broadcast_in_dim3A_606 = vector.broadcast %add3A_562 : i32 to vector<16xi32>
              tpu.vector_store_idx %arg10[%broadcast_in_dim3A_606, %add3A_163], %add3A_605 : memref<128x160xf32, #tpu.memory_space<vmem>>[vector<16xi32>, vector<16xi32>], vector<16xf32>,
              %add3A_607 = arith.constant 9 : i32
              %add3A_608 = arith.addi %mul3A_172, %add3A_607 : i32
              %add3A_609 = arith.constant 0 : i32
              %add3A_610 = arith.addi %mul3A_151, %add3A_609 : i32
              %add3A_611 = arith.addi %add3A_610, %add3A_608 : i32
              %get3A_612 = arith.index_cast %add3A_611 : i32 to index
              %get3A_613 = arith.constant 0 : index
              %get3A_614 = tpu.vector_load %arg9[%get3A_612, %get3A_613] {strides = array<i32>} : memref<1024x16xf32, #tpu.memory_space<vmem>>, vector<16xf32>,
              %slice3A_615 = vector.extract_strided_slice %get3A_177 {offsets = [9], sizes = [1], strides = [1]} : vector<16xf32> to vector<1xf32>
              %squeeze3A_616 = vector.extract %slice3A_615[0] : f32 from vector<1xf32>
              %mul3A_617 = vector.broadcast %squeeze3A_616 : f32 to vector<16xf32>
              %mul3A_618 = arith.mulf %get3A_614, %mul3A_617 : vector<16xf32>
              %add3A_619 = arith.constant 128 : i32
              %add3A_620 = arith.addi %mul3A_151, %add3A_619 : i32
              %add3A_621 = arith.addi %add3A_620, %add3A_608 : i32
              %get3A_622 = arith.index_cast %add3A_621 : i32 to index
              %get3A_623 = arith.constant 0 : index
              %get3A_624 = tpu.vector_load %arg9[%get3A_622, %get3A_623] {strides = array<i32>} : memref<1024x16xf32, #tpu.memory_space<vmem>>, vector<16xf32>,
              %slice3A_625 = vector.extract_strided_slice %get3A_183 {offsets = [9], sizes = [1], strides = [1]} : vector<16xf32> to vector<1xf32>
              %squeeze3A_626 = vector.extract %slice3A_625[0] : f32 from vector<1xf32>
              %mul3A_627 = vector.broadcast %squeeze3A_626 : f32 to vector<16xf32>
              %mul3A_628 = arith.mulf %get3A_624, %mul3A_627 : vector<16xf32>
              %add3A_629 = arith.addf %mul3A_618, %mul3A_628 : vector<16xf32>
              %add3A_630 = arith.constant 256 : i32
              %add3A_631 = arith.addi %mul3A_151, %add3A_630 : i32
              %add3A_632 = arith.addi %add3A_631, %add3A_608 : i32
              %get3A_633 = arith.index_cast %add3A_632 : i32 to index
              %get3A_634 = arith.constant 0 : index
              %get3A_635 = tpu.vector_load %arg9[%get3A_633, %get3A_634] {strides = array<i32>} : memref<1024x16xf32, #tpu.memory_space<vmem>>, vector<16xf32>,
              %slice3A_636 = vector.extract_strided_slice %get3A_189 {offsets = [9], sizes = [1], strides = [1]} : vector<16xf32> to vector<1xf32>
              %squeeze3A_637 = vector.extract %slice3A_636[0] : f32 from vector<1xf32>
              %mul3A_638 = vector.broadcast %squeeze3A_637 : f32 to vector<16xf32>
              %mul3A_639 = arith.mulf %get3A_635, %mul3A_638 : vector<16xf32>
              %add3A_640 = arith.addf %add3A_629, %mul3A_639 : vector<16xf32>
              %add3A_641 = arith.constant 384 : i32
              %add3A_642 = arith.addi %mul3A_151, %add3A_641 : i32
              %add3A_643 = arith.addi %add3A_642, %add3A_608 : i32
              %get3A_644 = arith.index_cast %add3A_643 : i32 to index
              %get3A_645 = arith.constant 0 : index
              %get3A_646 = tpu.vector_load %arg9[%get3A_644, %get3A_645] {strides = array<i32>} : memref<1024x16xf32, #tpu.memory_space<vmem>>, vector<16xf32>,
              %slice3A_647 = vector.extract_strided_slice %get3A_195 {offsets = [9], sizes = [1], strides = [1]} : vector<16xf32> to vector<1xf32>
              %squeeze3A_648 = vector.extract %slice3A_647[0] : f32 from vector<1xf32>
              %mul3A_649 = vector.broadcast %squeeze3A_648 : f32 to vector<16xf32>
              %mul3A_650 = arith.mulf %get3A_646, %mul3A_649 : vector<16xf32>
              %add3A_651 = arith.addf %add3A_640, %mul3A_650 : vector<16xf32>
              %broadcast_in_dim3A_652 = vector.broadcast %add3A_608 : i32 to vector<16xi32>
              tpu.vector_store_idx %arg10[%broadcast_in_dim3A_652, %add3A_163], %add3A_651 : memref<128x160xf32, #tpu.memory_space<vmem>>[vector<16xi32>, vector<16xi32>], vector<16xf32>,
              %add3A_653 = arith.constant 10 : i32
              %add3A_654 = arith.addi %mul3A_172, %add3A_653 : i32
              %add3A_655 = arith.constant 0 : i32
              %add3A_656 = arith.addi %mul3A_151, %add3A_655 : i32
              %add3A_657 = arith.addi %add3A_656, %add3A_654 : i32
              %get3A_658 = arith.index_cast %add3A_657 : i32 to index
              %get3A_659 = arith.constant 0 : index
              %get3A_660 = tpu.vector_load %arg9[%get3A_658, %get3A_659] {strides = array<i32>} : memref<1024x16xf32, #tpu.memory_space<vmem>>, vector<16xf32>,
              %slice3A_661 = vector.extract_strided_slice %get3A_177 {offsets = [10], sizes = [1], strides = [1]} : vector<16xf32> to vector<1xf32>
              %squeeze3A_662 = vector.extract %slice3A_661[0] : f32 from vector<1xf32>
              %mul3A_663 = vector.broadcast %squeeze3A_662 : f32 to vector<16xf32>
              %mul3A_664 = arith.mulf %get3A_660, %mul3A_663 : vector<16xf32>
              %add3A_665 = arith.constant 128 : i32
              %add3A_666 = arith.addi %mul3A_151, %add3A_665 : i32
              %add3A_667 = arith.addi %add3A_666, %add3A_654 : i32
              %get3A_668 = arith.index_cast %add3A_667 : i32 to index
              %get3A_669 = arith.constant 0 : index
              %get3A_670 = tpu.vector_load %arg9[%get3A_668, %get3A_669] {strides = array<i32>} : memref<1024x16xf32, #tpu.memory_space<vmem>>, vector<16xf32>,
              %slice3A_671 = vector.extract_strided_slice %get3A_183 {offsets = [10], sizes = [1], strides = [1]} : vector<16xf32> to vector<1xf32>
              %squeeze3A_672 = vector.extract %slice3A_671[0] : f32 from vector<1xf32>
              %mul3A_673 = vector.broadcast %squeeze3A_672 : f32 to vector<16xf32>
              %mul3A_674 = arith.mulf %get3A_670, %mul3A_673 : vector<16xf32>
              %add3A_675 = arith.addf %mul3A_664, %mul3A_674 : vector<16xf32>
              %add3A_676 = arith.constant 256 : i32
              %add3A_677 = arith.addi %mul3A_151, %add3A_676 : i32
              %add3A_678 = arith.addi %add3A_677, %add3A_654 : i32
              %get3A_679 = arith.index_cast %add3A_678 : i32 to index
              %get3A_680 = arith.constant 0 : index
              %get3A_681 = tpu.vector_load %arg9[%get3A_679, %get3A_680] {strides = array<i32>} : memref<1024x16xf32, #tpu.memory_space<vmem>>, vector<16xf32>,
              %slice3A_682 = vector.extract_strided_slice %get3A_189 {offsets = [10], sizes = [1], strides = [1]} : vector<16xf32> to vector<1xf32>
              %squeeze3A_683 = vector.extract %slice3A_682[0] : f32 from vector<1xf32>
              %mul3A_684 = vector.broadcast %squeeze3A_683 : f32 to vector<16xf32>
              %mul3A_685 = arith.mulf %get3A_681, %mul3A_684 : vector<16xf32>
              %add3A_686 = arith.addf %add3A_675, %mul3A_685 : vector<16xf32>
              %add3A_687 = arith.constant 384 : i32
              %add3A_688 = arith.addi %mul3A_151, %add3A_687 : i32
              %add3A_689 = arith.addi %add3A_688, %add3A_654 : i32
              %get3A_690 = arith.index_cast %add3A_689 : i32 to index
              %get3A_691 = arith.constant 0 : index
              %get3A_692 = tpu.vector_load %arg9[%get3A_690, %get3A_691] {strides = array<i32>} : memref<1024x16xf32, #tpu.memory_space<vmem>>, vector<16xf32>,
              %slice3A_693 = vector.extract_strided_slice %get3A_195 {offsets = [10], sizes = [1], strides = [1]} : vector<16xf32> to vector<1xf32>
              %squeeze3A_694 = vector.extract %slice3A_693[0] : f32 from vector<1xf32>
              %mul3A_695 = vector.broadcast %squeeze3A_694 : f32 to vector<16xf32>
              %mul3A_696 = arith.mulf %get3A_692, %mul3A_695 : vector<16xf32>
              %add3A_697 = arith.addf %add3A_686, %mul3A_696 : vector<16xf32>
              %broadcast_in_dim3A_698 = vector.broadcast %add3A_654 : i32 to vector<16xi32>
              tpu.vector_store_idx %arg10[%broadcast_in_dim3A_698, %add3A_163], %add3A_697 : memref<128x160xf32, #tpu.memory_space<vmem>>[vector<16xi32>, vector<16xi32>], vector<16xf32>,
              %add3A_699 = arith.constant 11 : i32
              %add3A_700 = arith.addi %mul3A_172, %add3A_699 : i32
              %add3A_701 = arith.constant 0 : i32
              %add3A_702 = arith.addi %mul3A_151, %add3A_701 : i32
              %add3A_703 = arith.addi %add3A_702, %add3A_700 : i32
              %get3A_704 = arith.index_cast %add3A_703 : i32 to index
              %get3A_705 = arith.constant 0 : index
              %get3A_706 = tpu.vector_load %arg9[%get3A_704, %get3A_705] {strides = array<i32>} : memref<1024x16xf32, #tpu.memory_space<vmem>>, vector<16xf32>,
              %slice3A_707 = vector.extract_strided_slice %get3A_177 {offsets = [11], sizes = [1], strides = [1]} : vector<16xf32> to vector<1xf32>
              %squeeze3A_708 = vector.extract %slice3A_707[0] : f32 from vector<1xf32>
              %mul3A_709 = vector.broadcast %squeeze3A_708 : f32 to vector<16xf32>
              %mul3A_710 = arith.mulf %get3A_706, %mul3A_709 : vector<16xf32>
              %add3A_711 = arith.constant 128 : i32
              %add3A_712 = arith.addi %mul3A_151, %add3A_711 : i32
              %add3A_713 = arith.addi %add3A_712, %add3A_700 : i32
              %get3A_714 = arith.index_cast %add3A_713 : i32 to index
              %get3A_715 = arith.constant 0 : index
              %get3A_716 = tpu.vector_load %arg9[%get3A_714, %get3A_715] {strides = array<i32>} : memref<1024x16xf32, #tpu.memory_space<vmem>>, vector<16xf32>,
              %slice3A_717 = vector.extract_strided_slice %get3A_183 {offsets = [11], sizes = [1], strides = [1]} : vector<16xf32> to vector<1xf32>
              %squeeze3A_718 = vector.extract %slice3A_717[0] : f32 from vector<1xf32>
              %mul3A_719 = vector.broadcast %squeeze3A_718 : f32 to vector<16xf32>
              %mul3A_720 = arith.mulf %get3A_716, %mul3A_719 : vector<16xf32>
              %add3A_721 = arith.addf %mul3A_710, %mul3A_720 : vector<16xf32>
              %add3A_722 = arith.constant 256 : i32
              %add3A_723 = arith.addi %mul3A_151, %add3A_722 : i32
              %add3A_724 = arith.addi %add3A_723, %add3A_700 : i32
              %get3A_725 = arith.index_cast %add3A_724 : i32 to index
              %get3A_726 = arith.constant 0 : index
              %get3A_727 = tpu.vector_load %arg9[%get3A_725, %get3A_726] {strides = array<i32>} : memref<1024x16xf32, #tpu.memory_space<vmem>>, vector<16xf32>,
              %slice3A_728 = vector.extract_strided_slice %get3A_189 {offsets = [11], sizes = [1], strides = [1]} : vector<16xf32> to vector<1xf32>
              %squeeze3A_729 = vector.extract %slice3A_728[0] : f32 from vector<1xf32>
              %mul3A_730 = vector.broadcast %squeeze3A_729 : f32 to vector<16xf32>
              %mul3A_731 = arith.mulf %get3A_727, %mul3A_730 : vector<16xf32>
              %add3A_732 = arith.addf %add3A_721, %mul3A_731 : vector<16xf32>
              %add3A_733 = arith.constant 384 : i32
              %add3A_734 = arith.addi %mul3A_151, %add3A_733 : i32
              %add3A_735 = arith.addi %add3A_734, %add3A_700 : i32
              %get3A_736 = arith.index_cast %add3A_735 : i32 to index
              %get3A_737 = arith.constant 0 : index
              %get3A_738 = tpu.vector_load %arg9[%get3A_736, %get3A_737] {strides = array<i32>} : memref<1024x16xf32, #tpu.memory_space<vmem>>, vector<16xf32>,
              %slice3A_739 = vector.extract_strided_slice %get3A_195 {offsets = [11], sizes = [1], strides = [1]} : vector<16xf32> to vector<1xf32>
              %squeeze3A_740 = vector.extract %slice3A_739[0] : f32 from vector<1xf32>
              %mul3A_741 = vector.broadcast %squeeze3A_740 : f32 to vector<16xf32>
              %mul3A_742 = arith.mulf %get3A_738, %mul3A_741 : vector<16xf32>
              %add3A_743 = arith.addf %add3A_732, %mul3A_742 : vector<16xf32>
              %broadcast_in_dim3A_744 = vector.broadcast %add3A_700 : i32 to vector<16xi32>
              tpu.vector_store_idx %arg10[%broadcast_in_dim3A_744, %add3A_163], %add3A_743 : memref<128x160xf32, #tpu.memory_space<vmem>>[vector<16xi32>, vector<16xi32>], vector<16xf32>,
              %add3A_745 = arith.constant 12 : i32
              %add3A_746 = arith.addi %mul3A_172, %add3A_745 : i32
              %add3A_747 = arith.constant 0 : i32
              %add3A_748 = arith.addi %mul3A_151, %add3A_747 : i32
              %add3A_749 = arith.addi %add3A_748, %add3A_746 : i32
              %get3A_750 = arith.index_cast %add3A_749 : i32 to index
              %get3A_751 = arith.constant 0 : index
              %get3A_752 = tpu.vector_load %arg9[%get3A_750, %get3A_751] {strides = array<i32>} : memref<1024x16xf32, #tpu.memory_space<vmem>>, vector<16xf32>,
              %slice3A_753 = vector.extract_strided_slice %get3A_177 {offsets = [12], sizes = [1], strides = [1]} : vector<16xf32> to vector<1xf32>
              %squeeze3A_754 = vector.extract %slice3A_753[0] : f32 from vector<1xf32>
              %mul3A_755 = vector.broadcast %squeeze3A_754 : f32 to vector<16xf32>
              %mul3A_756 = arith.mulf %get3A_752, %mul3A_755 : vector<16xf32>
              %add3A_757 = arith.constant 128 : i32
              %add3A_758 = arith.addi %mul3A_151, %add3A_757 : i32
              %add3A_759 = arith.addi %add3A_758, %add3A_746 : i32
              %get3A_760 = arith.index_cast %add3A_759 : i32 to index
              %get3A_761 = arith.constant 0 : index
              %get3A_762 = tpu.vector_load %arg9[%get3A_760, %get3A_761] {strides = array<i32>} : memref<1024x16xf32, #tpu.memory_space<vmem>>, vector<16xf32>,
              %slice3A_763 = vector.extract_strided_slice %get3A_183 {offsets = [12], sizes = [1], strides = [1]} : vector<16xf32> to vector<1xf32>
              %squeeze3A_764 = vector.extract %slice3A_763[0] : f32 from vector<1xf32>
              %mul3A_765 = vector.broadcast %squeeze3A_764 : f32 to vector<16xf32>
              %mul3A_766 = arith.mulf %get3A_762, %mul3A_765 : vector<16xf32>
              %add3A_767 = arith.addf %mul3A_756, %mul3A_766 : vector<16xf32>
              %add3A_768 = arith.constant 256 : i32
              %add3A_769 = arith.addi %mul3A_151, %add3A_768 : i32
              %add3A_770 = arith.addi %add3A_769, %add3A_746 : i32
              %get3A_771 = arith.index_cast %add3A_770 : i32 to index
              %get3A_772 = arith.constant 0 : index
              %get3A_773 = tpu.vector_load %arg9[%get3A_771, %get3A_772] {strides = array<i32>} : memref<1024x16xf32, #tpu.memory_space<vmem>>, vector<16xf32>,
              %slice3A_774 = vector.extract_strided_slice %get3A_189 {offsets = [12], sizes = [1], strides = [1]} : vector<16xf32> to vector<1xf32>
              %squeeze3A_775 = vector.extract %slice3A_774[0] : f32 from vector<1xf32>
              %mul3A_776 = vector.broadcast %squeeze3A_775 : f32 to vector<16xf32>
              %mul3A_777 = arith.mulf %get3A_773, %mul3A_776 : vector<16xf32>
              %add3A_778 = arith.addf %add3A_767, %mul3A_777 : vector<16xf32>
              %add3A_779 = arith.constant 384 : i32
              %add3A_780 = arith.addi %mul3A_151, %add3A_779 : i32
              %add3A_781 = arith.addi %add3A_780, %add3A_746 : i32
              %get3A_782 = arith.index_cast %add3A_781 : i32 to index
              %get3A_783 = arith.constant 0 : index
              %get3A_784 = tpu.vector_load %arg9[%get3A_782, %get3A_783] {strides = array<i32>} : memref<1024x16xf32, #tpu.memory_space<vmem>>, vector<16xf32>,
              %slice3A_785 = vector.extract_strided_slice %get3A_195 {offsets = [12], sizes = [1], strides = [1]} : vector<16xf32> to vector<1xf32>
              %squeeze3A_786 = vector.extract %slice3A_785[0] : f32 from vector<1xf32>
              %mul3A_787 = vector.broadcast %squeeze3A_786 : f32 to vector<16xf32>
              %mul3A_788 = arith.mulf %get3A_784, %mul3A_787 : vector<16xf32>
              %add3A_789 = arith.addf %add3A_778, %mul3A_788 : vector<16xf32>
              %broadcast_in_dim3A_790 = vector.broadcast %add3A_746 : i32 to vector<16xi32>
              tpu.vector_store_idx %arg10[%broadcast_in_dim3A_790, %add3A_163], %add3A_789 : memref<128x160xf32, #tpu.memory_space<vmem>>[vector<16xi32>, vector<16xi32>], vector<16xf32>,
              %add3A_791 = arith.constant 13 : i32
              %add3A_792 = arith.addi %mul3A_172, %add3A_791 : i32
              %add3A_793 = arith.constant 0 : i32
              %add3A_794 = arith.addi %mul3A_151, %add3A_793 : i32
              %add3A_795 = arith.addi %add3A_794, %add3A_792 : i32
              %get3A_796 = arith.index_cast %add3A_795 : i32 to index
              %get3A_797 = arith.constant 0 : index
              %get3A_798 = tpu.vector_load %arg9[%get3A_796, %get3A_797] {strides = array<i32>} : memref<1024x16xf32, #tpu.memory_space<vmem>>, vector<16xf32>,
              %slice3A_799 = vector.extract_strided_slice %get3A_177 {offsets = [13], sizes = [1], strides = [1]} : vector<16xf32> to vector<1xf32>
              %squeeze3A_800 = vector.extract %slice3A_799[0] : f32 from vector<1xf32>
              %mul3A_801 = vector.broadcast %squeeze3A_800 : f32 to vector<16xf32>
              %mul3A_802 = arith.mulf %get3A_798, %mul3A_801 : vector<16xf32>
              %add3A_803 = arith.constant 128 : i32
              %add3A_804 = arith.addi %mul3A_151, %add3A_803 : i32
              %add3A_805 = arith.addi %add3A_804, %add3A_792 : i32
              %get3A_806 = arith.index_cast %add3A_805 : i32 to index
              %get3A_807 = arith.constant 0 : index
              %get3A_808 = tpu.vector_load %arg9[%get3A_806, %get3A_807] {strides = array<i32>} : memref<1024x16xf32, #tpu.memory_space<vmem>>, vector<16xf32>,
              %slice3A_809 = vector.extract_strided_slice %get3A_183 {offsets = [13], sizes = [1], strides = [1]} : vector<16xf32> to vector<1xf32>
              %squeeze3A_810 = vector.extract %slice3A_809[0] : f32 from vector<1xf32>
              %mul3A_811 = vector.broadcast %squeeze3A_810 : f32 to vector<16xf32>
              %mul3A_812 = arith.mulf %get3A_808, %mul3A_811 : vector<16xf32>
              %add3A_813 = arith.addf %mul3A_802, %mul3A_812 : vector<16xf32>
              %add3A_814 = arith.constant 256 : i32
              %add3A_815 = arith.addi %mul3A_151, %add3A_814 : i32
              %add3A_816 = arith.addi %add3A_815, %add3A_792 : i32
              %get3A_817 = arith.index_cast %add3A_816 : i32 to index
              %get3A_818 = arith.constant 0 : index
              %get3A_819 = tpu.vector_load %arg9[%get3A_817, %get3A_818] {strides = array<i32>} : memref<1024x16xf32, #tpu.memory_space<vmem>>, vector<16xf32>,
              %slice3A_820 = vector.extract_strided_slice %get3A_189 {offsets = [13], sizes = [1], strides = [1]} : vector<16xf32> to vector<1xf32>
              %squeeze3A_821 = vector.extract %slice3A_820[0] : f32 from vector<1xf32>
              %mul3A_822 = vector.broadcast %squeeze3A_821 : f32 to vector<16xf32>
              %mul3A_823 = arith.mulf %get3A_819, %mul3A_822 : vector<16xf32>
              %add3A_824 = arith.addf %add3A_813, %mul3A_823 : vector<16xf32>
              %add3A_825 = arith.constant 384 : i32
              %add3A_826 = arith.addi %mul3A_151, %add3A_825 : i32
              %add3A_827 = arith.addi %add3A_826, %add3A_792 : i32
              %get3A_828 = arith.index_cast %add3A_827 : i32 to index
              %get3A_829 = arith.constant 0 : index
              %get3A_830 = tpu.vector_load %arg9[%get3A_828, %get3A_829] {strides = array<i32>} : memref<1024x16xf32, #tpu.memory_space<vmem>>, vector<16xf32>,
              %slice3A_831 = vector.extract_strided_slice %get3A_195 {offsets = [13], sizes = [1], strides = [1]} : vector<16xf32> to vector<1xf32>
              %squeeze3A_832 = vector.extract %slice3A_831[0] : f32 from vector<1xf32>
              %mul3A_833 = vector.broadcast %squeeze3A_832 : f32 to vector<16xf32>
              %mul3A_834 = arith.mulf %get3A_830, %mul3A_833 : vector<16xf32>
              %add3A_835 = arith.addf %add3A_824, %mul3A_834 : vector<16xf32>
              %broadcast_in_dim3A_836 = vector.broadcast %add3A_792 : i32 to vector<16xi32>
              tpu.vector_store_idx %arg10[%broadcast_in_dim3A_836, %add3A_163], %add3A_835 : memref<128x160xf32, #tpu.memory_space<vmem>>[vector<16xi32>, vector<16xi32>], vector<16xf32>,
              %add3A_837 = arith.constant 14 : i32
              %add3A_838 = arith.addi %mul3A_172, %add3A_837 : i32
              %add3A_839 = arith.constant 0 : i32
              %add3A_840 = arith.addi %mul3A_151, %add3A_839 : i32
              %add3A_841 = arith.addi %add3A_840, %add3A_838 : i32
              %get3A_842 = arith.index_cast %add3A_841 : i32 to index
              %get3A_843 = arith.constant 0 : index
              %get3A_844 = tpu.vector_load %arg9[%get3A_842, %get3A_843] {strides = array<i32>} : memref<1024x16xf32, #tpu.memory_space<vmem>>, vector<16xf32>,
              %slice3A_845 = vector.extract_strided_slice %get3A_177 {offsets = [14], sizes = [1], strides = [1]} : vector<16xf32> to vector<1xf32>
              %squeeze3A_846 = vector.extract %slice3A_845[0] : f32 from vector<1xf32>
              %mul3A_847 = vector.broadcast %squeeze3A_846 : f32 to vector<16xf32>
              %mul3A_848 = arith.mulf %get3A_844, %mul3A_847 : vector<16xf32>
              %add3A_849 = arith.constant 128 : i32
              %add3A_850 = arith.addi %mul3A_151, %add3A_849 : i32
              %add3A_851 = arith.addi %add3A_850, %add3A_838 : i32
              %get3A_852 = arith.index_cast %add3A_851 : i32 to index
              %get3A_853 = arith.constant 0 : index
              %get3A_854 = tpu.vector_load %arg9[%get3A_852, %get3A_853] {strides = array<i32>} : memref<1024x16xf32, #tpu.memory_space<vmem>>, vector<16xf32>,
              %slice3A_855 = vector.extract_strided_slice %get3A_183 {offsets = [14], sizes = [1], strides = [1]} : vector<16xf32> to vector<1xf32>
              %squeeze3A_856 = vector.extract %slice3A_855[0] : f32 from vector<1xf32>
              %mul3A_857 = vector.broadcast %squeeze3A_856 : f32 to vector<16xf32>
              %mul3A_858 = arith.mulf %get3A_854, %mul3A_857 : vector<16xf32>
              %add3A_859 = arith.addf %mul3A_848, %mul3A_858 : vector<16xf32>
              %add3A_860 = arith.constant 256 : i32
              %add3A_861 = arith.addi %mul3A_151, %add3A_860 : i32
              %add3A_862 = arith.addi %add3A_861, %add3A_838 : i32
              %get3A_863 = arith.index_cast %add3A_862 : i32 to index
              %get3A_864 = arith.constant 0 : index
              %get3A_865 = tpu.vector_load %arg9[%get3A_863, %get3A_864] {strides = array<i32>} : memref<1024x16xf32, #tpu.memory_space<vmem>>, vector<16xf32>,
              %slice3A_866 = vector.extract_strided_slice %get3A_189 {offsets = [14], sizes = [1], strides = [1]} : vector<16xf32> to vector<1xf32>
              %squeeze3A_867 = vector.extract %slice3A_866[0] : f32 from vector<1xf32>
              %mul3A_868 = vector.broadcast %squeeze3A_867 : f32 to vector<16xf32>
              %mul3A_869 = arith.mulf %get3A_865, %mul3A_868 : vector<16xf32>
              %add3A_870 = arith.addf %add3A_859, %mul3A_869 : vector<16xf32>
              %add3A_871 = arith.constant 384 : i32
              %add3A_872 = arith.addi %mul3A_151, %add3A_871 : i32
              %add3A_873 = arith.addi %add3A_872, %add3A_838 : i32
              %get3A_874 = arith.index_cast %add3A_873 : i32 to index
              %get3A_875 = arith.constant 0 : index
              %get3A_876 = tpu.vector_load %arg9[%get3A_874, %get3A_875] {strides = array<i32>} : memref<1024x16xf32, #tpu.memory_space<vmem>>, vector<16xf32>,
              %slice3A_877 = vector.extract_strided_slice %get3A_195 {offsets = [14], sizes = [1], strides = [1]} : vector<16xf32> to vector<1xf32>
              %squeeze3A_878 = vector.extract %slice3A_877[0] : f32 from vector<1xf32>
              %mul3A_879 = vector.broadcast %squeeze3A_878 : f32 to vector<16xf32>
              %mul3A_880 = arith.mulf %get3A_876, %mul3A_879 : vector<16xf32>
              %add3A_881 = arith.addf %add3A_870, %mul3A_880 : vector<16xf32>
              %broadcast_in_dim3A_882 = vector.broadcast %add3A_838 : i32 to vector<16xi32>
              tpu.vector_store_idx %arg10[%broadcast_in_dim3A_882, %add3A_163], %add3A_881 : memref<128x160xf32, #tpu.memory_space<vmem>>[vector<16xi32>, vector<16xi32>], vector<16xf32>,
              %add3A_883 = arith.constant 15 : i32
              %add3A_884 = arith.addi %mul3A_172, %add3A_883 : i32
              %add3A_885 = arith.constant 0 : i32
              %add3A_886 = arith.addi %mul3A_151, %add3A_885 : i32
              %add3A_887 = arith.addi %add3A_886, %add3A_884 : i32
              %get3A_888 = arith.index_cast %add3A_887 : i32 to index
              %get3A_889 = arith.constant 0 : index
              %get3A_890 = tpu.vector_load %arg9[%get3A_888, %get3A_889] {strides = array<i32>} : memref<1024x16xf32, #tpu.memory_space<vmem>>, vector<16xf32>,
              %slice3A_891 = vector.extract_strided_slice %get3A_177 {offsets = [15], sizes = [1], strides = [1]} : vector<16xf32> to vector<1xf32>
              %squeeze3A_892 = vector.extract %slice3A_891[0] : f32 from vector<1xf32>
              %mul3A_893 = vector.broadcast %squeeze3A_892 : f32 to vector<16xf32>
              %mul3A_894 = arith.mulf %get3A_890, %mul3A_893 : vector<16xf32>
              %add3A_895 = arith.constant 128 : i32
              %add3A_896 = arith.addi %mul3A_151, %add3A_895 : i32
              %add3A_897 = arith.addi %add3A_896, %add3A_884 : i32
              %get3A_898 = arith.index_cast %add3A_897 : i32 to index
              %get3A_899 = arith.constant 0 : index
              %get3A_900 = tpu.vector_load %arg9[%get3A_898, %get3A_899] {strides = array<i32>} : memref<1024x16xf32, #tpu.memory_space<vmem>>, vector<16xf32>,
              %slice3A_901 = vector.extract_strided_slice %get3A_183 {offsets = [15], sizes = [1], strides = [1]} : vector<16xf32> to vector<1xf32>
              %squeeze3A_902 = vector.extract %slice3A_901[0] : f32 from vector<1xf32>
              %mul3A_903 = vector.broadcast %squeeze3A_902 : f32 to vector<16xf32>
              %mul3A_904 = arith.mulf %get3A_900, %mul3A_903 : vector<16xf32>
              %add3A_905 = arith.addf %mul3A_894, %mul3A_904 : vector<16xf32>
              %add3A_906 = arith.constant 256 : i32
              %add3A_907 = arith.addi %mul3A_151, %add3A_906 : i32
              %add3A_908 = arith.addi %add3A_907, %add3A_884 : i32
              %get3A_909 = arith.index_cast %add3A_908 : i32 to index
              %get3A_910 = arith.constant 0 : index
              %get3A_911 = tpu.vector_load %arg9[%get3A_909, %get3A_910] {strides = array<i32>} : memref<1024x16xf32, #tpu.memory_space<vmem>>, vector<16xf32>,
              %slice3A_912 = vector.extract_strided_slice %get3A_189 {offsets = [15], sizes = [1], strides = [1]} : vector<16xf32> to vector<1xf32>
              %squeeze3A_913 = vector.extract %slice3A_912[0] : f32 from vector<1xf32>
              %mul3A_914 = vector.broadcast %squeeze3A_913 : f32 to vector<16xf32>
              %mul3A_915 = arith.mulf %get3A_911, %mul3A_914 : vector<16xf32>
              %add3A_916 = arith.addf %add3A_905, %mul3A_915 : vector<16xf32>
              %add3A_917 = arith.constant 384 : i32
              %add3A_918 = arith.addi %mul3A_151, %add3A_917 : i32
              %add3A_919 = arith.addi %add3A_918, %add3A_884 : i32
              %get3A_920 = arith.index_cast %add3A_919 : i32 to index
              %get3A_921 = arith.constant 0 : index
              %get3A_922 = tpu.vector_load %arg9[%get3A_920, %get3A_921] {strides = array<i32>} : memref<1024x16xf32, #tpu.memory_space<vmem>>, vector<16xf32>,
              %slice3A_923 = vector.extract_strided_slice %get3A_195 {offsets = [15], sizes = [1], strides = [1]} : vector<16xf32> to vector<1xf32>
              %squeeze3A_924 = vector.extract %slice3A_923[0] : f32 from vector<1xf32>
              %mul3A_925 = vector.broadcast %squeeze3A_924 : f32 to vector<16xf32>
              %mul3A_926 = arith.mulf %get3A_922, %mul3A_925 : vector<16xf32>
              %add3A_927 = arith.addf %add3A_916, %mul3A_926 : vector<16xf32>
              %broadcast_in_dim3A_928 = vector.broadcast %add3A_884 : i32 to vector<16xi32>
              tpu.vector_store_idx %arg10[%broadcast_in_dim3A_928, %add3A_163], %add3A_927 : memref<128x160xf32, #tpu.memory_space<vmem>>[vector<16xi32>, vector<16xi32>], vector<16xf32>,
            }
            %scan3A_169 = arith.constant 8 : i32
          } else {
          }
        }
        %scan3A_113 = arith.constant 6 : i32
        "tpu.region"() ({
          %run_scoped3A = tpu.sem_alloc : memref<!tpu.dma_semaphore, #tpu.memory_space<semaphore_mem>>
          %dma_start3A_114 = arith.constant 0 : i32
          %dma_start3A_115 = tpu.memref_slice %arg5[%min3A_65, %dma_start3A_114] : memref<100000x160xf32, #tpu.memory_space<hbm>> -> memref<128x160xf32, #tpu.memory_space<hbm>>
          %dma_start3A_116 = arith.constant 0 : i32
          %dma_start3A_117 = tpu.memref_slice %arg5[%min3A_65, %dma_start3A_116] : memref<100000x160xf32, #tpu.memory_space<hbm>> -> memref<128x160xf32, #tpu.memory_space<hbm>>
          tpu.enqueue_dma source(%arg10 : memref<128x160xf32, #tpu.memory_space<vmem>>) target(%dma_start3A_117 : memref<128x160xf32, #tpu.memory_space<hbm>>) target_semaphore(%run_scoped3A : memref<!tpu.dma_semaphore, #tpu.memory_space<semaphore_mem>>)
          %dma_wait3A_118 = arith.constant 0 : i32
          %dma_wait3A_119 = tpu.memref_slice %arg5[%min3A_65, %dma_wait3A_118] : memref<100000x160xf32, #tpu.memory_space<hbm>> -> memref<128x160xf32, #tpu.memory_space<hbm>>
          %dma_wait3A_120 = arith.constant 0 : i32
          %dma_wait3A_121 = tpu.memref_slice %arg5[%min3A_65, %dma_wait3A_120] : memref<100000x160xf32, #tpu.memory_space<hbm>> -> memref<128x160xf32, #tpu.memory_space<hbm>>
          tpu.wait_dma2 semaphore(%run_scoped3A : memref<!tpu.dma_semaphore, #tpu.memory_space<semaphore_mem>>) src(%arg10 : memref<128x160xf32, #tpu.memory_space<vmem>>) dst(%dma_wait3A_121 : memref<128x160xf32, #tpu.memory_space<hbm>>)
          tpu.yield
        }) : () -> ()
      } else {
      }
    }
    %scan3A_45 = arith.constant 25 : i32
    return
  }
}

</mosaic_0001>

<sc_bundles>
// kernel: kernel.3.cloned.1.call-start
scs
__scs_entry_jumppad:
0x0: {  	(pc) =	sbr.rel $0x88, $3  }
0x1: {  	(tag) =	ssettag $0x0;
	lr =	simm.s32 $0x1  }
0x2: {  	[smem:$0x3F9E] =	sst lr;
	_ =	strace $0xD0000000  }
0x3: {  	_ = 	snop  }
0x4: {  	_ = 	snop  }
0x5: {  	_ = 	snop  }
0x6: {  	_ = 	snop  }
0x7: {  	_ = 	snop  }
__scs_overlays_trampoline_lowered:
0x8: {  	[smem:$0x3FAD] =	sst s0  }
0x9: {  	[smem:$0x3FAE] =	sst s1  }
0xa: {  	[smem:$0x3FAF] =	sst s2  }
0xb: {  	[smem:$0x3FB0] =	sst s3  }
0xc: {  	[smem:$0x3FB1] =	sst s4  }
0xd: {  	[smem:$0x3FB2] =	sst s5  }
0xe: {  	[smem:$0x3FB3] =	sst s6  }
0xf: {  	[smem:$0x3FB4] =	sst s7  }
0x10: {  	[smem:$0x3FB5] =	sst s8  }
0x11: {  	[smem:$0x3FB6] =	sst s9;
	s0 =	simm.s32 @!p0 $0x0  }
0x12: {  	s1 =	sld [smem:$0x3F9C];
	s0 =	simm.s32 @p0 $0x1  }
0x13: {  	[smem:$0x3FB7] =	sst s0;
	s0 =	simm.s32 @!p1 $0x0  }
0x14: {  	s2 =	sld [smem:$0x3F9B];
	s0 =	simm.s32 @p1 $0x1  }
0x15: {  	[smem:$0x3FB8] =	sst s0;
	s0 =	simm.s32 @!p2 $0x0  }
0x16: {  	s3 =	sld [smem:$0x3FDB];
	s0 =	simm.s32 @p2 $0x1  }
0x17: {  	s4 =	simm.s32 $0x1BF5;
	[smem:$0x3FBA] =	sst s0  }
0x18: {  	s0 =	sld [smem:$0x3F9D];
	_ =	swait.ge [sflag:s4], $0x0  }
0x19: {  	s7 =	sld [smem:$0x3F9E]  }
0x1a: {  	s8 =	sadd.s32 $0xFFFFE003, lr  }
0x1b: {  	s9 =	sadd.s32 $0xFFFFFEF7, lr;
	s5 =	simm.s32 $0xFFFFFFFF;
	p2 =	slt.u32 s8, $0xFFFFF086  }
0x1c: {  	p1 =	slt.u32 s9, $0xF7A;
	s5 =	simm.s32 @!p2 $0x0  }
0x1d: {  	s5 =	simm.s32 @p1 $0x1;
	p0 =	seq.s32 s7, s2  }
0x1e: {  	s7 =	smul.u32 @!p0 $0xF7A, s2;
	p2 =	seq.s32 @!p0 s5, $0x0  }
0x1f: {  	s9 =	smul.u32 $0xF7A, s1;
	s8 =	simm.s32 @!p0 $0x1BF5;
	p2 =	por !p2, p0  }
0x20: {  	[sflag:s8] =	ssyncset.s32 @!p0 $0xFFFFF086;
	s6 =	sadd.s32 @!p0 s3, s7;
	s7 =	simm.s32 @!p0 $0x108  }
0x21: {  	s3 =	sadd.s32 s3, s9;
	s6 =	sadd.s32 @!p0 $0x88, s6;
	s7 =	simm.s32 @p2 $0x1082  }
0x22: {  	[simem:s7], [sflag:s8] =	dma.local @!p0 [hbm:s6], $0xF7A  }
0x23: {  	s9 =	sor.u32 $0xD0000000, s2;
	s6 =	simm.s32 $0x108;
	_ =	swait.ge @!p0 [sflag:s8], $0x0  }
0x24: {  	s3 =	sadd.s32 $0x88, s3;
	s6 =	simm.s32 @!p1 $0x1082;
	[sflag:s4] =	ssyncset.s32 $0xFFFFF086  }
0x25: {  	[simem:s6], [sflag:s4] =	dma.local [hbm:s3], $0xF7A  }
0x26: {  	[smem:$0x3F9E] =	sst s1;
	(tag) =	ssettag s2;
	_ =	strace s9  }
0x27: {  	s1 =	sld [smem:$0x3FAE]  }
0x28: {  	s2 =	sld [smem:$0x3FAF]  }
0x29: {  	s4 =	sld [smem:$0x3FB1]  }
0x2a: {  	p0 =	seq.s32 s5, $0x0;
	s5 =	sld [smem:$0x3FB2]  }
0x2b: {  	s6 =	sld [smem:$0x3FB3]  }
0x2c: {  	s7 =	sld [smem:$0x3FB4]  }
0x2d: {  	s3 =	simm.s32 $0x108;
	s8 =	sld [smem:$0x3FB5]  }
0x2e: {  	s3 =	simm.s32 @!p0 $0x1082;
	s9 =	sld [smem:$0x3FB6]  }
0x2f: {  	lr =	sadd.s32 s0, s3;
	s0 =	sld [smem:$0x3FAD]  }
0x30: {  	s3 =	sld [smem:$0x3FB0]  }
0x31: {  	[smem:$0x3FB9] =	sst s10  }
0x32: {  	s10 =	sld [smem:$0x3FB7];
	_ =	sdelay $0x3  }
0x33: {  	p0 =	seq.s32 s10, $0x1;
	s10 =	sld [smem:$0x3FB9];
	_ =	sdelay $0x3  }
0x34: {  	[smem:$0x3FB9] =	sst s10  }
0x35: {  	s10 =	sld [smem:$0x3FB8];
	_ =	sdelay $0x3  }
0x36: {  	p1 =	seq.s32 s10, $0x1;
	s10 =	sld [smem:$0x3FB9];
	_ =	sdelay $0x3  }
0x37: {  	[smem:$0x3FB9] =	sst s10  }
0x38: {  	s10 =	sld [smem:$0x3FBA]  }
0x39: {  	_ = 	snop;
	(pc) =	sbr.ind lr, $3  }
0x3a: {  	_ = 	snop  }
0x3b: {  	_ = 	snop  }
0x3c: {  	p2 =	seq.s32 s10, $0x1;
	s10 =	sld [smem:$0x3FB9]  }
0x3d: {  	_ =	shalt  }
0x3e: {  	_ =	shalt  }
0x3f: {  	_ =	shalt  }
0x40: {  	_ =	shalt  }
0x41: {  	_ =	shalt  }
0x42: {  	_ =	shalt  }
0x43: {  	_ =	shalt  }
0x44: {  	_ =	shalt  }
0x45: {  	_ =	shalt  }
0x46: {  	_ =	shalt  }
0x47: {  	_ =	shalt  }
0x48: {  	_ =	shalt  }
0x49: {  	_ =	shalt  }
0x4a: {  	_ =	shalt  }
0x4b: {  	_ =	shalt  }
0x4c: {  	_ =	shalt  }
0x4d: {  	_ =	shalt  }
0x4e: {  	_ =	shalt  }
0x4f: {  	_ =	shalt  }
0x50: {  	_ =	shalt  }
0x51: {  	_ =	shalt  }
0x52: {  	_ =	shalt  }
0x53: {  	_ =	shalt  }
0x54: {  	_ =	shalt  }
0x55: {  	_ =	shalt  }
0x56: {  	_ =	shalt  }
0x57: {  	_ =	shalt  }
0x58: {  	_ =	shalt  }
0x59: {  	_ =	shalt  }
0x5a: {  	_ =	shalt  }
0x5b: {  	_ =	shalt  }
0x5c: {  	_ =	shalt  }
0x5d: {  	_ =	shalt  }
0x5e: {  	_ =	shalt  }
0x5f: {  	_ =	shalt  }
0x60: {  	_ =	shalt  }
0x61: {  	_ =	shalt  }
0x62: {  	_ =	shalt  }
0x63: {  	_ =	shalt  }
0x64: {  	_ =	shalt  }
0x65: {  	_ =	shalt  }
0x66: {  	_ =	shalt  }
0x67: {  	_ =	shalt  }
0x68: {  	_ =	shalt  }
0x69: {  	_ =	shalt  }
0x6a: {  	_ =	shalt  }
0x6b: {  	_ =	shalt  }
0x6c: {  	_ =	shalt  }
0x6d: {  	_ =	shalt  }
0x6e: {  	_ =	shalt  }
0x6f: {  	_ =	shalt  }
0x70: {  	_ =	shalt  }
0x71: {  	_ =	shalt  }
0x72: {  	_ =	shalt  }
0x73: {  	_ =	shalt  }
0x74: {  	_ =	shalt  }
0x75: {  	_ =	shalt  }
0x76: {  	_ =	shalt  }
0x77: {  	_ =	shalt  }
0x78: {  	_ =	shalt  }
0x79: {  	_ =	shalt  }
0x7a: {  	_ =	shalt  }
0x7b: {  	_ =	shalt  }
0x7c: {  	_ =	shalt  }
0x7d: {  	_ =	shalt  }
0x7e: {  	_ =	shalt  }
0x7f: {  	_ =	shalt  }
0x80: {  	_ =	shalt  }
0x81: {  	_ =	shalt  }
0x82: {  	_ =	shalt  }
0x83: {  	_ =	shalt  }
0x84: {  	_ =	shalt  }
0x85: {  	_ =	shalt  }
0x86: {  	_ =	shalt  }
0x87: {  	_ =	shalt  }
.Lfunc_end0:
.L_simem_size_0:
called_computation.1_lowered:
.L_overlay_start_0:
0x88: {  	s2 =	sld [smem:$0x3FD9]  }
0x89: {  	s3 =	sld [smem:$0x3FFE];
	_ =	sdelay $0x1  }
0x8a: {  	s1 =	srdreg.scid  }
0x8b: {  	s0 =	sand.u32 $0x1, s1  }
0x8c: {  	s17 =	sshll.u32 s0, $0xA;
	s2 =	sadd.s32 s3, s2  }
0x8d: {  	s2 =	sadd.s32 s2, s17  }
0x8e: {  	[smem:$0x3FC5] =	sst s2  }
0x8f: {  	_ = 	snop  }
0x90: {  	s2 =	sld [smem:$0x3FD0];
	(tm) =	ssettm $0x1  }
0x91: {  	s18 =	sld [smem:$0x3FFB];
	_ =	sdelay $0x3  }
0x92: {  	_ =	strace s18  }
0x93: {  	s3 =	sld [smem:$0x3FFC];
	_ =	sdelay $0x3  }
0x94: {  	_ =	strace s3  }
0x95: {  	s3 =	sld [smem:$0x3FFD];
	_ =	sdelay $0x3  }
0x96: {  	_ =	strace s3  }
0x97: {  	_ =	strace $0x8FFFFFFF  }
0x98: {  	s19 =	sld [smem:$0x3FDB];
	_ =	sdelay $0x1  }
0x99: {  	s4 =	simm.s32 $_scs_section_size  }
0x9a: {  	s5 =	simm.s32 $_size__tile_overlayer_lowered;
	s6 =	simm.s32 $_tile_overlayer_lowered  }
0x9b: {  	s22 =	simm.s32 $0x1BFF;
	s21 =	sshll.u32 s6, $0x1;
	s3 =	sadd.s32 s4, s19  }
0x9c: {  	s7 =	simm.s32 $0x0;
	s20 =	sshll.u32 s5, $0x1;
	s5 =	sadd.s32 s21, s3  }
0x9d: {  	[timem:s7], [sflag:s22] =	dma.local [hbm:s5], s20  }
0x9e: {  	_ =	swait.ge [sflag:s22], s20  }
0x9f: {  	s4 =	ssub.s32 $0x0, s20;
	[sflag:s22] =	ssyncset.done $0x0  }
0xa0: {  	[sflag:s22] =	ssyncadd.s32 s4;
	_ =	sdelay $0x1  }
0xa1: {  	s23 =	simm.s32 $0x1B8B  }
0xa2: {  	_ =	swait.ge [sflag:s23], $0x1  }
0xa3: {  	[sflag:s23] =	ssyncset.done $0x0  }
0xa4: {  	s25 =	simm.s32 $0x1B8E;
	s24 =	sld [smem:$0x3FFE];
	[sflag:s23] =	ssyncadd.s32 $0xFFFFFFFF  }
0xa5: {  	s26 =	simm.s32 $execute0_lowered;
	[smem:$0x3FD2] =	sst s25  }
0xa6: {  	s5 =	sshll.u32 s26, $0x1;
	_ =	strace $0x80000046;
	[dreg:$0x1] =	wrdreg $0xFFFFFFFF  }
0xa7: {  	s28 =	simm.s32 $_size_execute0_lowered;
	s3 =	sadd.s32 s3, s5;
	[dreg:$0x0] =	wrdreg $0x0  }
0xa8: {  	s5 =	sshll.u32 s28, $0x1;
	[dreg:$0x2] =	wrdreg s3  }
0xa9: {  	[dreg:$0x3] =	wrdreg s5  }
0xaa: {  	[dreg:$0x4] =	wrdreg $0xC0  }
0xab: {  	_ =	task [dreg:s7], $0x5FFFF  }
0xac: {  	[dreg:$0x1] =	wrdreg $0xFFFFFFFF  }
0xad: {  	[dreg:$0x0] =	wrdreg $0x60  }
0xae: {  	[dreg:$0x2] =	wrdreg s24  }
0xaf: {  	[dreg:$0x3] =	wrdreg s2  }
0xb0: {  	[dreg:$0x4] =	wrdreg $0x9  }
0xb1: {  	_ =	task.clear_ibuf [dreg:s7], $0x5FFFF;
	_ =	strace $0x90000046  }
0xb2: {  	s29 =	simm.s32 $0x9;
	_ =	strace $0x80000048  }
0xb3: {  	_ =	swait.ge [sflag:s29], $0x1  }
0xb4: {  	[sflag:s29] =	ssyncadd.s32 $0xFFFFFFFF  }
0xb5: {  	_ =	strace $0x90000048  }
0xb6: {  	_ =	sfence  }
0xb7: {  	s30 =	sld [smem:$0x0];
	_ =	sdelay $0x2  }
0xb8: {  	s31 =	sshll.u32 s1, $0xD;
	s1 =	sshrl.u32 s1, $0x2  }
0xb9: {  	s3 =	sand.u32 $0x4000, s31;
	s1 =	sadd.s32 s1, s30  }
0xba: {  	s0 =	sor.u32 s3, s0;
	s1 =	sshll.u32 s1, $0x11  }
0xbb: {  	s0 =	sor.u32 s1, s0  }
0xbc: {  	s0 =	sadd.s32 $0x8F2B, s0  }
0xbd: {  	[sflag:s0] =	ssyncadd.remote.s32 $0x1  }
0xbe: {  	_ =	sfence.sel $0xFFFF  }
0xbf: {  	[dreg:$0x0] =	wrdreg $0xFFFFFFFF;
	(pc) =	sbr.abs _section_cstart, $3  }
0xc0: {  	[dreg:$0x1] =	wrdreg $0xFFFFFFFF  }
0xc1: {  	_ =	task.clear_ibuf [dreg:s7], $0x2FFFF;
	_ =	strace $0x9FFFFFFF  }
0xc2: {  	(tm) =	ssettm $0x7FFFFFFF  }
0xc3: {  	_ =	shalt  }
tec
execute0_lowered:
.L_overlay_start_1:
0x0: {  	(tag) =	ssettag $0x1  }
0x1: {  	s0 =	rddreg [dreg:$0x0]  }
0x2: {  	s1 =	rddreg [dreg:$0x1];
	s3 =	simm.s32 $0x0  }
0x3: {  	s4 =	srdreg.scid;
	s2 =	stileid.u32;
	s11 =	simm.s32 $0x5000  }
0x4: {  	s12 =	simm.s32 $0x3;
	s13 =	simm.s32 $0x80;
	s14 =	simm.s32 $0x186A0  }
0x5: {  	s15 =	simm.s32 $0x2800;
	s16 =	simm.s32 $0x1;
	s17 =	simm.s32 $0x2  }
0x6: {  	s18 =	simm.s32 $0x19000;
	s19 =	simm.s32 $0x0;
	[smem:$0x7FF] =	sst s3  }
.Ltmp0:
0x7: {  	s6 =	sand.u32 $0x1, s4;
	s4 =	sadd.s32 $0x7AE00, s0;
	(pc) =	sbr.rel .LBB2_1-.Ltmp0, $4  }
0x8: {  	v1 =	vlaneseq.u32;
	s7 =	sshll.u32 s2, $0x1;
	s5 =	sadd.s32 $0xC00, s0;
	s8 =	ssub.s32 $0x2, s6  }
0x9: {  	v0 =	vmul.u32 $0xA0, v1;
	_ =	strace $0x80000047;
	s6 =	sor.u32 s6, s7;
	s9 =	sshrl.u32 s8, $0x1  }
0xa: {  	v1 =	vmul.u32 $0xA, v1;
	s7 =	sadd.s32 $0x4000C00, s0;
	s31 =	sshll.u32 s6, $0x4;
	s30 =	ssub.s32 s8, s9  }
0xb: {  	v2 =	vadd.s32 $0x28, v0;
	v3 =	vadd.s32 $0x50, v0;
	v4 =	vadd.s32 $0x78, v0;
	s8 =	sadd.s32 s4, s31;
	s9 =	sadd.s32 s5, s31;
	s10 =	smax.u32 s30, $0x1  }
.LBB2_14:
0xc: {  	s19 =	sadd.s32 $0x1, s19  }
0xd: {  	p0 =	sne.s32 s19, s10  }
.Ltmp1:
0xe: {  	_ = 	snop;
	(pc) =	sbr.rel @!p0 .LBB2_15-.Ltmp1, $1  }
0xf: {  	_ =	sdelay $0x3  }
.LBB2_1:
0x10: {  	[tilespmem:s11], [sflag:$0x3] =	stream.linear.gather [hbm4b:s7+s3], $0x10000, $0x38;
	[tilespmem:$0x1E000] =	vst v63  }
0x11: {  	_ =	swait.ge [sflag:s12], $0x10000  }
.Ltmp2:
0x12: {  	[sflag:s12] =	ssyncset.done $0x0;
	(pc) =	sbr.rel .LBB2_2-.Ltmp2, $4  }
0x13: {  	[sflag:s12] =	ssyncadd.s32 $0xFFFF0000  }
0x14: {  	[tilespmem:s3], [sflag:$0x1] =	stream.strided.gather [hbm4b:s8+s13], $0x1400, s14, s13, $0x38;
	[tilespmem:$0x1E000] =	vst v63  }
0x15: {  	p0 =	por $0x0, $0x0;
	s20 =	simm.s32 $0x0  }
0x16: {  	[tilespmem:s15], [sflag:$0x1] =	stream.strided.gather [hbm4b:s9+s13], $0x1400, s14, s13, $0x38;
	[tilespmem:$0x1E000] =	vst v63  }
.LBB2_12:
0x17: {  	s0 =	smul.u32 $0x14, s23;
	_ =	sdelay $0x1  }
0x18: {  	s0 =	sadd.s32 s1, s0  }
0x19: {  	[hbm4b:s0+s3] =	stream.linear.scatter [tilespmem:s18], [sflag:$0x3], $0x5000, $0x38;
	[tilespmem:$0x1E000] =	vst v63  }
0x1a: {  	_ =	swait.ge [sflag:s12], $0x5000  }
0x1b: {  	[sflag:s12] =	ssyncset.done $0x0  }
0x1c: {  	[sflag:s12] =	ssyncadd.s32 $0xFFFFB000  }
.LBB2_13:
0x1d: {  	s20 =	sadd.s32 $0x1, s20  }
0x1e: {  	p1 =	sne.s32 s20, $0x19  }
.Ltmp3:
0x1f: {  	_ = 	snop;
	(pc) =	sbr.rel @!p1 .LBB2_14-.Ltmp3, $2  }
0x20: {  	_ =	sdelay $0x2  }
0x21: {  	p0 =	por !p0, !p0  }
.LBB2_2:
0x22: {  	s0 =	sshll.u32 s20, $0x5  }
0x23: {  	s0 =	sor.u32 s6, s0  }
0x24: {  	p1 =	sgt.u32 s0, $0x30D  }
.Ltmp4:
0x25: {  	_ = 	snop;
	(pc) =	sbr.rel @p1 .LBB2_13-.Ltmp4, $1  }
0x26: {  	_ =	sdelay $0x3  }
0x27: {  	s21 =	simm.s32 $0x1;
	_ =	swait.ge [sflag:s16], $0x1400;
	s23 =	sshll.u32 s0, $0x7  }
0x28: {  	p1 =	sgt.u32 s0, $0x2ED;
	s25 =	sand.u32 $0x1, s20;
	s21 =	simm.s32 @!p0 $0x0  }
0x29: {  	[sflag:s16] =	ssyncset.done $0x0;
	s0 =	smin.u32 @!p1 s23, $0x17620;
	s22 =	sxor.u32 @!p1 $0x1, s25  }
0x2a: {  	s26 =	simm.s32 @!p1 $0x80;
	s28 =	simm.s32 @!p1 $0x186A0;
	s23 =	smin.u32 s23, $0x18620  }
0x2b: {  	s25 =	smul.u32 $0x1400, s25;
	[sflag:s16] =	ssyncadd.s32 $0xFFFFEC00;
	s0 =	sshrl.u32 @!p1 s0, $0x3  }
0x2c: {  	s21 =	smul.u32 $0x5000, s21;
	_ =	swait.ge [sflag:s16], $0x1400;
	s0 =	sadd.s32 @!p1 $0x200, s0  }
0x2d: {  	s22 =	smul.u32 @!p1 $0x1400, s22;
	[sflag:s16] =	ssyncset.done $0x0;
	s24 =	sadd.s32 @!p1 s4, s0  }
.Ltmp5:
0x2e: {  	s21 =	sshrl.u32 s21, $0x2;
	[sflag:s16] =	ssyncadd.s32 $0xFFFFEC00;
	(pc) =	sbr.rel .LBB2_4-.Ltmp5, $4  }
0x2f: {  	[tilespmem:s22], [sflag:$0x1] =	stream.strided.gather @!p1 [hbm4b:s24+s26], $0x1400, s28, s26, $0x38;
	[tilespmem:$0x1E000] =	vst v63  }
0x30: {  	s0 =	sadd.s32 @!p1 s5, s0;
	s22 =	sadd.s32 @!p1 $0x2800, s22;
	s24 =	sor.u32 $0x100, s21  }
0x31: {  	[tilespmem:s22], [sflag:$0x1] =	stream.strided.gather @!p1 [hbm4b:s0+s26], $0x1400, s28, s26, $0x38;
	[tilespmem:$0x1E000] =	vst v63  }
0x32: {  	s0 =	sadd.s32 $0x3180, s21;
	s22 =	sadd.s32 $0x2900, s21;
	s26 =	simm.s32 $0x0  }
.LBB2_11:
0x33: {  	s26 =	sadd.s32 $0x1, s26  }
0x34: {  	p1 =	sne.s32 s26, $0x6  }
.Ltmp6:
0x35: {  	_ = 	snop;
	(pc) =	sbr.rel @!p1 .LBB2_12-.Ltmp6, $2  }
0x36: {  	_ =	sdelay $0x2  }
0x37: {  	s22 =	sadd.s32 $0x200, s22;
	s24 =	sadd.s32 $0x200, s24;
	s0 =	sadd.s32 $0x200, s0  }
.LBB2_4:
0x38: {  	p1 =	seq.s32 s26, $0x5  }
.Ltmp7:
0x39: {  	_ = 	snop;
	(pc) =	sbr.rel @p1 .LBB2_8-.Ltmp7, $2  }
0x3a: {  	_ =	sdelay $0x2  }
0x3b: {  	s28 =	simm.s32 $0xA00  }
0x3c: {  	s28 =	sshll.u32 s26, $0x9  }
0x3d: {  	s21 =	sadd.s32 $0xA00, s28  }
0x3e: {  	s29 =	sshll.u32 s21, $0x4  }
0x3f: {  	s29 =	sand.u32 $0x2000, s29  }
0x40: {  	s21 =	sadd.s32 s21, s25;
	s30 =	sor.u32 $0x15000, s29  }
0x41: {  	[tilespmem:s30], [sflag:$0x2] =	stream.indirect.gather [hbm4b:s7+s13], $0x10, s21, s13, $0xb8;
	[tilespmem:$0x1E000] =	vst v63  }
0x42: {  	s31 =	sadd.s32 $0x80, s21;
	s30 =	sor.u32 $0x15800, s29  }
0x43: {  	[tilespmem:s30], [sflag:$0x2] =	stream.indirect.gather [hbm4b:s7+s13], $0x10, s31, s13, $0xb8;
	[tilespmem:$0x1E000] =	vst v63  }
0x44: {  	s2 =	sadd.s32 $0x100, s21;
	s30 =	sadd.s32 $0x16000, s29  }
0x45: {  	[tilespmem:s30], [sflag:$0x2] =	stream.indirect.gather [hbm4b:s7+s13], $0x10, s2, s13, $0xb8;
	[tilespmem:$0x1E000] =	vst v63  }
0x46: {  	s21 =	sadd.s32 $0x180, s21;
	s29 =	sadd.s32 $0x16800, s29  }
0x47: {  	[tilespmem:s29], [sflag:$0x2] =	stream.indirect.gather [hbm4b:s7+s13], $0x10, s21, s13, $0xb8;
	[tilespmem:$0x1E000] =	vst v63  }
0x48: {  	v5 =	vld [tilespmem:s24+$0xFFFFFF00]  }
0x49: {  	v6 =	vld [tilespmem:s24+$0xFFFFFF80];
	_ =	sdelay $0x1  }
0x4a: {  	v7 =	vld [tilespmem:s24+$0x0];
	_ =	sdelay $0x1  }
0x4b: {  	v8 =	vld [tilespmem:s24+$0x80];
	v29 =	vshll.u32 v5, $0x4  }
0x4c: {  	v28 =	vshll.u32 v6, $0x4;
	_ =	sdelay $0x1  }
0x4d: {  	v27 =	vshll.u32 v7, $0x4;
	v6 =	vld [tilespmem:s22+$0xFFFFFF00]  }
0x4e: {  	v7 =	vld [tilespmem:s22+$0xFFFFFF80]  }
0x4f: {  	v26 =	vshll.u32 v8, $0x4;
	v5 =	vld.idx.msk [tilespmem:v29+s11+$0x0], $0xffff  }
0x50: {  	s31 =	simm.s32 $0x0;
	v8 =	vld.idx.msk [tilespmem:v28+s11+$0x0], $0xffff  }
0x51: {  	v10 =	vmov s31;
	v9 =	vld [tilespmem:s22+$0x0]  }
0x52: {  	v12 =	vmul.u32 $0xA0, v10;
	v11 =	vld.idx.msk [tilespmem:v27+s11+$0x0], $0xffff  }
0x53: {  	v10 =	vld [tilespmem:s22+$0x80]  }
0x54: {  	v23 =	vbroadcast v12, $0x0;
	v13 =	vld.idx.msk [tilespmem:v26+s11+$0x0], $0xffff  }
0x55: {  	v14 =	vmul.f32 v5, v6;
	v8 =	vmul.f32 v8, v7  }
0x56: {  	v12 =	vadd.s32 v0, v23  }
0x57: {  	v5 =	vmov s26;
	v11 =	vmul.f32 v11, v9;
	v8 =	vadd.f32 v8, v14  }
0x58: {  	v14 =	vor.u32 v5, v12  }
0x59: {  	v13 =	vmul.f32 v13, v10;
	v8 =	vadd.f32 v11, v8;
	v11 =	vor.u32 $0x1, v28  }
0x5a: {  	v15 =	vor.u32 $0x1, v29  }
0x5b: {  	v8 =	vadd.f32 v13, v8  }
0x5c: {  	v13 =	vor.u32 $0x1, v27  }
0x5d: {  	[tilespmem:v14+s18+$0x0] =	vst.idx.msk $0xffff, v8  }
0x5e: {  	v8 =	vld.idx.msk [tilespmem:v11+s11+$0x0], $0xffff;
	v11 =	vor.u32 $0x1, v26  }
0x5f: {  	v14 =	vld.idx.msk [tilespmem:v15+s11+$0x0], $0xffff;
	_ =	sdelay $0x1  }
0x60: {  	v13 =	vld.idx.msk [tilespmem:v13+s11+$0x0], $0xffff;
	_ =	sdelay $0x1  }
0x61: {  	v11 =	vld.idx.msk [tilespmem:v11+s11+$0x0], $0xffff  }
0x62: {  	v15 =	vmul.f32 v8, v7;
	v14 =	vmul.f32 v14, v6;
	_ =	sdelay $0x1  }
0x63: {  	v8 =	vadd.s32 $0xA, v5;
	v14 =	vadd.f32 v15, v14;
	v13 =	vmul.f32 v13, v9  }
0x64: {  	v15 =	vadd.s32 v8, v12  }
0x65: {  	v13 =	vadd.f32 v13, v14;
	v14 =	vor.u32 $0x2, v29;
	v11 =	vmul.f32 v11, v10  }
0x66: {  	v16 =	vor.u32 $0x2, v28  }
0x67: {  	v11 =	vadd.f32 v11, v13  }
0x68: {  	v13 =	vor.u32 $0x2, v27  }
0x69: {  	[tilespmem:v15+s18+$0x0] =	vst.idx.msk $0xffff, v11  }
0x6a: {  	v11 =	vor.u32 $0x2, v26;
	v14 =	vld.idx.msk [tilespmem:v14+s11+$0x0], $0xffff  }
0x6b: {  	v15 =	vld.idx.msk [tilespmem:v16+s11+$0x0], $0xffff;
	_ =	sdelay $0x1  }
0x6c: {  	v13 =	vld.idx.msk [tilespmem:v13+s11+$0x0], $0xffff;
	_ =	sdelay $0x1  }
0x6d: {  	v16 =	vld.idx.msk [tilespmem:v11+s11+$0x0], $0xffff  }
0x6e: {  	v14 =	vmul.f32 v14, v6;
	v15 =	vmul.f32 v15, v7;
	_ =	sdelay $0x1  }
0x6f: {  	v11 =	vadd.s32 $0x14, v5;
	v14 =	vadd.f32 v15, v14;
	v13 =	vmul.f32 v13, v9  }
0x70: {  	v15 =	vadd.s32 v11, v12  }
0x71: {  	v16 =	vmul.f32 v16, v10;
	v13 =	vadd.f32 v13, v14;
	v14 =	vor.u32 $0x3, v29  }
0x72: {  	v17 =	vor.u32 $0x3, v28  }
0x73: {  	v13 =	vadd.f32 v16, v13  }
0x74: {  	v16 =	vor.u32 $0x3, v27  }
0x75: {  	[tilespmem:v15+s18+$0x0] =	vst.idx.msk $0xffff, v13  }
0x76: {  	v13 =	vld.idx.msk [tilespmem:v14+s11+$0x0], $0xffff;
	v14 =	vor.u32 $0x3, v26  }
0x77: {  	v15 =	vld.idx.msk [tilespmem:v17+s11+$0x0], $0xffff;
	_ =	sdelay $0x1  }
0x78: {  	v16 =	vld.idx.msk [tilespmem:v16+s11+$0x0], $0xffff;
	_ =	sdelay $0x1  }
0x79: {  	v14 =	vld.idx.msk [tilespmem:v14+s11+$0x0], $0xffff  }
0x7a: {  	v17 =	vmul.f32 v13, v6;
	v15 =	vmul.f32 v15, v7  }
0x7b: {  	v13 =	vadd.s32 $0x1E, v5  }
0x7c: {  	v13 =	vand.u32 $0x3F, v13;
	v15 =	vadd.f32 v15, v17;
	v16 =	vmul.f32 v16, v9  }
0x7d: {  	v17 =	vadd.s32 v13, v12  }
0x7e: {  	v15 =	vadd.f32 v16, v15;
	v16 =	vor.u32 $0x4, v29;
	v14 =	vmul.f32 v14, v10  }
0x7f: {  	v18 =	vor.u32 $0x4, v28  }
0x80: {  	v14 =	vadd.f32 v14, v15  }
0x81: {  	v15 =	vor.u32 $0x4, v27  }
0x82: {  	[tilespmem:v17+s18+$0x0] =	vst.idx.msk $0xffff, v14  }
0x83: {  	v14 =	vld.idx.msk [tilespmem:v16+s11+$0x0], $0xffff;
	v16 =	vor.u32 $0x4, v26  }
0x84: {  	v17 =	vld.idx.msk [tilespmem:v18+s11+$0x0], $0xffff;
	_ =	sdelay $0x1  }
0x85: {  	v15 =	vld.idx.msk [tilespmem:v15+s11+$0x0], $0xffff;
	_ =	sdelay $0x1  }
0x86: {  	v16 =	vld.idx.msk [tilespmem:v16+s11+$0x0], $0xffff  }
0x87: {  	v18 =	vmul.f32 v14, v6;
	v17 =	vmul.f32 v17, v7;
	_ =	sdelay $0x1  }
0x88: {  	v14 =	vadd.s32 s26, v2;
	v17 =	vadd.f32 v17, v18;
	v15 =	vmul.f32 v15, v9  }
0x89: {  	v18 =	vadd.s32 v14, v23  }
0x8a: {  	v15 =	vadd.f32 v15, v17;
	v17 =	vor.u32 $0x5, v29;
	v16 =	vmul.f32 v16, v10  }
0x8b: {  	v19 =	vor.u32 $0x5, v28  }
0x8c: {  	v15 =	vadd.f32 v16, v15  }
0x8d: {  	v16 =	vor.u32 $0x5, v27  }
0x8e: {  	[tilespmem:v18+s18+$0x0] =	vst.idx.msk $0xffff, v15  }
0x8f: {  	v15 =	vor.u32 $0x5, v26;
	v17 =	vld.idx.msk [tilespmem:v17+s11+$0x0], $0xffff  }
0x90: {  	v18 =	vld.idx.msk [tilespmem:v19+s11+$0x0], $0xffff;
	_ =	sdelay $0x1  }
0x91: {  	v16 =	vld.idx.msk [tilespmem:v16+s11+$0x0], $0xffff;
	_ =	sdelay $0x1  }
0x92: {  	v19 =	vld.idx.msk [tilespmem:v15+s11+$0x0], $0xffff  }
0x93: {  	v17 =	vmul.f32 v17, v6;
	v18 =	vmul.f32 v18, v7  }
0x94: {  	v15 =	vadd.s32 $0x32, v5  }
0x95: {  	v15 =	vand.u32 $0x3F, v15;
	v16 =	vmul.f32 v16, v9;
	v17 =	vadd.f32 v18, v17  }
0x96: {  	v18 =	vadd.s32 v15, v12  }
0x97: {  	v19 =	vmul.f32 v19, v10;
	v16 =	vadd.f32 v16, v17;
	v17 =	vor.u32 $0x6, v29  }
0x98: {  	v20 =	vor.u32 $0x6, v28  }
0x99: {  	v16 =	vadd.f32 v19, v16  }
0x9a: {  	v19 =	vor.u32 $0x6, v27  }
0x9b: {  	[tilespmem:v18+s18+$0x0] =	vst.idx.msk $0xffff, v16  }
0x9c: {  	v16 =	vor.u32 $0x6, v26;
	v17 =	vld.idx.msk [tilespmem:v17+s11+$0x0], $0xffff  }
0x9d: {  	v18 =	vld.idx.msk [tilespmem:v20+s11+$0x0], $0xffff;
	_ =	sdelay $0x1  }
0x9e: {  	v19 =	vld.idx.msk [tilespmem:v19+s11+$0x0], $0xffff;
	_ =	sdelay $0x1  }
0x9f: {  	v20 =	vld.idx.msk [tilespmem:v16+s11+$0x0], $0xffff  }
0xa0: {  	v17 =	vmul.f32 v17, v6;
	v18 =	vmul.f32 v18, v7  }
0xa1: {  	v16 =	vadd.s32 $0x3C, v5  }
0xa2: {  	v16 =	vand.u32 $0x7F, v16;
	v19 =	vmul.f32 v19, v9;
	v17 =	vadd.f32 v18, v17  }
0xa3: {  	v18 =	vadd.s32 v16, v12  }
0xa4: {  	v20 =	vmul.f32 v20, v10;
	v17 =	vadd.f32 v19, v17;
	v19 =	vor.u32 $0x7, v29  }
0xa5: {  	v21 =	vor.u32 $0x7, v28  }
0xa6: {  	v17 =	vadd.f32 v20, v17  }
0xa7: {  	v20 =	vor.u32 $0x7, v27  }
0xa8: {  	[tilespmem:v18+s18+$0x0] =	vst.idx.msk $0xffff, v17  }
0xa9: {  	v17 =	vor.u32 $0x7, v26;
	v18 =	vld.idx.msk [tilespmem:v19+s11+$0x0], $0xffff  }
0xaa: {  	v19 =	vld.idx.msk [tilespmem:v21+s11+$0x0], $0xffff;
	_ =	sdelay $0x1  }
0xab: {  	v20 =	vld.idx.msk [tilespmem:v20+s11+$0x0], $0xffff;
	_ =	sdelay $0x1  }
0xac: {  	v21 =	vld.idx.msk [tilespmem:v17+s11+$0x0], $0xffff  }
0xad: {  	v18 =	vmul.f32 v18, v6;
	v19 =	vmul.f32 v19, v7  }
0xae: {  	v17 =	vadd.s32 $0x46, v5  }
0xaf: {  	v17 =	vand.u32 $0x4F, v17;
	v20 =	vmul.f32 v20, v9;
	v18 =	vadd.f32 v19, v18  }
0xb0: {  	v19 =	vadd.s32 v17, v12  }
0xb1: {  	v21 =	vmul.f32 v21, v10;
	v18 =	vadd.f32 v20, v18;
	v20 =	vor.u32 $0x8, v28  }
0xb2: {  	v22 =	vor.u32 $0x8, v29  }
0xb3: {  	v18 =	vadd.f32 v21, v18  }
0xb4: {  	v21 =	vor.u32 $0x8, v27  }
0xb5: {  	[tilespmem:v19+s18+$0x0] =	vst.idx.msk $0xffff, v18  }
0xb6: {  	v18 =	vor.u32 $0x8, v26;
	v19 =	vld.idx.msk [tilespmem:v20+s11+$0x0], $0xffff  }
0xb7: {  	v20 =	vld.idx.msk [tilespmem:v22+s11+$0x0], $0xffff;
	_ =	sdelay $0x1  }
0xb8: {  	v21 =	vld.idx.msk [tilespmem:v21+s11+$0x0], $0xffff;
	_ =	sdelay $0x1  }
0xb9: {  	v22 =	vld.idx.msk [tilespmem:v18+s11+$0x0], $0xffff  }
0xba: {  	v19 =	vmul.f32 v19, v7;
	v20 =	vmul.f32 v20, v6;
	_ =	sdelay $0x1  }
0xbb: {  	v18 =	vadd.s32 s26, v3;
	v21 =	vmul.f32 v21, v9;
	v19 =	vadd.f32 v19, v20  }
0xbc: {  	v20 =	vadd.s32 v18, v23  }
0xbd: {  	v22 =	vmul.f32 v22, v10;
	v19 =	vadd.f32 v21, v19;
	v21 =	vor.u32 $0x9, v29  }
0xbe: {  	v24 =	vor.u32 $0x9, v28  }
0xbf: {  	v19 =	vadd.f32 v22, v19  }
0xc0: {  	v22 =	vor.u32 $0x9, v27  }
0xc1: {  	[tilespmem:v20+s18+$0x0] =	vst.idx.msk $0xffff, v19  }
0xc2: {  	v19 =	vor.u32 $0x9, v26;
	v20 =	vld.idx.msk [tilespmem:v21+s11+$0x0], $0xffff  }
0xc3: {  	v21 =	vld.idx.msk [tilespmem:v24+s11+$0x0], $0xffff;
	_ =	sdelay $0x1  }
0xc4: {  	v22 =	vld.idx.msk [tilespmem:v22+s11+$0x0], $0xffff;
	_ =	sdelay $0x1  }
0xc5: {  	v24 =	vld.idx.msk [tilespmem:v19+s11+$0x0], $0xffff  }
0xc6: {  	v20 =	vmul.f32 v20, v6;
	v21 =	vmul.f32 v21, v7  }
0xc7: {  	v19 =	vadd.s32 $0x5A, v5  }
0xc8: {  	v19 =	vand.u32 $0x7F, v19;
	v22 =	vmul.f32 v22, v9;
	v20 =	vadd.f32 v21, v20  }
0xc9: {  	v21 =	vadd.s32 v19, v12  }
0xca: {  	v24 =	vmul.f32 v24, v10;
	v20 =	vadd.f32 v22, v20;
	v22 =	vor.u32 $0xA, v29  }
0xcb: {  	v25 =	vor.u32 $0xA, v28  }
0xcc: {  	v20 =	vadd.f32 v24, v20  }
0xcd: {  	v24 =	vor.u32 $0xA, v27  }
0xce: {  	[tilespmem:v21+s18+$0x0] =	vst.idx.msk $0xffff, v20  }
0xcf: {  	v20 =	vor.u32 $0xA, v26;
	v21 =	vld.idx.msk [tilespmem:v22+s11+$0x0], $0xffff  }
0xd0: {  	v22 =	vld.idx.msk [tilespmem:v25+s11+$0x0], $0xffff;
	_ =	sdelay $0x1  }
0xd1: {  	v24 =	vld.idx.msk [tilespmem:v24+s11+$0x0], $0xffff;
	_ =	sdelay $0x1  }
0xd2: {  	v25 =	vld.idx.msk [tilespmem:v20+s11+$0x0], $0xffff  }
0xd3: {  	v21 =	vmul.f32 v21, v6;
	v22 =	vmul.f32 v22, v7  }
0xd4: {  	v20 =	vadd.s32 $0x64, v5  }
0xd5: {  	v20 =	vand.u32 $0x6F, v20;
	v24 =	vmul.f32 v24, v9;
	v21 =	vadd.f32 v22, v21  }
0xd6: {  	v22 =	vadd.s32 v20, v12  }
0xd7: {  	v25 =	vmul.f32 v25, v10;
	v21 =	vadd.f32 v24, v21;
	v24 =	vor.u32 $0xB, v29  }
0xd8: {  	v30 =	vor.u32 $0xB, v28  }
0xd9: {  	v21 =	vadd.f32 v25, v21  }
0xda: {  	v25 =	vor.u32 $0xB, v27  }
0xdb: {  	[tilespmem:v22+s18+$0x0] =	vst.idx.msk $0xffff, v21  }
0xdc: {  	v21 =	vor.u32 $0xB, v26;
	v22 =	vld.idx.msk [tilespmem:v24+s11+$0x0], $0xffff  }
0xdd: {  	v24 =	vld.idx.msk [tilespmem:v30+s11+$0x0], $0xffff;
	_ =	sdelay $0x1  }
0xde: {  	v25 =	vld.idx.msk [tilespmem:v25+s11+$0x0], $0xffff;
	_ =	sdelay $0x1  }
0xdf: {  	v30 =	vld.idx.msk [tilespmem:v21+s11+$0x0], $0xffff  }
0xe0: {  	v22 =	vmul.f32 v22, v6;
	v24 =	vmul.f32 v24, v7  }
0xe1: {  	v21 =	vadd.s32 $0x6E, v5  }
0xe2: {  	v21 =	vand.u32 $0x7F, v21;
	v25 =	vmul.f32 v25, v9;
	v22 =	vadd.f32 v24, v22  }
0xe3: {  	v24 =	vadd.s32 v21, v12  }
0xe4: {  	v30 =	vmul.f32 v30, v10;
	v22 =	vadd.f32 v25, v22;
	v25 =	vor.u32 $0xC, v29  }
0xe5: {  	v31 =	vor.u32 $0xC, v28  }
0xe6: {  	v22 =	vadd.f32 v30, v22  }
0xe7: {  	v30 =	vor.u32 $0xC, v27  }
0xe8: {  	[tilespmem:v24+s18+$0x0] =	vst.idx.msk $0xffff, v22  }
0xe9: {  	v22 =	vor.u32 $0xC, v26;
	v24 =	vld.idx.msk [tilespmem:v25+s11+$0x0], $0xffff  }
0xea: {  	v25 =	vld.idx.msk [tilespmem:v31+s11+$0x0], $0xffff;
	_ =	sdelay $0x1  }
0xeb: {  	v30 =	vld.idx.msk [tilespmem:v30+s11+$0x0], $0xffff;
	_ =	sdelay $0x1  }
0xec: {  	v31 =	vld.idx.msk [tilespmem:v22+s11+$0x0], $0xffff  }
0xed: {  	v24 =	vmul.f32 v24, v6;
	v25 =	vmul.f32 v25, v7;
	_ =	sdelay $0x1  }
0xee: {  	v22 =	vadd.s32 s26, v4;
	v24 =	vadd.f32 v25, v24;
	v25 =	vmul.f32 v30, v9  }
0xef: {  	v23 =	vadd.s32 v22, v23  }
0xf0: {  	v30 =	vmul.f32 v31, v10;
	v24 =	vadd.f32 v25, v24;
	v25 =	vor.u32 $0xD, v29  }
0xf1: {  	v31 =	vor.u32 $0xD, v28  }
0xf2: {  	v24 =	vadd.f32 v30, v24  }
0xf3: {  	v30 =	vor.u32 $0xD, v27  }
0xf4: {  	[tilespmem:v23+s18+$0x0] =	vst.idx.msk $0xffff, v24  }
0xf5: {  	v23 =	vor.u32 $0xD, v26;
	v24 =	vld.idx.msk [tilespmem:v25+s11+$0x0], $0xffff  }
0xf6: {  	v25 =	vld.idx.msk [tilespmem:v31+s11+$0x0], $0xffff;
	_ =	sdelay $0x1  }
0xf7: {  	v30 =	vld.idx.msk [tilespmem:v30+s11+$0x0], $0xffff;
	_ =	sdelay $0x1  }
0xf8: {  	v31 =	vld.idx.msk [tilespmem:v23+s11+$0x0], $0xffff  }
0xf9: {  	v24 =	vmul.f32 v24, v6;
	v25 =	vmul.f32 v25, v7  }
0xfa: {  	v23 =	vadd.s32 $0x82, v5  }
0xfb: {  	v23 =	vand.u32 $0x8F, v23;
	v30 =	vmul.f32 v30, v9;
	v24 =	vadd.f32 v25, v24  }
0xfc: {  	v25 =	vadd.s32 v23, v12  }
0xfd: {  	v31 =	vmul.f32 v31, v10;
	v24 =	vadd.f32 v30, v24;
	v30 =	vor.u32 $0xE, v29  }
0xfe: {  	v32 =	vor.u32 $0xE, v28  }
0xff: {  	v24 =	vadd.f32 v31, v24  }
0x100: {  	v31 =	vor.u32 $0xE, v27  }
0x101: {  	[tilespmem:v25+s18+$0x0] =	vst.idx.msk $0xffff, v24  }
0x102: {  	v25 =	vld.idx.msk [tilespmem:v30+s11+$0x0], $0xffff  }
0x103: {  	v24 =	vor.u32 $0xE, v26;
	v30 =	vld.idx.msk [tilespmem:v32+s11+$0x0], $0xffff;
	_ =	sdelay $0x1  }
0x104: {  	v31 =	vld.idx.msk [tilespmem:v31+s11+$0x0], $0xffff;
	_ =	sdelay $0x2  }
0x105: {  	v63 =	vld.idx.msk [tilespmem:v24+s11+$0x0], $0xffff;
	v24 =	vmul.f32 v25, v6;
	v25 =	vmul.f32 v30, v7;
	_ =	sdelay $0x1  }
0x106: {  	v30 =	vadd.s32 $0x8C, v5;
	v31 =	vmul.f32 v31, v9;
	v33 =	vadd.f32 v25, v24  }
0x107: {  	v25 =	vand.u32 $0x9F, v30  }
0x108: {  	v33 =	vadd.f32 v31, v33;
	v31 =	vadd.s32 v25, v12  }
0x109: {  	v30 =	vor.u32 $0xF, v29;
	v32 =	vmul.f32 v63, v10  }
0x10a: {  	v28 =	vor.u32 $0xF, v28;
	v27 =	vor.u32 $0xF, v27;
	v24 =	vadd.s32 $0x96, v5  }
0x10b: {  	s30 =	smov.u32 s24;
	s21 =	simm.s32 $0x10;
	s29 =	smov.u32 s22;
	v26 =	vor.u32 $0xF, v26;
	v24 =	vand.u32 $0x9F, v24;
	v29 =	vadd.f32 v32, v33  }
.LBB2_6:
0x10c: {  	p1 =	sne.s32 s21, $0x70;
	s29 =	sadd.s32 $0x10, s29;
	s30 =	sadd.s32 $0x10, s30  }
0x10d: {  	s31 =	smov.u32 s21;
	s21 =	sadd.s32 $0x10, s21;
	[tilespmem:v31+s18+$0x0] =	vst.idx.msk $0xffff, v29  }
0x10e: {  	v29 =	vld.idx.msk [tilespmem:v30+s11+$0x0], $0xffff  }
0x10f: {  	v28 =	vld.idx.msk [tilespmem:v28+s11+$0x0], $0xffff  }
0x110: {  	v27 =	vld.idx.msk [tilespmem:v27+s11+$0x0], $0xffff  }
0x111: {  	v26 =	vld.idx.msk [tilespmem:v26+s11+$0x0], $0xffff;
	_ =	sdelay $0x2  }
0x112: {  	v6 =	vmul.f32 v29, v6  }
0x113: {  	v7 =	vmul.f32 v28, v7  }
0x114: {  	v9 =	vmul.f32 v27, v9  }
0x115: {  	v6 =	vadd.f32 v7, v6;
	v7 =	vmul.f32 v26, v10;
	v10 =	vadd.s32 v24, v12;
	_ =	sdelay $0x1  }
0x116: {  	v6 =	vadd.f32 v9, v6;
	_ =	sdelay $0x1  }
0x117: {  	v6 =	vadd.f32 v7, v6;
	_ =	sdelay $0x1  }
0x118: {  	[tilespmem:v10+s18+$0x0] =	vst.idx.msk $0xffff, v6  }
0x119: {  	v6 =	vld [tilespmem:s30+$0xFFFFFF00]  }
0x11a: {  	v7 =	vld [tilespmem:s30+$0xFFFFFF80]  }
0x11b: {  	v9 =	vld [tilespmem:s30+$0x0];
	_ =	sdelay $0x1  }
0x11c: {  	v10 =	vld [tilespmem:s30+$0x80]  }
0x11d: {  	v28 =	vshll.u32 v6, $0x4  }
0x11e: {  	v29 =	vshll.u32 v7, $0x4  }
0x11f: {  	v27 =	vshll.u32 v9, $0x4  }
0x120: {  	v6 =	vld [tilespmem:s29+$0xFFFFFF00]  }
0x121: {  	v7 =	vld [tilespmem:s29+$0xFFFFFF80];
	v30 =	vshll.u32 v10, $0x4  }
0x122: {  	v12 =	vld.idx.msk [tilespmem:v28+s11+$0x0], $0xffff;
	v26 =	vor.u32 $0xF, v30  }
0x123: {  	v31 =	vld.idx.msk [tilespmem:v29+s11+$0x0], $0xffff  }
0x124: {  	v32 =	vld.idx.msk [tilespmem:v27+s11+$0x0], $0xffff  }
0x125: {  	v9 =	vld [tilespmem:s29+$0x0]  }
0x126: {  	v33 =	vmov s31;
	v34 =	vld.idx.msk [tilespmem:v30+s11+$0x0], $0xffff  }
0x127: {  	v33 =	vmul.u32 $0xA0, v33;
	v10 =	vld [tilespmem:s29+$0x80]  }
0x128: {  	v12 =	vmul.f32 v12, v6  }
0x129: {  	v35 =	vmul.f32 v31, v7;
	v31 =	vbroadcast v33, $0x0  }
0x12a: {  	v32 =	vmul.f32 v32, v9  }
0x12b: {  	v33 =	vadd.f32 v35, v12;
	v12 =	vadd.s32 v0, v31  }
0x12c: {  	v35 =	vor.u32 v5, v12;
	v34 =	vmul.f32 v34, v10  }
0x12d: {  	v32 =	vadd.f32 v32, v33;
	v33 =	vor.u32 $0x1, v29  }
0x12e: {  	v36 =	vor.u32 $0x1, v28  }
0x12f: {  	v32 =	vadd.f32 v34, v32  }
0x130: {  	v34 =	vor.u32 $0x1, v27  }
0x131: {  	[tilespmem:v35+s18+$0x0] =	vst.idx.msk $0xffff, v32  }
0x132: {  	v32 =	vld.idx.msk [tilespmem:v33+s11+$0x0], $0xffff;
	v33 =	vor.u32 $0x1, v30  }
0x133: {  	v35 =	vld.idx.msk [tilespmem:v36+s11+$0x0], $0xffff;
	_ =	sdelay $0x1  }
0x134: {  	v34 =	vld.idx.msk [tilespmem:v34+s11+$0x0], $0xffff;
	_ =	sdelay $0x1  }
0x135: {  	v33 =	vld.idx.msk [tilespmem:v33+s11+$0x0], $0xffff  }
0x136: {  	v32 =	vmul.f32 v32, v7  }
0x137: {  	v35 =	vmul.f32 v35, v6;
	_ =	sdelay $0x1  }
0x138: {  	v32 =	vadd.f32 v32, v35;
	v34 =	vmul.f32 v34, v9  }
0x139: {  	v35 =	vadd.s32 v8, v12  }
0x13a: {  	v32 =	vadd.f32 v34, v32;
	v33 =	vmul.f32 v33, v10;
	v34 =	vor.u32 $0x2, v28  }
0x13b: {  	v36 =	vor.u32 $0x2, v29  }
0x13c: {  	v32 =	vadd.f32 v33, v32;
	v33 =	vor.u32 $0x2, v30  }
0x13d: {  	v37 =	vor.u32 $0x2, v27  }
0x13e: {  	[tilespmem:v35+s18+$0x0] =	vst.idx.msk $0xffff, v32  }
0x13f: {  	v32 =	vld.idx.msk [tilespmem:v34+s11+$0x0], $0xffff  }
0x140: {  	v34 =	vld.idx.msk [tilespmem:v36+s11+$0x0], $0xffff  }
0x141: {  	v33 =	vld.idx.msk [tilespmem:v33+s11+$0x0], $0xffff  }
0x142: {  	v35 =	vld.idx.msk [tilespmem:v37+s11+$0x0], $0xffff;
	_ =	sdelay $0x3  }
0x143: {  	v32 =	vmul.f32 v32, v6;
	v34 =	vmul.f32 v34, v7  }
0x144: {  	v33 =	vmul.f32 v33, v10  }
0x145: {  	v32 =	vadd.f32 v34, v32;
	v34 =	vmul.f32 v35, v9  }
0x146: {  	v35 =	vadd.s32 v11, v12  }
0x147: {  	v32 =	vadd.f32 v34, v32;
	v34 =	vor.u32 $0x3, v28  }
0x148: {  	v36 =	vor.u32 $0x3, v29  }
0x149: {  	v32 =	vadd.f32 v33, v32  }
0x14a: {  	v33 =	vor.u32 $0x3, v27  }
0x14b: {  	[tilespmem:v35+s18+$0x0] =	vst.idx.msk $0xffff, v32  }
0x14c: {  	v32 =	vld.idx.msk [tilespmem:v34+s11+$0x0], $0xffff;
	v34 =	vor.u32 $0x3, v30  }
0x14d: {  	v35 =	vld.idx.msk [tilespmem:v36+s11+$0x0], $0xffff;
	_ =	sdelay $0x1  }
0x14e: {  	v33 =	vld.idx.msk [tilespmem:v33+s11+$0x0], $0xffff;
	_ =	sdelay $0x1  }
0x14f: {  	v34 =	vld.idx.msk [tilespmem:v34+s11+$0x0], $0xffff  }
0x150: {  	v32 =	vmul.f32 v32, v6  }
0x151: {  	v35 =	vmul.f32 v35, v7;
	_ =	sdelay $0x1  }
0x152: {  	v32 =	vadd.f32 v35, v32;
	v33 =	vmul.f32 v33, v9  }
0x153: {  	v35 =	vadd.s32 v13, v12  }
0x154: {  	v32 =	vadd.f32 v33, v32;
	v33 =	vmul.f32 v34, v10;
	v34 =	vor.u32 $0x4, v28  }
0x155: {  	v36 =	vor.u32 $0x4, v29  }
0x156: {  	v32 =	vadd.f32 v33, v32  }
0x157: {  	v33 =	vor.u32 $0x4, v27  }
0x158: {  	[tilespmem:v35+s18+$0x0] =	vst.idx.msk $0xffff, v32  }
0x159: {  	v32 =	vld.idx.msk [tilespmem:v34+s11+$0x0], $0xffff;
	v34 =	vor.u32 $0x4, v30  }
0x15a: {  	v35 =	vld.idx.msk [tilespmem:v36+s11+$0x0], $0xffff;
	_ =	sdelay $0x1  }
0x15b: {  	v33 =	vld.idx.msk [tilespmem:v33+s11+$0x0], $0xffff;
	_ =	sdelay $0x1  }
0x15c: {  	v34 =	vld.idx.msk [tilespmem:v34+s11+$0x0], $0xffff  }
0x15d: {  	v32 =	vmul.f32 v32, v6  }
0x15e: {  	v35 =	vmul.f32 v35, v7;
	_ =	sdelay $0x1  }
0x15f: {  	v32 =	vadd.f32 v35, v32;
	v33 =	vmul.f32 v33, v9  }
0x160: {  	v35 =	vadd.s32 v14, v31  }
0x161: {  	v32 =	vadd.f32 v33, v32;
	v33 =	vmul.f32 v34, v10;
	v34 =	vor.u32 $0x5, v28  }
0x162: {  	v36 =	vor.u32 $0x5, v29  }
0x163: {  	v32 =	vadd.f32 v33, v32;
	v33 =	vor.u32 $0x5, v27  }
0x164: {  	v37 =	vor.u32 $0x5, v30  }
0x165: {  	[tilespmem:v35+s18+$0x0] =	vst.idx.msk $0xffff, v32  }
0x166: {  	v32 =	vld.idx.msk [tilespmem:v34+s11+$0x0], $0xffff  }
0x167: {  	v34 =	vld.idx.msk [tilespmem:v36+s11+$0x0], $0xffff  }
0x168: {  	v33 =	vld.idx.msk [tilespmem:v33+s11+$0x0], $0xffff  }
0x169: {  	v35 =	vld.idx.msk [tilespmem:v37+s11+$0x0], $0xffff;
	_ =	sdelay $0x2  }
0x16a: {  	v32 =	vmul.f32 v32, v6  }
0x16b: {  	v34 =	vmul.f32 v34, v7  }
0x16c: {  	v33 =	vmul.f32 v33, v9  }
0x16d: {  	v32 =	vadd.f32 v34, v32;
	v34 =	vmul.f32 v35, v10  }
0x16e: {  	v35 =	vadd.s32 v15, v12  }
0x16f: {  	v32 =	vadd.f32 v33, v32;
	v33 =	vor.u32 $0x6, v28  }
0x170: {  	v36 =	vor.u32 $0x6, v29  }
0x171: {  	v32 =	vadd.f32 v34, v32;
	v34 =	vor.u32 $0x6, v27  }
0x172: {  	v37 =	vor.u32 $0x6, v30  }
0x173: {  	[tilespmem:v35+s18+$0x0] =	vst.idx.msk $0xffff, v32  }
0x174: {  	v32 =	vld.idx.msk [tilespmem:v33+s11+$0x0], $0xffff  }
0x175: {  	v33 =	vld.idx.msk [tilespmem:v36+s11+$0x0], $0xffff  }
0x176: {  	v34 =	vld.idx.msk [tilespmem:v34+s11+$0x0], $0xffff  }
0x177: {  	v35 =	vld.idx.msk [tilespmem:v37+s11+$0x0], $0xffff;
	_ =	sdelay $0x2  }
0x178: {  	v32 =	vmul.f32 v32, v6  }
0x179: {  	v33 =	vmul.f32 v33, v7  }
0x17a: {  	v34 =	vmul.f32 v34, v9  }
0x17b: {  	v32 =	vadd.f32 v33, v32;
	v33 =	vmul.f32 v35, v10  }
0x17c: {  	v35 =	vadd.s32 v16, v12  }
0x17d: {  	v32 =	vadd.f32 v34, v32;
	v34 =	vor.u32 $0x7, v28  }
0x17e: {  	v36 =	vor.u32 $0x7, v29  }
0x17f: {  	v32 =	vadd.f32 v33, v32;
	v33 =	vor.u32 $0x7, v27  }
0x180: {  	v37 =	vor.u32 $0x7, v30  }
0x181: {  	[tilespmem:v35+s18+$0x0] =	vst.idx.msk $0xffff, v32  }
0x182: {  	v32 =	vld.idx.msk [tilespmem:v34+s11+$0x0], $0xffff  }
0x183: {  	v34 =	vld.idx.msk [tilespmem:v36+s11+$0x0], $0xffff  }
0x184: {  	v33 =	vld.idx.msk [tilespmem:v33+s11+$0x0], $0xffff  }
0x185: {  	v35 =	vld.idx.msk [tilespmem:v37+s11+$0x0], $0xffff;
	_ =	sdelay $0x2  }
0x186: {  	v32 =	vmul.f32 v32, v6  }
0x187: {  	v34 =	vmul.f32 v34, v7  }
0x188: {  	v33 =	vmul.f32 v33, v9  }
0x189: {  	v32 =	vadd.f32 v34, v32;
	v34 =	vmul.f32 v35, v10  }
0x18a: {  	v35 =	vadd.s32 v17, v12  }
0x18b: {  	v32 =	vadd.f32 v33, v32;
	v33 =	vor.u32 $0x8, v29  }
0x18c: {  	v36 =	vor.u32 $0x8, v28  }
0x18d: {  	v32 =	vadd.f32 v34, v32;
	v34 =	vor.u32 $0x8, v27  }
0x18e: {  	v37 =	vor.u32 $0x8, v30  }
0x18f: {  	[tilespmem:v35+s18+$0x0] =	vst.idx.msk $0xffff, v32  }
0x190: {  	v32 =	vld.idx.msk [tilespmem:v33+s11+$0x0], $0xffff  }
0x191: {  	v33 =	vld.idx.msk [tilespmem:v36+s11+$0x0], $0xffff  }
0x192: {  	v34 =	vld.idx.msk [tilespmem:v34+s11+$0x0], $0xffff  }
0x193: {  	v35 =	vld.idx.msk [tilespmem:v37+s11+$0x0], $0xffff;
	_ =	sdelay $0x2  }
0x194: {  	v32 =	vmul.f32 v32, v7  }
0x195: {  	v33 =	vmul.f32 v33, v6  }
0x196: {  	v34 =	vmul.f32 v34, v9  }
0x197: {  	v32 =	vadd.f32 v32, v33;
	v33 =	vmul.f32 v35, v10  }
0x198: {  	v35 =	vadd.s32 v18, v31  }
0x199: {  	v32 =	vadd.f32 v34, v32;
	v34 =	vor.u32 $0x9, v28  }
0x19a: {  	v36 =	vor.u32 $0x9, v27  }
0x19b: {  	v32 =	vadd.f32 v33, v32;
	v33 =	vor.u32 $0x9, v29  }
0x19c: {  	v37 =	vor.u32 $0x9, v30  }
0x19d: {  	[tilespmem:v35+s18+$0x0] =	vst.idx.msk $0xffff, v32  }
0x19e: {  	v32 =	vld.idx.msk [tilespmem:v34+s11+$0x0], $0xffff  }
0x19f: {  	v34 =	vld.idx.msk [tilespmem:v36+s11+$0x0], $0xffff  }
0x1a0: {  	v33 =	vld.idx.msk [tilespmem:v33+s11+$0x0], $0xffff  }
0x1a1: {  	v35 =	vld.idx.msk [tilespmem:v37+s11+$0x0], $0xffff;
	_ =	sdelay $0x3  }
0x1a2: {  	v34 =	vmul.f32 v34, v9  }
0x1a3: {  	v32 =	vmul.f32 v32, v6;
	v33 =	vmul.f32 v33, v7  }
0x1a4: {  	v35 =	vmul.f32 v35, v10  }
0x1a5: {  	v32 =	vadd.f32 v33, v32  }
0x1a6: {  	v33 =	vadd.s32 v19, v12  }
0x1a7: {  	v32 =	vadd.f32 v34, v32;
	v34 =	vor.u32 $0xA, v28  }
0x1a8: {  	v36 =	vor.u32 $0xA, v29  }
0x1a9: {  	v32 =	vadd.f32 v35, v32;
	v35 =	vor.u32 $0xA, v27  }
0x1aa: {  	v37 =	vor.u32 $0xA, v30  }
0x1ab: {  	[tilespmem:v33+s18+$0x0] =	vst.idx.msk $0xffff, v32  }
0x1ac: {  	v32 =	vld.idx.msk [tilespmem:v34+s11+$0x0], $0xffff  }
0x1ad: {  	v33 =	vld.idx.msk [tilespmem:v36+s11+$0x0], $0xffff  }
0x1ae: {  	v34 =	vld.idx.msk [tilespmem:v35+s11+$0x0], $0xffff  }
0x1af: {  	v35 =	vld.idx.msk [tilespmem:v37+s11+$0x0], $0xffff;
	_ =	sdelay $0x2  }
0x1b0: {  	v32 =	vmul.f32 v32, v6  }
0x1b1: {  	v33 =	vmul.f32 v33, v7  }
0x1b2: {  	v34 =	vmul.f32 v34, v9  }
0x1b3: {  	v32 =	vadd.f32 v33, v32;
	v33 =	vmul.f32 v35, v10  }
0x1b4: {  	v35 =	vadd.s32 v20, v12  }
0x1b5: {  	v32 =	vadd.f32 v34, v32;
	v34 =	vor.u32 $0xB, v28  }
0x1b6: {  	v36 =	vor.u32 $0xB, v29  }
0x1b7: {  	v32 =	vadd.f32 v33, v32;
	v33 =	vor.u32 $0xB, v27  }
0x1b8: {  	v37 =	vor.u32 $0xB, v30  }
0x1b9: {  	[tilespmem:v35+s18+$0x0] =	vst.idx.msk $0xffff, v32  }
0x1ba: {  	v32 =	vld.idx.msk [tilespmem:v34+s11+$0x0], $0xffff  }
0x1bb: {  	v34 =	vld.idx.msk [tilespmem:v36+s11+$0x0], $0xffff  }
0x1bc: {  	v33 =	vld.idx.msk [tilespmem:v33+s11+$0x0], $0xffff  }
0x1bd: {  	v35 =	vld.idx.msk [tilespmem:v37+s11+$0x0], $0xffff;
	_ =	sdelay $0x3  }
0x1be: {  	v32 =	vmul.f32 v32, v6;
	v34 =	vmul.f32 v34, v7  }
0x1bf: {  	v33 =	vmul.f32 v33, v9  }
0x1c0: {  	v32 =	vadd.f32 v34, v32;
	v34 =	vmul.f32 v35, v10  }
0x1c1: {  	v35 =	vadd.s32 v21, v12  }
0x1c2: {  	v32 =	vadd.f32 v33, v32;
	v33 =	vor.u32 $0xC, v28  }
0x1c3: {  	v36 =	vor.u32 $0xC, v29  }
0x1c4: {  	v32 =	vadd.f32 v34, v32;
	v34 =	vor.u32 $0xC, v27  }
0x1c5: {  	v37 =	vor.u32 $0xC, v30  }
0x1c6: {  	[tilespmem:v35+s18+$0x0] =	vst.idx.msk $0xffff, v32  }
0x1c7: {  	v32 =	vld.idx.msk [tilespmem:v33+s11+$0x0], $0xffff  }
0x1c8: {  	v33 =	vld.idx.msk [tilespmem:v36+s11+$0x0], $0xffff  }
0x1c9: {  	v34 =	vld.idx.msk [tilespmem:v34+s11+$0x0], $0xffff  }
0x1ca: {  	v35 =	vld.idx.msk [tilespmem:v37+s11+$0x0], $0xffff;
	_ =	sdelay $0x2  }
0x1cb: {  	v32 =	vmul.f32 v32, v6  }
0x1cc: {  	v33 =	vmul.f32 v33, v7;
	_ =	sdelay $0x1  }
0x1cd: {  	v32 =	vadd.f32 v33, v32;
	v33 =	vmul.f32 v34, v9;
	v34 =	vmul.f32 v35, v10  }
0x1ce: {  	v31 =	vadd.s32 v22, v31  }
0x1cf: {  	v32 =	vadd.f32 v33, v32;
	v33 =	vor.u32 $0xD, v28  }
0x1d0: {  	v35 =	vor.u32 $0xD, v29  }
0x1d1: {  	v32 =	vadd.f32 v34, v32;
	v34 =	vor.u32 $0xD, v27  }
0x1d2: {  	v36 =	vor.u32 $0xD, v30  }
0x1d3: {  	[tilespmem:v31+s18+$0x0] =	vst.idx.msk $0xffff, v32  }
0x1d4: {  	v31 =	vld.idx.msk [tilespmem:v33+s11+$0x0], $0xffff  }
0x1d5: {  	v32 =	vld.idx.msk [tilespmem:v35+s11+$0x0], $0xffff  }
0x1d6: {  	v33 =	vld.idx.msk [tilespmem:v34+s11+$0x0], $0xffff  }
0x1d7: {  	v34 =	vld.idx.msk [tilespmem:v36+s11+$0x0], $0xffff;
	_ =	sdelay $0x2  }
0x1d8: {  	v31 =	vmul.f32 v31, v6  }
0x1d9: {  	v32 =	vmul.f32 v32, v7  }
0x1da: {  	v33 =	vmul.f32 v33, v9  }
0x1db: {  	v31 =	vadd.f32 v32, v31;
	v32 =	vmul.f32 v34, v10  }
0x1dc: {  	v34 =	vadd.s32 v23, v12  }
0x1dd: {  	v31 =	vadd.f32 v33, v31;
	v33 =	vor.u32 $0xE, v28  }
0x1de: {  	v35 =	vor.u32 $0xE, v29  }
0x1df: {  	v31 =	vadd.f32 v32, v31;
	v32 =	vor.u32 $0xE, v27  }
0x1e0: {  	v30 =	vor.u32 $0xE, v30  }
0x1e1: {  	[tilespmem:v34+s18+$0x0] =	vst.idx.msk $0xffff, v31  }
0x1e2: {  	v31 =	vld.idx.msk [tilespmem:v33+s11+$0x0], $0xffff  }
0x1e3: {  	v33 =	vld.idx.msk [tilespmem:v35+s11+$0x0], $0xffff  }
0x1e4: {  	v32 =	vld.idx.msk [tilespmem:v32+s11+$0x0], $0xffff  }
0x1e5: {  	v30 =	vld.idx.msk [tilespmem:v30+s11+$0x0], $0xffff;
	_ =	sdelay $0x3  }
0x1e6: {  	v31 =	vmul.f32 v31, v6;
	v33 =	vmul.f32 v33, v7  }
0x1e7: {  	v32 =	vmul.f32 v32, v9  }
.Ltmp8:
0x1e8: {  	v33 =	vadd.f32 v33, v31;
	v34 =	vmul.f32 v30, v10;
	(pc) =	sbr.rel @p1 .LBB2_6-.Ltmp8, $4  }
0x1e9: {  	v31 =	vadd.s32 v25, v12  }
0x1ea: {  	v30 =	vor.u32 $0xF, v28;
	v32 =	vadd.f32 v32, v33  }
0x1eb: {  	v28 =	vor.u32 $0xF, v29  }
0x1ec: {  	v27 =	vor.u32 $0xF, v27;
	v29 =	vadd.f32 v34, v32  }
0x1ed: {  	_ =	sdelay $0x3  }
0x1ee: {  	[tilespmem:v31+s18+$0x0] =	vst.idx.msk $0xffff, v29  }
0x1ef: {  	v5 =	vld.idx.msk [tilespmem:v30+s11+$0x0], $0xffff  }
0x1f0: {  	v8 =	vld.idx.msk [tilespmem:v28+s11+$0x0], $0xffff;
	_ =	sdelay $0x1  }
0x1f1: {  	v11 =	vld.idx.msk [tilespmem:v27+s11+$0x0], $0xffff;
	_ =	sdelay $0x1  }
0x1f2: {  	v13 =	vld.idx.msk [tilespmem:v26+s11+$0x0], $0xffff  }
0x1f3: {  	v5 =	vmul.f32 v5, v6;
	v6 =	vmul.f32 v8, v7;
	_ =	sdelay $0x1  }
0x1f4: {  	v7 =	vmul.f32 v11, v9;
	v5 =	vadd.f32 v6, v5  }
0x1f5: {  	p1 =	seq.s32 s26, $0x0;
	v6 =	vadd.s32 v24, v12  }
.Ltmp9:
0x1f6: {  	v63 =	vmul.f32 v13, v10;
	v5 =	vadd.f32 v7, v5;
	(pc) =	sbr.rel @p1 .LBB2_11-.Ltmp9, $3  }
0x1f7: {  	_ = 	snop  }
0x1f8: {  	v5 =	vadd.f32 v63, v5;
	_ =	sdelay $0x1  }
0x1f9: {  	[tilespmem:v6+s18+$0x0] =	vst.idx.msk $0xffff, v5  }
.LBB2_8:
0x1fa: {  	_ =	swait.ge [sflag:s17], $0x2000;
	s21 =	sshll.u32 s28, $0x4  }
0x1fb: {  	[sflag:s17] =	ssyncset.done $0x0;
	s21 =	sand.u32 $0x2000, s21  }
0x1fc: {  	[sflag:s17] =	ssyncadd.s32 $0xFFFFE000;
	s28 =	sadd.s32 $0x16000, s21  }
0x1fd: {  	v5 =	vld [tilespmem:s28+$0xFFFFF800]  }
0x1fe: {  	v8 =	vld [tilespmem:s0+$0xFFFFFF00]  }
0x1ff: {  	v9 =	vld [tilespmem:s0+$0xFFFFFE80]  }
0x200: {  	v10 =	vld [tilespmem:s28+$0xFFFFF000]  }
0x201: {  	v7 =	vld [tilespmem:s0+$0xFFFFFF80]  }
0x202: {  	v11 =	vld [tilespmem:s28+$0x0]  }
0x203: {  	s2 =	simm.s32 $0x0;
	v6 =	vld [tilespmem:s0+$0x0];
	v12 =	vbroadcast v8, $0x0  }
0x204: {  	v14 =	vmov s2;
	v13 =	vbroadcast v9, $0x0  }
0x205: {  	s2 =	sadd.s32 $0x4, s26;
	v14 =	vmul.u32 $0xA0, v14;
	v15 =	vld [tilespmem:s28+$0x800];
	v12 =	vmul.f32 v5, v12  }
0x206: {  	v5 =	vadd.s32 s2, v1;
	v10 =	vmul.f32 v10, v13;
	v13 =	vbroadcast v7, $0x0  }
0x207: {  	v14 =	vbroadcast v14, $0x0;
	v5 =	vand.u32 $0x1FF, v5  }
0x208: {  	v10 =	vadd.f32 v12, v10;
	v11 =	vmul.f32 v11, v13;
	v12 =	vbroadcast v6, $0x0  }
0x209: {  	v13 =	vor.u32 v14, v5  }
0x20a: {  	v10 =	vadd.f32 v11, v10;
	v11 =	vmul.f32 v15, v12;
	_ =	sdelay $0x1  }
0x20b: {  	v10 =	vadd.f32 v11, v10;
	_ =	sdelay $0x1  }
0x20c: {  	[tilespmem:v13+s18+$0x0] =	vst.idx.msk $0xffff, v10  }
0x20d: {  	v10 =	vld [tilespmem:s28+$0xFFFFF010]  }
0x20e: {  	v11 =	vld [tilespmem:s28+$0xFFFFF810];
	_ =	sdelay $0x1  }
0x20f: {  	s2 =	simm.s32 $0x1;
	v13 =	vbroadcast v9, $0x1;
	v12 =	vld [tilespmem:s28+$0x10]  }
0x210: {  	v14 =	vbroadcast v8, $0x1;
	v15 =	vmov s2  }
0x211: {  	v15 =	vmul.u32 $0xA0, v15;
	v16 =	vld [tilespmem:s28+$0x810];
	v10 =	vmul.f32 v10, v13  }
0x212: {  	v13 =	vbroadcast v7, $0x1;
	v11 =	vmul.f32 v11, v14  }
0x213: {  	v14 =	vbroadcast v15, $0x0  }
0x214: {  	v12 =	vmul.f32 v12, v13;
	v13 =	vbroadcast v6, $0x1;
	v10 =	vadd.f32 v11, v10  }
0x215: {  	v11 =	vadd.s32 v5, v14  }
0x216: {  	v13 =	vmul.f32 v16, v13;
	v10 =	vadd.f32 v12, v10;
	_ =	sdelay $0x1  }
0x217: {  	v10 =	vadd.f32 v13, v10;
	_ =	sdelay $0x1  }
0x218: {  	[tilespmem:v11+s18+$0x0] =	vst.idx.msk $0xffff, v10  }
0x219: {  	v10 =	vld [tilespmem:s28+$0xFFFFF020]  }
0x21a: {  	v11 =	vld [tilespmem:s28+$0xFFFFF820];
	_ =	sdelay $0x1  }
0x21b: {  	s2 =	simm.s32 $0x2;
	v12 =	vld [tilespmem:s28+$0x20]  }
0x21c: {  	v15 =	vmov s2;
	v14 =	vbroadcast v8, $0x2;
	v13 =	vbroadcast v9, $0x2  }
0x21d: {  	v50 =	vbroadcast v7, $0x2;
	v15 =	vmul.u32 $0xA0, v15;
	v17 =	vld [tilespmem:s28+$0x820]  }
0x21e: {  	v10 =	vmul.f32 v10, v13;
	v11 =	vmul.f32 v11, v14  }
0x21f: {  	v13 =	vbroadcast v15, $0x0  }
0x220: {  	v12 =	vmul.f32 v12, v50;
	v10 =	vadd.f32 v11, v10;
	v11 =	vbroadcast v6, $0x2  }
0x221: {  	v13 =	vadd.s32 v5, v13  }
0x222: {  	v10 =	vadd.f32 v12, v10;
	v11 =	vmul.f32 v17, v11;
	_ =	sdelay $0x1  }
0x223: {  	v10 =	vadd.f32 v11, v10;
	_ =	sdelay $0x1  }
0x224: {  	[tilespmem:v13+s18+$0x0] =	vst.idx.msk $0xffff, v10  }
0x225: {  	v10 =	vld [tilespmem:s28+$0xFFFFF030]  }
0x226: {  	v11 =	vld [tilespmem:s28+$0xFFFFF830];
	_ =	sdelay $0x1  }
0x227: {  	s2 =	simm.s32 $0x3;
	v12 =	vbroadcast v9, $0x3;
	v13 =	vld [tilespmem:s28+$0x30]  }
0x228: {  	v14 =	vbroadcast v8, $0x3;
	v15 =	vmov s2  }
0x229: {  	v15 =	vmul.u32 $0xA0, v15;
	v10 =	vmul.f32 v10, v12;
	v12 =	vld [tilespmem:s28+$0x830]  }
0x22a: {  	v11 =	vmul.f32 v11, v14;
	v14 =	vbroadcast v7, $0x3  }
0x22b: {  	v15 =	vbroadcast v15, $0x0  }
0x22c: {  	v10 =	vadd.f32 v11, v10;
	v11 =	vmul.f32 v13, v14;
	v13 =	vbroadcast v6, $0x3  }
0x22d: {  	v14 =	vadd.s32 v5, v15  }
0x22e: {  	v10 =	vadd.f32 v11, v10;
	v11 =	vmul.f32 v12, v13;
	_ =	sdelay $0x1  }
0x22f: {  	v10 =	vadd.f32 v11, v10;
	_ =	sdelay $0x1  }
0x230: {  	[tilespmem:v14+s18+$0x0] =	vst.idx.msk $0xffff, v10  }
0x231: {  	v10 =	vld [tilespmem:s28+$0xFFFFF040]  }
0x232: {  	v11 =	vld [tilespmem:s28+$0xFFFFF840];
	_ =	sdelay $0x1  }
0x233: {  	s2 =	simm.s32 $0x4;
	v12 =	vld [tilespmem:s28+$0x40]  }
0x234: {  	v15 =	vmov s2;
	v13 =	vbroadcast v9, $0x4;
	v14 =	vbroadcast v8, $0x4  }
0x235: {  	v52 =	vbroadcast v7, $0x4;
	v15 =	vmul.u32 $0xA0, v15;
	v51 =	vld [tilespmem:s28+$0x840]  }
0x236: {  	v10 =	vmul.f32 v10, v13;
	v11 =	vmul.f32 v11, v14  }
0x237: {  	v13 =	vbroadcast v15, $0x0  }
0x238: {  	v10 =	vadd.f32 v11, v10;
	v11 =	vmul.f32 v12, v52;
	v12 =	vbroadcast v6, $0x4  }
0x239: {  	v13 =	vadd.s32 v5, v13  }
0x23a: {  	v10 =	vadd.f32 v11, v10;
	v11 =	vmul.f32 v51, v12;
	_ =	sdelay $0x1  }
0x23b: {  	v10 =	vadd.f32 v11, v10;
	_ =	sdelay $0x1  }
0x23c: {  	[tilespmem:v13+s18+$0x0] =	vst.idx.msk $0xffff, v10  }
0x23d: {  	v10 =	vld [tilespmem:s28+$0xFFFFF050]  }
0x23e: {  	v11 =	vld [tilespmem:s28+$0xFFFFF850];
	_ =	sdelay $0x1  }
0x23f: {  	s2 =	simm.s32 $0x5;
	v13 =	vbroadcast v9, $0x5;
	v12 =	vld [tilespmem:s28+$0x50]  }
0x240: {  	v14 =	vbroadcast v8, $0x5;
	v15 =	vmov s2  }
0x241: {  	v15 =	vmul.u32 $0xA0, v15;
	v53 =	vld [tilespmem:s28+$0x850];
	v10 =	vmul.f32 v10, v13  }
0x242: {  	v13 =	vbroadcast v7, $0x5;
	v11 =	vmul.f32 v11, v14  }
0x243: {  	v14 =	vbroadcast v15, $0x0  }
0x244: {  	v12 =	vmul.f32 v12, v13;
	v13 =	vbroadcast v6, $0x5;
	v10 =	vadd.f32 v11, v10  }
0x245: {  	v11 =	vadd.s32 v5, v14  }
0x246: {  	v13 =	vmul.f32 v53, v13;
	v10 =	vadd.f32 v12, v10;
	_ =	sdelay $0x1  }
0x247: {  	v10 =	vadd.f32 v13, v10;
	_ =	sdelay $0x1  }
0x248: {  	[tilespmem:v11+s18+$0x0] =	vst.idx.msk $0xffff, v10  }
0x249: {  	v10 =	vld [tilespmem:s28+$0xFFFFF060]  }
0x24a: {  	v11 =	vld [tilespmem:s28+$0xFFFFF860];
	_ =	sdelay $0x1  }
0x24b: {  	s2 =	simm.s32 $0x6;
	v13 =	vbroadcast v9, $0x6;
	v12 =	vld [tilespmem:s28+$0x60]  }
0x24c: {  	v15 =	vmov s2;
	v14 =	vbroadcast v8, $0x6  }
0x24d: {  	v54 =	vld [tilespmem:s28+$0x860];
	v10 =	vmul.f32 v10, v13;
	v13 =	vmul.u32 $0xA0, v15  }
0x24e: {  	v11 =	vmul.f32 v11, v14;
	v14 =	vbroadcast v7, $0x6  }
0x24f: {  	v13 =	vbroadcast v13, $0x0  }
0x250: {  	v15 =	vbroadcast v6, $0x6;
	v10 =	vadd.f32 v11, v10;
	v11 =	vmul.f32 v12, v14  }
0x251: {  	v12 =	vadd.s32 v5, v13  }
0x252: {  	v13 =	vmul.f32 v54, v15;
	v10 =	vadd.f32 v11, v10;
	_ =	sdelay $0x1  }
0x253: {  	v10 =	vadd.f32 v13, v10;
	_ =	sdelay $0x1  }
0x254: {  	[tilespmem:v12+s18+$0x0] =	vst.idx.msk $0xffff, v10  }
0x255: {  	v10 =	vld [tilespmem:s28+$0xFFFFF070]  }
0x256: {  	v11 =	vld [tilespmem:s28+$0xFFFFF870];
	_ =	sdelay $0x1  }
0x257: {  	s2 =	simm.s32 $0x7;
	v13 =	vbroadcast v9, $0x7;
	v12 =	vld [tilespmem:s28+$0x70]  }
0x258: {  	v14 =	vbroadcast v8, $0x7;
	v15 =	vmov s2  }
0x259: {  	v15 =	vmul.u32 $0xA0, v15;
	v10 =	vmul.f32 v10, v13;
	v13 =	vld [tilespmem:s28+$0x870]  }
0x25a: {  	v11 =	vmul.f32 v11, v14;
	v14 =	vbroadcast v7, $0x7  }
0x25b: {  	v15 =	vbroadcast v15, $0x0  }
0x25c: {  	v10 =	vadd.f32 v11, v10;
	v11 =	vmul.f32 v12, v14;
	v12 =	vbroadcast v6, $0x7  }
0x25d: {  	v14 =	vadd.s32 v5, v15  }
0x25e: {  	v10 =	vadd.f32 v11, v10;
	v11 =	vmul.f32 v13, v12;
	_ =	sdelay $0x1  }
0x25f: {  	v10 =	vadd.f32 v11, v10;
	_ =	sdelay $0x1  }
0x260: {  	[tilespmem:v14+s18+$0x0] =	vst.idx.msk $0xffff, v10  }
0x261: {  	v10 =	vld [tilespmem:s28+$0xFFFFF080]  }
0x262: {  	v11 =	vld [tilespmem:s28+$0xFFFFF880];
	_ =	sdelay $0x1  }
0x263: {  	s2 =	simm.s32 $0x8;
	v12 =	vbroadcast v9, $0x8;
	v13 =	vld [tilespmem:s28+$0x80]  }
0x264: {  	v15 =	vmov s2;
	v14 =	vbroadcast v8, $0x8  }
0x265: {  	v55 =	vld [tilespmem:s28+$0x880];
	v10 =	vmul.f32 v10, v12;
	v12 =	vmul.u32 $0xA0, v15  }
0x266: {  	v11 =	vmul.f32 v11, v14;
	v14 =	vbroadcast v7, $0x8  }
0x267: {  	v12 =	vbroadcast v12, $0x0  }
0x268: {  	v10 =	vadd.f32 v11, v10;
	v11 =	vmul.f32 v13, v14;
	v13 =	vbroadcast v6, $0x8  }
0x269: {  	v12 =	vadd.s32 v5, v12  }
0x26a: {  	v10 =	vadd.f32 v11, v10;
	v11 =	vmul.f32 v55, v13;
	_ =	sdelay $0x1  }
0x26b: {  	v10 =	vadd.f32 v11, v10;
	_ =	sdelay $0x1  }
0x26c: {  	[tilespmem:v12+s18+$0x0] =	vst.idx.msk $0xffff, v10  }
0x26d: {  	v10 =	vld [tilespmem:s28+$0xFFFFF890]  }
0x26e: {  	v11 =	vld [tilespmem:s28+$0xFFFFF090];
	_ =	sdelay $0x1  }
0x26f: {  	s2 =	simm.s32 $0x9;
	v13 =	vbroadcast v8, $0x9;
	v12 =	vld [tilespmem:s28+$0x90]  }
0x270: {  	v15 =	vmov s2;
	v14 =	vbroadcast v9, $0x9  }
0x271: {  	v56 =	vld [tilespmem:s28+$0x890];
	v10 =	vmul.f32 v10, v13;
	v13 =	vmul.u32 $0xA0, v15  }
0x272: {  	v11 =	vmul.f32 v11, v14;
	v14 =	vbroadcast v7, $0x9  }
0x273: {  	v13 =	vbroadcast v13, $0x0  }
0x274: {  	v10 =	vadd.f32 v10, v11;
	v11 =	vmul.f32 v12, v14;
	v12 =	vbroadcast v6, $0x9  }
0x275: {  	v13 =	vadd.s32 v5, v13  }
0x276: {  	v10 =	vadd.f32 v11, v10;
	v11 =	vmul.f32 v56, v12;
	_ =	sdelay $0x1  }
0x277: {  	v10 =	vadd.f32 v11, v10;
	_ =	sdelay $0x1  }
0x278: {  	[tilespmem:v13+s18+$0x0] =	vst.idx.msk $0xffff, v10  }
0x279: {  	v10 =	vld [tilespmem:s28+$0xFFFFF0A0]  }
0x27a: {  	v11 =	vld [tilespmem:s28+$0xFFFFF8A0];
	_ =	sdelay $0x1  }
0x27b: {  	s2 =	simm.s32 $0xA;
	v12 =	vld [tilespmem:s28+$0xA0]  }
0x27c: {  	v15 =	vmov s2;
	v14 =	vbroadcast v8, $0xA;
	v13 =	vbroadcast v9, $0xA  }
0x27d: {  	v58 =	vbroadcast v7, $0xA;
	v15 =	vmul.u32 $0xA0, v15;
	v57 =	vld [tilespmem:s28+$0x8A0]  }
0x27e: {  	v10 =	vmul.f32 v10, v13;
	v11 =	vmul.f32 v11, v14  }
0x27f: {  	v13 =	vbroadcast v15, $0x0  }
0x280: {  	v10 =	vadd.f32 v11, v10;
	v11 =	vmul.f32 v12, v58;
	v12 =	vbroadcast v6, $0xA  }
0x281: {  	v13 =	vadd.s32 v5, v13  }
0x282: {  	v10 =	vadd.f32 v11, v10;
	v11 =	vmul.f32 v57, v12;
	_ =	sdelay $0x1  }
0x283: {  	v10 =	vadd.f32 v11, v10;
	_ =	sdelay $0x1  }
0x284: {  	[tilespmem:v13+s18+$0x0] =	vst.idx.msk $0xffff, v10  }
0x285: {  	v10 =	vld [tilespmem:s28+$0xFFFFF0B0]  }
0x286: {  	v11 =	vld [tilespmem:s28+$0xFFFFF8B0];
	_ =	sdelay $0x1  }
0x287: {  	s2 =	simm.s32 $0xB;
	v13 =	vbroadcast v9, $0xB;
	v12 =	vld [tilespmem:s28+$0xB0]  }
0x288: {  	v14 =	vbroadcast v8, $0xB;
	v15 =	vmov s2  }
0x289: {  	v59 =	vld [tilespmem:s28+$0x8B0];
	v10 =	vmul.f32 v10, v13;
	v13 =	vmul.u32 $0xA0, v15  }
0x28a: {  	v11 =	vmul.f32 v11, v14;
	v14 =	vbroadcast v7, $0xB  }
0x28b: {  	v13 =	vbroadcast v13, $0x0  }
0x28c: {  	v10 =	vadd.f32 v11, v10;
	v11 =	vmul.f32 v12, v14;
	v12 =	vbroadcast v6, $0xB  }
0x28d: {  	v13 =	vadd.s32 v5, v13  }
0x28e: {  	v10 =	vadd.f32 v11, v10;
	v11 =	vmul.f32 v59, v12;
	_ =	sdelay $0x1  }
0x28f: {  	v10 =	vadd.f32 v11, v10;
	_ =	sdelay $0x1  }
0x290: {  	[tilespmem:v13+s18+$0x0] =	vst.idx.msk $0xffff, v10  }
0x291: {  	v10 =	vld [tilespmem:s28+$0xFFFFF0C0]  }
0x292: {  	v11 =	vld [tilespmem:s28+$0xFFFFF8C0];
	_ =	sdelay $0x1  }
0x293: {  	s2 =	simm.s32 $0xC;
	v13 =	vbroadcast v9, $0xC;
	v12 =	vld [tilespmem:s28+$0xC0]  }
0x294: {  	v15 =	vmov s2;
	v14 =	vbroadcast v8, $0xC  }
0x295: {  	v60 =	vld [tilespmem:s28+$0x8C0];
	v10 =	vmul.f32 v10, v13;
	v13 =	vmul.u32 $0xA0, v15  }
0x296: {  	v11 =	vmul.f32 v11, v14;
	v14 =	vbroadcast v7, $0xC  }
0x297: {  	v13 =	vbroadcast v13, $0x0  }
0x298: {  	v10 =	vadd.f32 v11, v10;
	v11 =	vmul.f32 v12, v14;
	v12 =	vbroadcast v6, $0xC  }
0x299: {  	v13 =	vadd.s32 v5, v13  }
0x29a: {  	v10 =	vadd.f32 v11, v10;
	v11 =	vmul.f32 v60, v12;
	_ =	sdelay $0x1  }
0x29b: {  	v10 =	vadd.f32 v11, v10;
	_ =	sdelay $0x1  }
0x29c: {  	[tilespmem:v13+s18+$0x0] =	vst.idx.msk $0xffff, v10  }
0x29d: {  	v10 =	vld [tilespmem:s28+$0xFFFFF0D0]  }
0x29e: {  	v11 =	vld [tilespmem:s28+$0xFFFFF8D0];
	_ =	sdelay $0x1  }
0x29f: {  	s2 =	simm.s32 $0xD;
	v12 =	vld [tilespmem:s28+$0xD0]  }
0x2a0: {  	v15 =	vmov s2;
	v14 =	vbroadcast v8, $0xD;
	v13 =	vbroadcast v9, $0xD  }
0x2a1: {  	v62 =	vbroadcast v7, $0xD;
	v15 =	vmul.u32 $0xA0, v15;
	v61 =	vld [tilespmem:s28+$0x8D0]  }
0x2a2: {  	v10 =	vmul.f32 v10, v13;
	v11 =	vmul.f32 v11, v14  }
0x2a3: {  	v13 =	vbroadcast v15, $0x0  }
0x2a4: {  	v10 =	vadd.f32 v11, v10;
	v11 =	vmul.f32 v12, v62;
	v12 =	vbroadcast v6, $0xD  }
0x2a5: {  	v13 =	vadd.s32 v5, v13  }
0x2a6: {  	v10 =	vadd.f32 v11, v10;
	v11 =	vmul.f32 v61, v12;
	_ =	sdelay $0x1  }
0x2a7: {  	v10 =	vadd.f32 v11, v10;
	_ =	sdelay $0x1  }
0x2a8: {  	[tilespmem:v13+s18+$0x0] =	vst.idx.msk $0xffff, v10  }
0x2a9: {  	v10 =	vld [tilespmem:s28+$0xFFFFF0E0]  }
0x2aa: {  	v11 =	vld [tilespmem:s28+$0xFFFFF8E0];
	_ =	sdelay $0x1  }
0x2ab: {  	s2 =	simm.s32 $0xE;
	v13 =	vbroadcast v9, $0xE;
	v12 =	vld [tilespmem:s28+$0xE0]  }
0x2ac: {  	v14 =	vbroadcast v8, $0xE;
	v15 =	vmov s2  }
0x2ad: {  	v63 =	vld [tilespmem:s28+$0x8E0];
	v10 =	vmul.f32 v10, v13;
	v13 =	vmul.u32 $0xA0, v15  }
0x2ae: {  	v11 =	vmul.f32 v11, v14;
	v14 =	vbroadcast v7, $0xE  }
0x2af: {  	v13 =	vbroadcast v13, $0x0  }
0x2b0: {  	v11 =	vadd.f32 v11, v10;
	v12 =	vmul.f32 v12, v14;
	v14 =	vbroadcast v6, $0xE  }
0x2b1: {  	s29 =	simm.s32 $0xF;
	v10 =	vadd.s32 v5, v13  }
0x2b2: {  	s31 =	simm.s32 $0x1F;
	s21 =	smov.u32 s0;
	s30 =	smov.u32 s28;
	v11 =	vadd.f32 v12, v11;
	v12 =	vmul.f32 v63, v14  }
.LBB2_9:
0x2b3: {  	_ = 	snop  }
0x2b4: {  	p1 =	sne.s32 s31, $0x7F;
	s21 =	sadd.s32 $0x10, s21;
	s28 =	sadd.s32 $0x100, s28;
	v11 =	vadd.f32 v12, v11  }
0x2b5: {  	s2 =	smov.u32 s31;
	s31 =	sadd.s32 $0x10, s31  }
0x2b6: {  	[tilespmem:v10+s18+$0x0] =	vst.idx.msk $0xffff, v11  }
0x2b7: {  	v10 =	vld [tilespmem:s30+$0xFFFFF0F0]  }
0x2b8: {  	v11 =	vld [tilespmem:s30+$0xFFFFF8F0]  }
0x2b9: {  	v12 =	vld [tilespmem:s30+$0xF0]  }
0x2ba: {  	v9 =	vbroadcast v9, $0xF;
	v8 =	vbroadcast v8, $0xF;
	v14 =	vmov s29;
	s29 =	smov.u32 s2;
	v13 =	vld [tilespmem:s30+$0x8F0];
	s30 =	smov.u32 s28  }
0x2bb: {  	v14 =	vmul.u32 $0xA0, v14  }
0x2bc: {  	v7 =	vbroadcast v7, $0xF;
	v9 =	vmul.f32 v10, v9  }
0x2bd: {  	v10 =	vbroadcast v14, $0x0;
	v8 =	vmul.f32 v11, v8  }
0x2be: {  	v6 =	vbroadcast v6, $0xF;
	v7 =	vmul.f32 v12, v7  }
0x2bf: {  	v8 =	vadd.f32 v8, v9;
	v9 =	vadd.s32 v5, v10  }
0x2c0: {  	v6 =	vmul.f32 v13, v6  }
0x2c1: {  	v7 =	vadd.f32 v7, v8;
	_ =	sdelay $0x1  }
0x2c2: {  	v6 =	vadd.f32 v6, v7;
	_ =	sdelay $0x1  }
0x2c3: {  	[tilespmem:v9+s18+$0x0] =	vst.idx.msk $0xffff, v6  }
0x2c4: {  	v10 =	vld [tilespmem:s28+$0xFFFFF800]  }
0x2c5: {  	v8 =	vld [tilespmem:s21+$0xFFFFFF00]  }
0x2c6: {  	v9 =	vld [tilespmem:s21+$0xFFFFFE80]  }
0x2c7: {  	v11 =	vld [tilespmem:s28+$0xFFFFF000]  }
0x2c8: {  	v7 =	vld [tilespmem:s21+$0xFFFFFF80]  }
0x2c9: {  	v12 =	vld [tilespmem:s28+$0x0]  }
0x2ca: {  	s2 =	sadd.s32 $0xFFFFFFF1, s29;
	v6 =	vld [tilespmem:s21+$0x0];
	v13 =	vbroadcast v8, $0x0  }
0x2cb: {  	v15 =	vmov s2;
	v14 =	vbroadcast v9, $0x0  }
0x2cc: {  	v15 =	vmul.u32 $0xA0, v15;
	v10 =	vmul.f32 v10, v13;
	v13 =	vld [tilespmem:s28+$0x800]  }
0x2cd: {  	v11 =	vmul.f32 v11, v14;
	v14 =	vbroadcast v7, $0x0  }
0x2ce: {  	v15 =	vbroadcast v15, $0x0  }
0x2cf: {  	v10 =	vadd.f32 v10, v11;
	v11 =	vmul.f32 v12, v14;
	v12 =	vbroadcast v6, $0x0  }
0x2d0: {  	v14 =	vor.u32 v15, v5  }
0x2d1: {  	v10 =	vadd.f32 v11, v10;
	v11 =	vmul.f32 v13, v12;
	_ =	sdelay $0x1  }
0x2d2: {  	v10 =	vadd.f32 v11, v10;
	_ =	sdelay $0x1  }
0x2d3: {  	[tilespmem:v14+s18+$0x0] =	vst.idx.msk $0xffff, v10  }
0x2d4: {  	v10 =	vld [tilespmem:s28+$0xFFFFF010]  }
0x2d5: {  	v11 =	vld [tilespmem:s28+$0xFFFFF810]  }
0x2d6: {  	s2 =	sadd.s32 $0xFFFFFFF2, s29;
	v12 =	vld [tilespmem:s28+$0x10]  }
0x2d7: {  	v15 =	vmov s2;
	v13 =	vbroadcast v9, $0x1;
	v14 =	vbroadcast v8, $0x1  }
0x2d8: {  	v15 =	vmul.u32 $0xA0, v15;
	v16 =	vld [tilespmem:s28+$0x810]  }
0x2d9: {  	v10 =	vmul.f32 v10, v13;
	v13 =	vbroadcast v7, $0x1  }
0x2da: {  	v11 =	vmul.f32 v11, v14;
	v14 =	vbroadcast v15, $0x0  }
0x2db: {  	v12 =	vmul.f32 v12, v13;
	v13 =	vbroadcast v6, $0x1  }
0x2dc: {  	v10 =	vadd.f32 v11, v10;
	v11 =	vadd.s32 v5, v14  }
0x2dd: {  	v13 =	vmul.f32 v16, v13  }
0x2de: {  	v10 =	vadd.f32 v12, v10;
	_ =	sdelay $0x1  }
0x2df: {  	v10 =	vadd.f32 v13, v10;
	_ =	sdelay $0x1  }
0x2e0: {  	[tilespmem:v11+s18+$0x0] =	vst.idx.msk $0xffff, v10  }
0x2e1: {  	v10 =	vld [tilespmem:s28+$0x20]  }
0x2e2: {  	v11 =	vld [tilespmem:s28+$0xFFFFF020]  }
0x2e3: {  	v12 =	vld [tilespmem:s28+$0xFFFFF820];
	_ =	sdelay $0x1  }
0x2e4: {  	s2 =	sadd.s32 $0xFFFFFFF3, s29;
	v13 =	vbroadcast v7, $0x2  }
0x2e5: {  	v15 =	vbroadcast v8, $0x2;
	v14 =	vbroadcast v9, $0x2;
	v16 =	vmov s2  }
0x2e6: {  	v16 =	vmul.u32 $0xA0, v16;
	v10 =	vmul.f32 v10, v13;
	v13 =	vld [tilespmem:s28+$0x820]  }
0x2e7: {  	v11 =	vmul.f32 v11, v14;
	v12 =	vmul.f32 v12, v15  }
0x2e8: {  	v14 =	vbroadcast v16, $0x0  }
0x2e9: {  	v11 =	vadd.f32 v12, v11;
	v12 =	vbroadcast v6, $0x2  }
0x2ea: {  	v14 =	vadd.s32 v5, v14  }
0x2eb: {  	v10 =	vadd.f32 v10, v11;
	v11 =	vmul.f32 v13, v12;
	_ =	sdelay $0x1  }
0x2ec: {  	v10 =	vadd.f32 v11, v10;
	_ =	sdelay $0x1  }
0x2ed: {  	[tilespmem:v14+s18+$0x0] =	vst.idx.msk $0xffff, v10  }
0x2ee: {  	v10 =	vld [tilespmem:s28+$0xFFFFF030]  }
0x2ef: {  	v11 =	vld [tilespmem:s28+$0xFFFFF830];
	_ =	sdelay $0x1  }
0x2f0: {  	s2 =	sadd.s32 $0xFFFFFFF4, s29;
	v12 =	vbroadcast v9, $0x3;
	v13 =	vld [tilespmem:s28+$0x30]  }
0x2f1: {  	v15 =	vmov s2;
	v14 =	vbroadcast v8, $0x3  }
0x2f2: {  	v15 =	vmul.u32 $0xA0, v15;
	v10 =	vmul.f32 v10, v12;
	v12 =	vld [tilespmem:s28+$0x830]  }
0x2f3: {  	v11 =	vmul.f32 v11, v14;
	v14 =	vbroadcast v7, $0x3  }
0x2f4: {  	v15 =	vbroadcast v15, $0x0  }
0x2f5: {  	v10 =	vadd.f32 v11, v10;
	v11 =	vmul.f32 v13, v14;
	v13 =	vbroadcast v6, $0x3  }
0x2f6: {  	v14 =	vadd.s32 v5, v15  }
0x2f7: {  	v10 =	vadd.f32 v11, v10;
	v11 =	vmul.f32 v12, v13;
	_ =	sdelay $0x1  }
0x2f8: {  	v10 =	vadd.f32 v11, v10;
	_ =	sdelay $0x1  }
0x2f9: {  	[tilespmem:v14+s18+$0x0] =	vst.idx.msk $0xffff, v10  }
0x2fa: {  	v10 =	vld [tilespmem:s28+$0xFFFFF040]  }
0x2fb: {  	v11 =	vld [tilespmem:s28+$0xFFFFF840]  }
0x2fc: {  	v12 =	vld [tilespmem:s28+$0x40]  }
0x2fd: {  	s2 =	sadd.s32 $0xFFFFFFF5, s29;
	v13 =	vld [tilespmem:s28+$0x840]  }
0x2fe: {  	v16 =	vmov s2;
	v15 =	vbroadcast v8, $0x4;
	v14 =	vbroadcast v9, $0x4  }
0x2ff: {  	v17 =	vbroadcast v7, $0x4;
	v16 =	vmul.u32 $0xA0, v16  }
0x300: {  	v10 =	vmul.f32 v10, v14;
	v11 =	vmul.f32 v11, v15  }
0x301: {  	v14 =	vbroadcast v16, $0x0  }
0x302: {  	v10 =	vadd.f32 v11, v10;
	v11 =	vmul.f32 v12, v17;
	v12 =	vbroadcast v6, $0x4  }
0x303: {  	v14 =	vadd.s32 v5, v14  }
0x304: {  	v10 =	vadd.f32 v11, v10;
	v11 =	vmul.f32 v13, v12;
	_ =	sdelay $0x1  }
0x305: {  	v10 =	vadd.f32 v11, v10;
	_ =	sdelay $0x1  }
0x306: {  	[tilespmem:v14+s18+$0x0] =	vst.idx.msk $0xffff, v10  }
0x307: {  	v10 =	vld [tilespmem:s28+$0xFFFFF050]  }
0x308: {  	v11 =	vld [tilespmem:s28+$0xFFFFF850]  }
0x309: {  	s2 =	sadd.s32 $0xFFFFFFF6, s29;
	v12 =	vld [tilespmem:s28+$0x50]  }
0x30a: {  	v16 =	vmov s2;
	v13 =	vbroadcast v9, $0x5;
	v14 =	vbroadcast v8, $0x5;
	v15 =	vld [tilespmem:s28+$0x850]  }
0x30b: {  	v16 =	vmul.u32 $0xA0, v16  }
0x30c: {  	v10 =	vmul.f32 v10, v13;
	v13 =	vbroadcast v7, $0x5  }
0x30d: {  	v11 =	vmul.f32 v11, v14;
	v14 =	vbroadcast v16, $0x0  }
0x30e: {  	v12 =	vmul.f32 v12, v13;
	v13 =	vbroadcast v6, $0x5  }
0x30f: {  	v10 =	vadd.f32 v11, v10;
	v11 =	vadd.s32 v5, v14  }
0x310: {  	v13 =	vmul.f32 v15, v13  }
0x311: {  	v10 =	vadd.f32 v12, v10;
	_ =	sdelay $0x1  }
0x312: {  	v10 =	vadd.f32 v13, v10;
	_ =	sdelay $0x1  }
0x313: {  	[tilespmem:v11+s18+$0x0] =	vst.idx.msk $0xffff, v10  }
0x314: {  	v10 =	vld [tilespmem:s28+$0x860]  }
0x315: {  	v12 =	vbroadcast v6, $0x6;
	v11 =	vld [tilespmem:s28+$0xFFFFF060]  }
0x316: {  	v13 =	vld [tilespmem:s28+$0xFFFFF860]  }
0x317: {  	v14 =	vld [tilespmem:s28+$0x60]  }
0x318: {  	s2 =	sadd.s32 $0xFFFFFFF7, s29;
	v15 =	vbroadcast v9, $0x6  }
0x319: {  	v16 =	vbroadcast v8, $0x6;
	v10 =	vmul.f32 v10, v12;
	v12 =	vmov s2  }
0x31a: {  	v11 =	vmul.f32 v11, v15;
	v12 =	vmul.u32 $0xA0, v12  }
0x31b: {  	v15 =	vbroadcast v7, $0x6;
	v13 =	vmul.f32 v13, v16  }
0x31c: {  	v12 =	vbroadcast v12, $0x0  }
0x31d: {  	v11 =	vadd.f32 v13, v11;
	v13 =	vmul.f32 v14, v15  }
0x31e: {  	v12 =	vadd.s32 v5, v12  }
0x31f: {  	v11 =	vadd.f32 v13, v11;
	_ =	sdelay $0x1  }
0x320: {  	v10 =	vadd.f32 v10, v11;
	_ =	sdelay $0x1  }
0x321: {  	[tilespmem:v12+s18+$0x0] =	vst.idx.msk $0xffff, v10  }
0x322: {  	v10 =	vld [tilespmem:s28+$0xFFFFF070]  }
0x323: {  	v11 =	vld [tilespmem:s28+$0xFFFFF870]  }
0x324: {  	v12 =	vld [tilespmem:s28+$0x70]  }
0x325: {  	s2 =	sadd.s32 $0xFFFFFFF8, s29;
	v13 =	vbroadcast v9, $0x7  }
0x326: {  	v14 =	vbroadcast v8, $0x7;
	v15 =	vmov s2  }
0x327: {  	v15 =	vmul.u32 $0xA0, v15;
	v10 =	vmul.f32 v10, v13;
	v13 =	vld [tilespmem:s28+$0x870]  }
0x328: {  	v11 =	vmul.f32 v11, v14;
	v14 =	vbroadcast v7, $0x7  }
0x329: {  	v15 =	vbroadcast v15, $0x0  }
0x32a: {  	v10 =	vadd.f32 v11, v10;
	v11 =	vmul.f32 v12, v14;
	v12 =	vbroadcast v6, $0x7  }
0x32b: {  	v14 =	vadd.s32 v5, v15  }
0x32c: {  	v10 =	vadd.f32 v11, v10;
	v11 =	vmul.f32 v13, v12;
	_ =	sdelay $0x1  }
0x32d: {  	v10 =	vadd.f32 v11, v10;
	_ =	sdelay $0x1  }
0x32e: {  	[tilespmem:v14+s18+$0x0] =	vst.idx.msk $0xffff, v10  }
0x32f: {  	v10 =	vld [tilespmem:s28+$0xFFFFF080]  }
0x330: {  	v11 =	vld [tilespmem:s28+$0xFFFFF880]  }
0x331: {  	v12 =	vld [tilespmem:s28+$0x880]  }
0x332: {  	s2 =	sadd.s32 $0xFFFFFFF9, s29;
	v13 =	vbroadcast v9, $0x8;
	v14 =	vld [tilespmem:s28+$0x80]  }
0x333: {  	v16 =	vmov s2;
	v15 =	vbroadcast v8, $0x8  }
0x334: {  	v10 =	vmul.f32 v10, v13;
	v13 =	vmul.u32 $0xA0, v16  }
0x335: {  	v11 =	vmul.f32 v11, v15;
	v15 =	vbroadcast v7, $0x8  }
0x336: {  	v13 =	vbroadcast v13, $0x0  }
0x337: {  	v10 =	vadd.f32 v11, v10;
	v11 =	vmul.f32 v14, v15;
	v14 =	vbroadcast v6, $0x8  }
0x338: {  	v13 =	vadd.s32 v5, v13  }
0x339: {  	v10 =	vadd.f32 v11, v10;
	v11 =	vmul.f32 v12, v14;
	_ =	sdelay $0x1  }
0x33a: {  	v10 =	vadd.f32 v11, v10;
	_ =	sdelay $0x1  }
0x33b: {  	[tilespmem:v13+s18+$0x0] =	vst.idx.msk $0xffff, v10  }
0x33c: {  	v10 =	vld [tilespmem:s28+$0xFFFFF890]  }
0x33d: {  	v11 =	vld [tilespmem:s28+$0xFFFFF090]  }
0x33e: {  	v12 =	vld [tilespmem:s28+$0x90]  }
0x33f: {  	s2 =	sadd.s32 $0xFFFFFFFA, s29;
	v13 =	vbroadcast v8, $0x9;
	v14 =	vld [tilespmem:s28+$0x890]  }
0x340: {  	v16 =	vmov s2;
	v15 =	vbroadcast v9, $0x9  }
0x341: {  	v10 =	vmul.f32 v10, v13;
	v13 =	vmul.u32 $0xA0, v16  }
0x342: {  	v11 =	vmul.f32 v11, v15;
	v15 =	vbroadcast v7, $0x9  }
0x343: {  	v13 =	vbroadcast v13, $0x0  }
0x344: {  	v10 =	vadd.f32 v10, v11;
	v11 =	vmul.f32 v12, v15;
	v12 =	vbroadcast v6, $0x9  }
0x345: {  	v13 =	vadd.s32 v5, v13  }
0x346: {  	v10 =	vadd.f32 v11, v10;
	v11 =	vmul.f32 v14, v12;
	_ =	sdelay $0x1  }
0x347: {  	v10 =	vadd.f32 v11, v10;
	_ =	sdelay $0x1  }
0x348: {  	[tilespmem:v13+s18+$0x0] =	vst.idx.msk $0xffff, v10  }
0x349: {  	v10 =	vld [tilespmem:s28+$0xFFFFF0A0]  }
0x34a: {  	v11 =	vld [tilespmem:s28+$0xFFFFF8A0]  }
0x34b: {  	v12 =	vld [tilespmem:s28+$0xA0]  }
0x34c: {  	s2 =	sadd.s32 $0xFFFFFFFB, s29;
	v13 =	vld [tilespmem:s28+$0x8A0]  }
0x34d: {  	v16 =	vmov s2;
	v15 =	vbroadcast v8, $0xA;
	v14 =	vbroadcast v9, $0xA  }
0x34e: {  	v17 =	vbroadcast v7, $0xA;
	v16 =	vmul.u32 $0xA0, v16  }
0x34f: {  	v10 =	vmul.f32 v10, v14;
	v11 =	vmul.f32 v11, v15  }
0x350: {  	v14 =	vbroadcast v16, $0x0  }
0x351: {  	v10 =	vadd.f32 v11, v10;
	v11 =	vmul.f32 v12, v17;
	v12 =	vbroadcast v6, $0xA  }
0x352: {  	v14 =	vadd.s32 v5, v14  }
0x353: {  	v10 =	vadd.f32 v11, v10;
	v11 =	vmul.f32 v13, v12;
	_ =	sdelay $0x1  }
0x354: {  	v10 =	vadd.f32 v11, v10;
	_ =	sdelay $0x1  }
0x355: {  	[tilespmem:v14+s18+$0x0] =	vst.idx.msk $0xffff, v10  }
0x356: {  	v10 =	vld [tilespmem:s28+$0xFFFFF0B0]  }
0x357: {  	v11 =	vld [tilespmem:s28+$0xFFFFF8B0]  }
0x358: {  	v12 =	vld [tilespmem:s28+$0xB0]  }
0x359: {  	s2 =	sadd.s32 $0xFFFFFFFC, s29;
	v13 =	vbroadcast v9, $0xB;
	v14 =	vld [tilespmem:s28+$0x8B0]  }
0x35a: {  	v16 =	vmov s2;
	v15 =	vbroadcast v8, $0xB  }
0x35b: {  	v10 =	vmul.f32 v10, v13;
	v13 =	vmul.u32 $0xA0, v16  }
0x35c: {  	v11 =	vmul.f32 v11, v15;
	v15 =	vbroadcast v7, $0xB  }
0x35d: {  	v13 =	vbroadcast v13, $0x0  }
0x35e: {  	v10 =	vadd.f32 v11, v10;
	v11 =	vmul.f32 v12, v15;
	v12 =	vbroadcast v6, $0xB  }
0x35f: {  	v13 =	vadd.s32 v5, v13  }
0x360: {  	v10 =	vadd.f32 v11, v10;
	v11 =	vmul.f32 v14, v12;
	_ =	sdelay $0x1  }
0x361: {  	v10 =	vadd.f32 v11, v10;
	_ =	sdelay $0x1  }
0x362: {  	[tilespmem:v13+s18+$0x0] =	vst.idx.msk $0xffff, v10  }
0x363: {  	v10 =	vld [tilespmem:s28+$0xFFFFF0C0]  }
0x364: {  	v11 =	vld [tilespmem:s28+$0xFFFFF8C0]  }
0x365: {  	v12 =	vld [tilespmem:s28+$0xC0]  }
0x366: {  	s2 =	sadd.s32 $0xFFFFFFFD, s29;
	v13 =	vbroadcast v9, $0xC;
	v14 =	vld [tilespmem:s28+$0x8C0]  }
0x367: {  	v16 =	vmov s2;
	v15 =	vbroadcast v8, $0xC  }
0x368: {  	v10 =	vmul.f32 v10, v13;
	v13 =	vmul.u32 $0xA0, v16  }
0x369: {  	v11 =	vmul.f32 v11, v15;
	v15 =	vbroadcast v7, $0xC  }
0x36a: {  	v13 =	vbroadcast v13, $0x0  }
0x36b: {  	v10 =	vadd.f32 v11, v10;
	v11 =	vmul.f32 v12, v15;
	v12 =	vbroadcast v6, $0xC  }
0x36c: {  	v13 =	vadd.s32 v5, v13  }
0x36d: {  	v10 =	vadd.f32 v11, v10;
	v11 =	vmul.f32 v14, v12;
	_ =	sdelay $0x1  }
0x36e: {  	v10 =	vadd.f32 v11, v10;
	_ =	sdelay $0x1  }
0x36f: {  	[tilespmem:v13+s18+$0x0] =	vst.idx.msk $0xffff, v10  }
0x370: {  	v10 =	vld [tilespmem:s28+$0xFFFFF0D0]  }
0x371: {  	v11 =	vld [tilespmem:s28+$0xFFFFF8D0]  }
0x372: {  	v12 =	vld [tilespmem:s28+$0xD0]  }
0x373: {  	s2 =	sadd.s32 $0xFFFFFFFE, s29;
	v13 =	vld [tilespmem:s28+$0x8D0]  }
0x374: {  	v16 =	vmov s2;
	v15 =	vbroadcast v8, $0xD;
	v14 =	vbroadcast v9, $0xD  }
0x375: {  	v17 =	vbroadcast v7, $0xD;
	v16 =	vmul.u32 $0xA0, v16  }
0x376: {  	v10 =	vmul.f32 v10, v14;
	v11 =	vmul.f32 v11, v15  }
0x377: {  	v14 =	vbroadcast v16, $0x0  }
0x378: {  	v10 =	vadd.f32 v11, v10;
	v11 =	vmul.f32 v12, v17;
	v12 =	vbroadcast v6, $0xD  }
0x379: {  	v14 =	vadd.s32 v5, v14  }
0x37a: {  	v10 =	vadd.f32 v11, v10;
	v11 =	vmul.f32 v13, v12;
	_ =	sdelay $0x1  }
0x37b: {  	v10 =	vadd.f32 v11, v10;
	_ =	sdelay $0x1  }
0x37c: {  	[tilespmem:v14+s18+$0x0] =	vst.idx.msk $0xffff, v10  }
0x37d: {  	v10 =	vld [tilespmem:s28+$0xFFFFF0E0]  }
0x37e: {  	v11 =	vld [tilespmem:s28+$0xFFFFF8E0]  }
0x37f: {  	v12 =	vld [tilespmem:s28+$0xE0]  }
0x380: {  	s2 =	sadd.s32 $0xFFFFFFFF, s29;
	v13 =	vbroadcast v9, $0xE;
	v14 =	vld [tilespmem:s28+$0x8E0]  }
0x381: {  	v16 =	vmov s2;
	v15 =	vbroadcast v8, $0xE  }
0x382: {  	v10 =	vmul.f32 v10, v13;
	v13 =	vmul.u32 $0xA0, v16  }
.Ltmp10:
0x383: {  	v11 =	vmul.f32 v11, v15;
	v15 =	vbroadcast v7, $0xE;
	(pc) =	sbr.rel @p1 .LBB2_9-.Ltmp10, $4  }
0x384: {  	v13 =	vbroadcast v13, $0x0  }
0x385: {  	v11 =	vadd.f32 v11, v10;
	v12 =	vmul.f32 v12, v15;
	v15 =	vbroadcast v6, $0xE  }
0x386: {  	v10 =	vadd.s32 v5, v13  }
0x387: {  	v11 =	vadd.f32 v12, v11;
	v12 =	vmul.f32 v14, v15  }
0x388: {  	_ =	sdelay $0x1  }
0x389: {  	v11 =	vadd.f32 v12, v11;
	_ =	sdelay $0x1  }
0x38a: {  	[tilespmem:v10+s18+$0x0] =	vst.idx.msk $0xffff, v11  }
0x38b: {  	v10 =	vld [tilespmem:s30+$0xFFFFF0F0]  }
0x38c: {  	v11 =	vld [tilespmem:s30+$0xFFFFF8F0];
	_ =	sdelay $0x1  }
0x38d: {  	v62 =	vld [tilespmem:s30+$0xF0]  }
0x38e: {  	v9 =	vbroadcast v9, $0xF;
	v8 =	vbroadcast v8, $0xF;
	v13 =	vmov s29  }
0x38f: {  	v7 =	vbroadcast v7, $0xF;
	v13 =	vmul.u32 $0xA0, v13;
	v14 =	vld [tilespmem:s30+$0x8F0]  }
0x390: {  	v9 =	vmul.f32 v10, v9;
	v8 =	vmul.f32 v11, v8  }
0x391: {  	v63 =	vbroadcast v13, $0x0  }
0x392: {  	v6 =	vbroadcast v6, $0xF;
	v7 =	vmul.f32 v62, v7;
	v8 =	vadd.f32 v8, v9  }
0x393: {  	v5 =	vadd.s32 v5, v63  }
.Ltmp11:
0x394: {  	v6 =	vmul.f32 v14, v6;
	v7 =	vadd.f32 v7, v8;
	(pc) =	sbr.rel .LBB2_11-.Ltmp11, $3  }
0x395: {  	_ = 	snop  }
0x396: {  	v6 =	vadd.f32 v6, v7;
	_ =	sdelay $0x1  }
0x397: {  	[tilespmem:v5+s18+$0x0] =	vst.idx.msk $0xffff, v6  }
.LBB2_15:
0x398: {  	_ =	sfence.sel $0x180000  }
0x399: {  	[bflag:$0x0] =	sbarrier.arrive $0xFFFF  }
0x39a: {  	_ =	strace $0x90000047  }
0x39b: {  	s0 =	stileid.u32;
	[bflag:$0x2] =	sbarrier.arrive $0xFFFF  }
0x39c: {  	p0 =	sne.s32 s0, $0x0;
	s0 =	rddreg [dreg:$0x2]  }
0x39d: {  	s0 =	sadd.s32 @!p0 $0x100000, s0  }
0x39e: {  	[sflag:s0] =	ssyncadd.tile.s32 @!p0 $0x1;
	_ =	shalt  }
.Lfunc_end2:
_tile_overlayer_lowered:
.L_overlay_start_2:
0x39f: {  	(tag) =	ssettag $0x2  }
0x3a0: {  	s0 =	rddreg [dreg:$0x0];
	s2 =	stileid.u32  }
0x3a1: {  	s1 =	rddreg [dreg:$0x1];
	p0 =	sne.s32 s2, $0x0  }
0x3a2: {  	s3 =	rddreg [dreg:$0x2];
	[bflag:$0x3] =	sbarrier.arrive $0xFFFF;
	s2 =	simm.s32 @!p0 $0x1C03  }
0x3a3: {  	[timem:s3], [sflag:s2] =	dma.local @!p0 [hbm:s0], s1  }
0x3a4: {  	s0 =	simm.s32 @!p0 $0x3  }
0x3a5: {  	_ =	swait.ge @!p0 [sflag:s0], s1  }
0x3a6: {  	s1 =	ssub.s32 @!p0 $0x0, s1;
	[sflag:s0] =	ssyncset.done @!p0 $0x0  }
0x3a7: {  	[sflag:s0] =	ssyncadd.s32 @!p0 s1  }
0x3a8: {  	[bflag:$0x3] =	sbarrier.arrive $0xFFFF  }
0x3a9: {  	_ =	shalt  }

// kernel: sparse-core-data-format-call.cloned.1.call-start
scs
called_computation_lowered:
.L_overlay_start_0:
0x0: {  	s2 =	sld [smem:$0x3FD9]  }
0x1: {  	s3 =	sld [smem:$0x3FFE];
	_ =	sdelay $0x1  }
0x2: {  	s1 =	srdreg.scid  }
0x3: {  	s0 =	sand.u32 $0x1, s1  }
0x4: {  	s18 =	sshll.u32 s0, $0xA;
	s2 =	sadd.s32 s3, s2  }
0x5: {  	s2 =	sadd.s32 s2, s18  }
0x6: {  	[smem:$0x3FC5] =	sst s2  }
0x7: {  	_ = 	snop  }
0x8: {  	s2 =	sld [smem:$0x3FD0];
	(tm) =	ssettm $0x1  }
0x9: {  	s19 =	sld [smem:$0x3FFB];
	_ =	sdelay $0x3  }
0xa: {  	_ =	strace s19  }
0xb: {  	s3 =	sld [smem:$0x3FFC];
	_ =	sdelay $0x3  }
0xc: {  	_ =	strace s3  }
0xd: {  	s3 =	sld [smem:$0x3FFD];
	_ =	sdelay $0x3  }
0xe: {  	_ =	strace s3  }
0xf: {  	_ =	strace $0x8FFFFFFF  }
0x10: {  	s20 =	sld [smem:$0x3FDB];
	_ =	sdelay $0x1  }
0x11: {  	s4 =	simm.s32 $_scs_section_size  }
0x12: {  	s5 =	simm.s32 $_size__tile_overlayer_lowered;
	s6 =	simm.s32 $_tile_overlayer_lowered  }
0x13: {  	s23 =	simm.s32 $0x1BFF;
	s22 =	sshll.u32 s6, $0x1;
	s3 =	sadd.s32 s4, s20  }
0x14: {  	s7 =	simm.s32 $0x0;
	s21 =	sshll.u32 s5, $0x1;
	s5 =	sadd.s32 s22, s3  }
0x15: {  	[timem:s7], [sflag:s23] =	dma.local [hbm:s5], s21  }
0x16: {  	_ =	swait.ge [sflag:s23], s21  }
0x17: {  	s4 =	ssub.s32 $0x0, s21;
	[sflag:s23] =	ssyncset.done $0x0  }
0x18: {  	[sflag:s23] =	ssyncadd.s32 s4;
	_ =	sdelay $0x1  }
0x19: {  	s24 =	simm.s32 $0x1B8B  }
0x1a: {  	_ =	swait.ge [sflag:s24], $0x1  }
0x1b: {  	[sflag:s24] =	ssyncset.done $0x0  }
0x1c: {  	s26 =	simm.s32 $0x1B8E;
	s25 =	sld [smem:$0x3FFE];
	[sflag:s24] =	ssyncadd.s32 $0xFFFFFFFF  }
0x1d: {  	s27 =	simm.s32 $execute0_lowered;
	[smem:$0x3FD2] =	sst s26  }
0x1e: {  	s5 =	sshll.u32 s27, $0x1;
	_ =	strace $0x80000049;
	[dreg:$0x1] =	wrdreg $0xFFFFFFFF  }
0x1f: {  	s28 =	simm.s32 $_size_execute0_lowered;
	s3 =	sadd.s32 s3, s5;
	[dreg:$0x0] =	wrdreg $0x0  }
0x20: {  	s5 =	sshll.u32 s28, $0x1;
	[dreg:$0x2] =	wrdreg s3  }
0x21: {  	[dreg:$0x3] =	wrdreg s5  }
0x22: {  	[dreg:$0x4] =	wrdreg $0xC0  }
0x23: {  	_ =	task [dreg:s7], $0x5FFFF  }
0x24: {  	[dreg:$0x1] =	wrdreg $0xFFFFFFFF  }
0x25: {  	[dreg:$0x0] =	wrdreg $0x60  }
0x26: {  	[dreg:$0x2] =	wrdreg s25  }
0x27: {  	[dreg:$0x3] =	wrdreg s2  }
0x28: {  	[dreg:$0x4] =	wrdreg $0x9  }
0x29: {  	_ =	task.clear_ibuf [dreg:s7], $0x5FFFF;
	_ =	strace $0x90000049  }
0x2a: {  	s29 =	simm.s32 $0x9;
	_ =	strace $0x8000004B  }
0x2b: {  	_ =	swait.ge [sflag:s29], $0x1  }
0x2c: {  	[sflag:s29] =	ssyncadd.s32 $0xFFFFFFFF  }
0x2d: {  	_ =	strace $0x9000004B  }
0x2e: {  	_ =	sfence  }
0x2f: {  	s30 =	sld [smem:$0x0];
	_ =	sdelay $0x2  }
0x30: {  	s31 =	sshll.u32 s1, $0xD;
	s1 =	sshrl.u32 s1, $0x2  }
0x31: {  	s3 =	sand.u32 $0x4000, s31;
	s1 =	sadd.s32 s1, s30  }
0x32: {  	s0 =	sor.u32 s3, s0;
	s1 =	sshll.u32 s1, $0x11  }
0x33: {  	s0 =	sor.u32 s1, s0  }
0x34: {  	s0 =	sadd.s32 $0x8F2B, s0  }
0x35: {  	[sflag:s0] =	ssyncadd.remote.s32 $0x1  }
0x36: {  	_ =	sfence.sel $0xFFFF  }
0x37: {  	[dreg:$0x0] =	wrdreg $0xFFFFFFFF;
	(pc) =	sbr.abs _section_cstart, $3  }
0x38: {  	[dreg:$0x1] =	wrdreg $0xFFFFFFFF  }
0x39: {  	_ =	task.clear_ibuf [dreg:s7], $0x2FFFF;
	_ =	strace $0x9FFFFFFF  }
0x3a: {  	(tm) =	ssettm $0x7FFFFFFF  }
0x3b: {  	_ =	shalt  }
tec
execute0_lowered:
.L_overlay_start_1:
0x0: {  	(tag) =	ssettag $0x1  }
0x1: {  	s3 =	rddreg [dreg:$0x0]  }
0x2: {  	s2 =	rddreg [dreg:$0x1]  }
0x3: {  	s0 =	rddreg [dreg:$0x2];
	_ =	strace $0x8000004A;
	s1 =	stileid.u32  }
0x4: {  	s5 =	srdreg.scid;
	s6 =	simm.s32 $0x1;
	s8 =	simm.s32 $0x2  }
0x5: {  	s15 =	simm.s32 $0x0;
	s10 =	simm.s32 $0xC3800;
	s16 =	simm.s32 $0x0  }
.Ltmp0:
0x6: {  	s11 =	simm.s32 $0x0;
	s13 =	simm.s32 $0x0;
	(pc) =	sbr.rel .LBB1_1-.Ltmp0, $4  }
0x7: {  	s14 =	simm.s32 $0x0;
	s3 =	sadd.s32 $0xC00, s3;
	s4 =	sshll.u32 s1, $0x7  }
0x8: {  	s5 =	sshll.u32 s5, $0x7;
	[sflag:s6] =	ssyncpa.u1 $0x0;
	s7 =	ssub.s32 $0x18680, s4  }
0x9: {  	s5 =	sand.u32 $0x80, s5;
	[sflag:s8] =	ssyncpa.u1 $0x0;
	s7 =	sshrl.u32 s7, $0xB  }
0xa: {  	s12 =	smov.u32 s4;
	s8 =	sshll.u32 s5, $0x3;
	s9 =	sadd.s32 $0x2, s7  }
.LBB1_7:
0xb: {  	s19 =	sshrl.u32 s11, $0x3  }
0xc: {  	s20 =	sshll.u32 s13, $0x3;
	s19 =	smul.u32 $0xC3800, s19  }
0xd: {  	s20 =	sand.u32 $0xFFFFFC00, s20  }
0xe: {  	s19 =	sadd.s32 s20, s19  }
0xf: {  	s21 =	smulhi.u32 $0xA79C7B17, s19  }
0x10: {  	s26 =	sand.u32 $0x7F, s13  }
0x11: {  	p0 =	sgt.s32 s13, $0x18680;
	s22 =	smov.u32 s13;
	s21 =	sshrl.u32 s21, $0x10  }
0x12: {  	s22 =	simm.s32 @!p0 $0x18680;
	s19 =	sor.u32 s26, s19;
	s23 =	smul.u32 $0xCCCD, s21  }
0x13: {  	p0 =	sgt.s32 s11, $0x20;
	s17 =	sadd.s32 s17, s22;
	s20 =	smulhi.u32 $0xA79C7B17, s19  }
0x14: {  	s28 =	sadd.s32 $0xFFFE7980, s17;
	s17 =	ssub.s32 $0x18700, s17;
	s27 =	sshrl.u32 s23, $0x17  }
0x15: {  	s20 =	sshrl.u32 s20, $0x10;
	s23 =	smov.u32 s11;
	s22 =	smul.u32 $0xA0, s27  }
0x16: {  	p1 =	sgt.s32 s28, $0x7F;
	s20 =	smul.u32 $0x18700, s20;
	s23 =	simm.s32 @!p0 $0x20  }
0x17: {  	s17 =	simm.s32 @p1 $0x0;
	s29 =	ssub.s32 $0xA0, s23;
	s21 =	ssub.s32 s21, s22  }
0x18: {  	s19 =	ssub.s32 s19, s20;
	s17 =	smul.u32 s29, s17;
	s30 =	sand.u32 $0xFFFF, s21  }
0x19: {  	s31 =	sshrl.u32 s19, $0x3;
	s19 =	sand.u32 $0x7, s19;
	s20 =	smul.u32 $0x30E0, s30  }
0x1a: {  	s18 =	sor.u32 $0x8000, s18;
	s19 =	sshll.u32 s19, $0x12;
	s21 =	sadd.s32 s2, s31  }
0x1b: {  	s19 =	sor.u32 $0x400, s19;
	s17 =	sand.u32 $0x3FFFFFE0, s17;
	s20 =	sadd.s32 s20, s21  }
0x1c: {  	[hbm4b:s20+s19] =	stream.strided.scatter [tilespmem:s18], [sflag:$0x2], s17, s10, s19, $0x20;
	[tilespmem:$0x10100] =	vst v63  }
.LBB1_8:
0x1d: {  	p0 =	slt.u32 s14, $0x2  }
0x1e: {  	p1 =	sgt.s32 @!p0 s16, $0x18680  }
0x1f: {  	s17 =	smov.u32 s16;
	s18 =	sshra.s32 @!p0 s16, $0x1F;
	p1 =	por !p1, p0  }
0x20: {  	s16 =	sand.u32 @!p0 s18, s16;
	s17 =	simm.s32 @p1 $0x18680  }
0x21: {  	s16 =	ssub.s32 @!p0 s17, s16  }
0x22: {  	p1 =	sgt.s32 @!p0 s15, $0x20;
	s17 =	sadd.s32 @!p0 $0xFFFE7980, s16  }
0x23: {  	s18 =	sadd.s32 $0x800, s12;
	p1 =	por !p1, p0;
	p2 =	sgt.s32 @!p0 s17, $0x7F  }
0x24: {  	s15 =	simm.s32 @p1 $0x20;
	s16 =	ssub.s32 @!p0 $0x18700, s16;
	p1 =	por !p2, p0  }
0x25: {  	s15 =	ssub.s32 @!p0 $0xA0, s15;
	s16 =	simm.s32 @!p1 $0x0;
	p1 =	sgt.s32 s18, $0x1869F  }
0x26: {  	s15 =	smul.u32 @!p0 s15, s16;
	s18 =	smov.u32 @p1 s4;
	p1 =	sne.s32 s14, s9  }
.Ltmp1:
0x27: {  	s20 =	sadd.s32 $0x1, s14;
	(pc) =	sbr.rel @!p1 .LBB1_9-.Ltmp1, $4  }
0x28: {  	s17 =	simm.s32 @!p0 $0x2;
	s16 =	smov.u32 s13;
	s15 =	sand.u32 @!p0 $0x3FFFFFFF, s15  }
0x29: {  	s13 =	smov.u32 s12;
	s14 =	smov.u32 s20;
	_ =	swait.ge @!p0 [sflag:s17], s15  }
0x2a: {  	s12 =	smov.u32 s18;
	s19 =	ssub.s32 @!p0 $0x0, s15;
	[sflag:s17] =	ssyncset.done @!p0 $0x0  }
0x2b: {  	s15 =	smov.u32 s11;
	s11 =	smov.u32 s5;
	[sflag:s17] =	ssyncadd.s32 @!p0 s19  }
.LBB1_1:
0x2c: {  	p0 =	sgt.u32 s14, s7  }
0x2d: {  	s17 =	sshll.u32 @!p0 s12, $0x8  }
0x2e: {  	s18 =	sshll.u32 @!p0 s12, $0x7;
	s17 =	sand.u32 @!p0 $0xFFFFF800, s17  }
0x2f: {  	s18 =	sand.u32 @!p0 $0x300, s18;
	s17 =	sor.u32 @!p0 s8, s17  }
0x30: {  	s17 =	sor.u32 @!p0 s18, s17  }
0x31: {  	s19 =	smov.u32 s12;
	p1 =	sgt.s32 @!p0 s12, $0x18620;
	s17 =	sshrl.u32 @!p0 s17, $0x8  }
0x32: {  	s20 =	sshra.s32 @!p0 s12, $0x1F;
	p1 =	por !p1, p0;
	s18 =	smulhi.u32 @!p0 $0x14F8B59, s17  }
0x33: {  	s20 =	sand.u32 @!p0 s20, s12;
	s19 =	simm.s32 @p1 $0x18620  }
0x34: {  	s21 =	sxor.u32 @!p0 $0xFFFFFFFF, s14;
	s19 =	ssub.s32 @!p0 s19, s20;
	s18 =	sshrl.u32 @!p0 s18, $0x9  }
0x35: {  	s20 =	sshll.u32 @!p0 s21, $0xE;
	s19 =	sadd.s32 @!p0 $0xFFFE79E0, s19;
	s18 =	smul.u32 @!p0 $0x186A0, s18  }
0x36: {  	s21 =	simm.s32 @!p0 $0x800;
	s20 =	sand.u32 @!p0 $0x4000, s20;
	p1 =	sgt.s32 @!p0 s19, $0x7F  }
0x37: {  	s17 =	ssub.s32 @!p0 s17, s18;
	s18 =	sshll.u32 @!p0 s19, $0x7;
	s19 =	sshll.u32 @!p0 s12, $0x4  }
0x38: {  	p1 =	por !p1, p0;
	s18 =	ssub.s32 @!p0 $0x4000, s18;
	s19 =	sand.u32 @!p0 $0x10, s19  }
0x39: {  	s17 =	sshll.u32 @!p0 s17, $0x5;
	s18 =	sand.u32 @!p0 $0x3FFFFF80, s18;
	s19 =	sadd.s32 @!p0 s3, s19  }
0x3a: {  	s18 =	simm.s32 @!p1 $0x0;
	s17 =	sadd.s32 @!p0 s17, s19;
	s19 =	simm.s32 @!p0 $0x400  }
0x3b: {  	[tilespmem:s20], [sflag:$0x1] =	stream.strided.gather @!p0 [hbm4b:s17+s19], s18, s21, s19, $0x38;
	[tilespmem:$0x10100] =	vst v63  }
0x3c: {  	p0 =	seq.s32 s14, $0x0  }
0x3d: {  	p1 =	sge.u32 @!p0 s14, s9  }
0x3e: {  	p0 =	por p0, p1  }
.Ltmp2:
0x3f: {  	_ = 	snop;
	(pc) =	sbr.rel @p0 .LBB1_8-.Ltmp2, $1  }
0x40: {  	_ =	sdelay $0x3  }
0x41: {  	s17 =	ssub.s32 $0x0, s13  }
0x42: {  	s18 =	sshra.s32 s13, $0x1F;
	p0 =	sgt.s32 s13, $0x18620;
	s19 =	smov.u32 s13  }
0x43: {  	s17 =	sand.u32 s17, s18;
	s19 =	simm.s32 @!p0 $0x18620  }
0x44: {  	s18 =	sadd.s32 s17, s19;
	s19 =	sadd.s32 $0x80, s13  }
0x45: {  	s21 =	smov.u32 s11;
	p0 =	slt.s32 s19, $0x186A0  }
0x46: {  	s18 =	sadd.s32 $0xFFFE79E0, s18;
	s19 =	simm.s32 @!p0 $0x186A0;
	p0 =	slt.s32 s11, $0x20  }
0x47: {  	s20 =	sshll.u32 s18, $0x7;
	p1 =	sgt.s32 s18, $0x7F;
	s21 =	simm.s32 @!p0 $0x20  }
0x48: {  	s30 =	ssub.s32 $0x4000, s20;
	s19 =	ssub.s32 s19, s13;
	s31 =	ssub.s32 s21, s11  }
0x49: {  	s18 =	sand.u32 $0x3FFFFF80, s30;
	p0 =	slt.s32 s19, $0x1;
	s20 =	sadd.s32 $0x80, s31  }
0x4a: {  	s18 =	simm.s32 @p1 $0x0;
	p1 =	seq.s32 @!p0 s20, $0x0  }
0x4b: {  	p1 =	por p0, p1  }
.Ltmp3:
0x4c: {  	_ = 	snop;
	(pc) =	sbr.rel @p1 .LBB1_7-.Ltmp3, $4  }
0x4d: {  	_ = 	snop  }
0x4e: {  	_ =	swait.ge [sflag:s6], s18  }
0x4f: {  	s21 =	sand.u32 $0x1, s14;
	s18 =	ssub.s32 $0x0, s18;
	[sflag:s6] =	ssyncset.done $0x0  }
0x50: {  	[sflag:s6] =	ssyncadd.s32 s18;
	s18 =	smul.u32 $0x4080, s21  }
0x51: {  	_ = 	snop  }
0x52: {  	s21 =	sshll.u32 @!p0 s21, $0xE;
	s23 =	simm.s32 $0x0;
	s22 =	sor.u32 @!p0 $0x8000, s18  }
.LBB1_4:
0x53: {  	s24 =	sshll.u32 s23, $0x7;
	s25 =	sshrl.u32 s23, $0x4  }
0x54: {  	s27 =	sand.u32 $0x7F, s23;
	s28 =	simm.s32 $0x0;
	s26 =	sand.u32 $0x380, s24  }
0x55: {  	s29 =	simm.s32 $0x0;
	s27 =	sadd.s32 s27, s22;
	s26 =	sadd.s32 s26, s21  }
.LBB1_5:
0x56: {  	s30 =	sand.u32 $0x3C00, s28  }
0x57: {  	s30 =	sadd.s32 s24, s30  }
0x58: {  	s30 =	sand.u32 $0x3C00, s30  }
0x59: {  	s31 =	sand.u32 $0x70, s29;
	s30 =	sadd.s32 s30, s26  }
0x5a: {  	s30 =	sadd.s32 s31, s30;
	s31 =	sadd.s32 s29, s25  }
0x5b: {  	s29 =	sadd.s32 $0x10, s29;
	s31 =	sand.u32 $0x78, s31  }
0x5c: {  	v0 =	vld [tilespmem:s30+$0x0];
	p0 =	slt.u32 s29, s20;
	s30 =	smul.u32 $0x204, s31  }
.Ltmp4:
0x5d: {  	_ = 	snop;
	(pc) =	sbr.rel @p0 .LBB1_5-.Ltmp4, $4  }
0x5e: {  	_ = 	snop  }
0x5f: {  	s30 =	sshrl.u32 s30, $0x2  }
0x60: {  	s30 =	sadd.s32 s30, s27  }
0x61: {  	s28 =	sadd.s32 $0x80, s28;
	[tilespmem:s30+$0x0 ss:$0x81] =	vst.msk $0xffff, v0  }
0x62: {  	s23 =	sadd.s32 $0x1, s23  }
0x63: {  	p0 =	sne.s32 s23, s19  }
.Ltmp5:
0x64: {  	_ = 	snop;
	(pc) =	sbr.rel @p0 .LBB1_4-.Ltmp5, $4  }
.Ltmp6:
0x65: {  	_ = 	snop;
	(pc) =	sbr.rel @!p0 .LBB1_7-.Ltmp6, $4  }
0x66: {  	_ = 	snop  }
0x67: {  	_ = 	snop  }
0x68: {  	_ = 	snop  }
0x69: {  	_ = 	snop  }
.LBB1_9:
0x6a: {  	_ =	sfence.sel $0x180000  }
0x6b: {  	s2 =	simm.s32 $0x1;
	[bflag:$0x0] =	sbarrier.arrive $0xFFFF  }
0x6c: {  	s31 =	simm.s32 $0x2;
	[sflag:s2] =	ssyncpa.u1 $0x1  }
0x6d: {  	[sflag:s31] =	ssyncpa.u1 $0x1  }
0x6e: {  	p0 =	sne.s32 s1, $0x0;
	_ =	strace $0x9000004A  }
0x6f: {  	s0 =	sadd.s32 @!p0 $0x100000, s0;
	[bflag:$0x2] =	sbarrier.arrive $0xFFFF  }
0x70: {  	[sflag:s0] =	ssyncadd.tile.s32 @!p0 $0x1;
	_ =	shalt  }
.Lfunc_end1:
_tile_overlayer_lowered:
.L_overlay_start_2:
0x71: {  	(tag) =	ssettag $0x2  }
0x72: {  	s0 =	rddreg [dreg:$0x0];
	s2 =	stileid.u32  }
0x73: {  	s1 =	rddreg [dreg:$0x1];
	p0 =	sne.s32 s2, $0x0  }
0x74: {  	s3 =	rddreg [dreg:$0x2];
	[bflag:$0x3] =	sbarrier.arrive $0xFFFF;
	s2 =	simm.s32 @!p0 $0x1C01  }
0x75: {  	[timem:s3], [sflag:s2] =	dma.local @!p0 [hbm:s0], s1  }
0x76: {  	s0 =	simm.s32 @!p0 $0x1  }
0x77: {  	_ =	swait.ge @!p0 [sflag:s0], s1  }
0x78: {  	s1 =	ssub.s32 @!p0 $0x0, s1;
	[sflag:s0] =	ssyncset.done @!p0 $0x0  }
0x79: {  	[sflag:s0] =	ssyncadd.s32 @!p0 s1  }
0x7a: {  	[bflag:$0x3] =	sbarrier.arrive $0xFFFF  }
0x7b: {  	_ =	shalt  }

</sc_bundles>
